<compile_context>
chip_gen: v7x
topology: tpu7x:2x2x1
jax: 0.10.2.dev20260603
libtpu: 0.0.44.dev20260713+nightly
codegen_flags: <defaults>
</compile_context>

<pallas_src>
import jax
import jax.numpy as jnp
from jax import lax
from jax.experimental import pallas as pl
from jax.experimental.pallas import tpu as pltpu
from jax.experimental.pallas import tpu_sc as plsc

N = 100000
D = 128
LANES = 16
L = 8
NC = 2
NS = 16
NW = NC * NS
C = 16
NBUF = 3
NCHUNK = N // C
JLO = NCHUNK // NW
NHI = NCHUNK - JLO * NW
JHI = JLO + 1


def _body(tok_hbm, nid_hbm, ttab_hbm, ntab_hbm, out_hbm,
          tok_idx_v, nid_v, rows_v, nrows_v, out_v, sem_t, sem_n, sem_o):
    wid = lax.axis_index("s") * NC + lax.axis_index("c")
    my = JLO + jnp.where(wid < NHI, 1, 0)
    base_chunk = wid * JLO + jnp.minimum(wid, NHI)

    @pl.when(wid < NHI)
    def _():
        pltpu.sync_copy(
            tok_hbm.at[pl.ds(base_chunk * C * L, JHI * C * L)],
            tok_idx_v.at[pl.ds(0, JHI * C * L)])
        pltpu.sync_copy(
            nid_hbm.at[pl.ds(base_chunk * C, JHI * C)],
            nid_v.at[pl.ds(0, JHI * C)])

    @pl.when(wid >= NHI)
    def _():
        pltpu.sync_copy(
            tok_hbm.at[pl.ds(base_chunk * C * L, JLO * C * L)],
            tok_idx_v.at[pl.ds(0, JLO * C * L)])
        pltpu.sync_copy(
            nid_hbm.at[pl.ds(base_chunk * C, JLO * C)],
            nid_v.at[pl.ds(0, JLO * C)])

    def start(j, b):
        pltpu.async_copy(
            ttab_hbm.at[tok_idx_v.at[pl.ds(j * C * L, C * L)]],
            rows_v.at[b], sem_t.at[b])
        pltpu.async_copy(
            ntab_hbm.at[nid_v.at[pl.ds(j * C, C)]],
            nrows_v.at[b], sem_n.at[b])

    def drain(j, b):
        pltpu.make_async_copy(
            ttab_hbm.at[tok_idx_v.at[pl.ds(j * C * L, C * L)]],
            rows_v.at[b], sem_t.at[b]).wait()
        pltpu.make_async_copy(
            ntab_hbm.at[nid_v.at[pl.ds(j * C, C)]],
            nrows_v.at[b], sem_n.at[b]).wait()

    def drain_out(j, b):
        pltpu.make_async_copy(
            out_v.at[b], out_hbm.at[pl.ds((base_chunk + j) * C, C)],
            sem_o.at[b]).wait()

    def compute(j, b):
        @pl.when(j >= NBUF)
        def _():
            drain_out(j - NBUF, b)

        @plsc.parallel_loop(0, C, step=1, unroll=2)
        def row(r):
            base = r * L
            for h in range(D // LANES):
                sl = pl.ds(h * LANES, LANES)
                t0 = rows_v[b, base + 0, sl] + rows_v[b, base + 1, sl]
                t1 = rows_v[b, base + 2, sl] + rows_v[b, base + 3, sl]
                t2 = rows_v[b, base + 4, sl] + rows_v[b, base + 5, sl]
                t3 = rows_v[b, base + 6, sl] + rows_v[b, base + 7, sl]
                out_v[b, r, sl] = (t0 + t1) + ((t2 + t3) + nrows_v[b, r, sl])

        pltpu.async_copy(
            out_v.at[b], out_hbm.at[pl.ds((base_chunk + j) * C, C)],
            sem_o.at[b])

    for b in range(NBUF - 1):
        start(b, b)

    def step(j, carry):
        b = lax.rem(j, NBUF)

        @pl.when(j + NBUF - 1 < my)
        def _():
            start(j + NBUF - 1, lax.rem(j + NBUF - 1, NBUF))

        drain(j, b)
        compute(j, b)
        return carry

    lax.fori_loop(0, my, step, 0)

    def tail(k, carry):
        j = my - NBUF + k
        drain_out(j, lax.rem(j, NBUF))
        return carry

    lax.fori_loop(0, NBUF, tail, 0)


@jax.jit
def _embed(tokens_flat, nids, ttab, ntab):
    mesh = plsc.VectorSubcoreMesh(core_axis_name="c", subcore_axis_name="s")
    f = pl.kernel(
        _body,
        out_type=jax.ShapeDtypeStruct((N, D), jnp.float32),
        mesh=mesh,
        compiler_params=pltpu.CompilerParams(use_tc_tiling_on_sc=False),
        scratch_types=[
            pltpu.VMEM((JHI * C * L,), jnp.int32),
            pltpu.VMEM((JHI * C,), jnp.int32),
            pltpu.VMEM((NBUF, C * L, D), jnp.float32),
            pltpu.VMEM((NBUF, C, D), jnp.float32),
            pltpu.VMEM((NBUF, C, D), jnp.float32),
            pltpu.SemaphoreType.DMA((NBUF,)),
            pltpu.SemaphoreType.DMA((NBUF,)),
            pltpu.SemaphoreType.DMA((NBUF,)),
        ],
    )
    return f(tokens_flat, nids, ttab, ntab)


def kernel(tokens, node_ids, token_table, node_table):
    return _embed(tokens.reshape(-1), node_ids, token_table, node_table)

# --- scband reference (transcript-rebuilt; emitter-appended) ---
"""Pipeline reference for scband-node-embedding-49649821942273 (READ-ONLY COPY).

The authoritative reference and input builder live on the scoring server;
editing this copy changes nothing except your own understanding.
"""

import jax, jax.numpy as jnp
import numpy as np

N = 100000
L = 8
D = 128
TOKEN_VOCAB = 100000
NODE_VOCAB = 1000
PAD = 0


def setup_inputs(seed: int = 0) -> dict:
    key = jax.random.key(seed)
    k1, k2, k3, k4 = jax.random.split(key, 4)
    tokens = jax.random.randint(k1, (N, L), 0, TOKEN_VOCAB, dtype=jnp.int32)
    node_ids = jax.random.randint(k2, (N,), 0, NODE_VOCAB, dtype=jnp.int32)
    token_table = jax.random.normal(k3, (TOKEN_VOCAB, D), dtype=jnp.float32) * 0.02
    node_table = jax.random.normal(k4, (NODE_VOCAB, D), dtype=jnp.float32) * 0.02
    # nn.Embedding(padding_idx=PAD) initializes the pad row to zeros
    token_table = token_table.at[PAD].set(0.0)
    node_table = node_table.at[PAD].set(0.0)
    return {
        "tokens": tokens,
        "node_ids": node_ids,
        "token_table": token_table,
        "node_table": node_table,
    }


def reference(tokens, node_ids, token_table, node_table):
    # token_embedding = self._token_embedding(graph.ndata[TOKEN]).sum(1)
    token_embedding = jnp.take(token_table, tokens, axis=0).sum(axis=1)
    # node_embedding = self._node_embedding(graph.ndata[NODE])
    node_embedding = jnp.take(node_table, node_ids, axis=0)
    return token_embedding + node_embedding

if __name__ == "__main__":
    import jax
    _d = setup_inputs()
    print(jax.jit(kernel)(*tuple(_d.values())))

</pallas_src>

<mosaic_0001>
#map = affine_map<(d0, d1) -> (0)>
#map1 = affine_map<(d0, d1) -> (0, 0)>
module attributes {stable_mosaic.version = 14 : i64} {
  func.func @_body(%arg0: i32, %arg1: i32, %arg2: memref<800000xi32, #tpu.memory_space<hbm>>, %arg3: memref<100000xi32, #tpu.memory_space<hbm>>, %arg4: memref<100000x128xf32, #tpu.memory_space<hbm>>, %arg5: memref<1000x128xf32, #tpu.memory_space<hbm>>, %arg6: memref<100000x128xf32, #tpu.memory_space<hbm>>, %arg7: memref<25088xi32, #tpu.memory_space<vmem>>, %arg8: memref<3136xi32, #tpu.memory_space<vmem>>, %arg9: memref<3x128x128xf32, #tpu.memory_space<vmem>>, %arg10: memref<3x16x128xf32, #tpu.memory_space<vmem>>, %arg11: memref<3x16x128xf32, #tpu.memory_space<vmem>>, %arg12: memref<3x!tpu.dma_semaphore, #tpu.memory_space<semaphore_mem>>, %arg13: memref<3x!tpu.dma_semaphore, #tpu.memory_space<semaphore_mem>>, %arg14: memref<3x!tpu.dma_semaphore, #tpu.memory_space<semaphore_mem>>) attributes {dimension_semantics = [#tpu.dimension_semantics<core_parallel>, #tpu.dimension_semantics<subcore_parallel>], iteration_bounds = array<i64: 2, 16>, scalar_prefetch = 0 : i64, scratch_operands = 8 : i64, tpu.core_type = #tpu.core_type<sc_vector_subcore>, window_params = [{transform_indices = #map}, {transform_indices = #map}, {transform_indices = #map1}, {transform_indices = #map1}, {transform_indices = #map1}]} {
    %mul3A = arith.constant 2 : i32
    %mul3A_0 = arith.muli %arg1, %mul3A : i32
    %add3A = arith.addi %mul3A_0, %arg0 : i32
    %lt3A = arith.constant 10 : i32
    %lt3A_1 = arith.cmpi slt, %add3A, %lt3A : i32
    %jit3A = arith.constant 1 : i32
    %jit3A_2 = arith.constant 0 : i32
    %select_n3A = arith.select %lt3A_1, %jit3A, %jit3A_2 : i32
    %add3A_3 = arith.constant 195 : i32
    %add3A_4 = arith.addi %add3A_3, %select_n3A : i32
    %mul3A_5 = arith.constant 195 : i32
    %mul3A_6 = arith.muli %add3A, %mul3A_5 : i32
    %min3A = arith.constant 10 : i32
    %min3A_7 = arith.minsi %add3A, %min3A : i32
    %add3A_8 = arith.addi %mul3A_6, %min3A_7 : i32
    %lt3A_9 = arith.constant 10 : i32
    %lt3A_10 = arith.cmpi slt, %add3A, %lt3A_9 : i32
    %convert_element_type3A = arith.extui %lt3A_10 : i1 to i32
    %cond3A = arith.constant 0 : i32
    %cond3A_11 = arith.cmpi ne, %convert_element_type3A, %cond3A : i32
    scf.if %cond3A_11 {
      %mul3A_81 = arith.constant 16 : i32
      %mul3A_82 = arith.muli %add3A_8, %mul3A_81 : i32
      %mul3A_83 = arith.constant 8 : i32
      %mul3A_84 = arith.muli %mul3A_82, %mul3A_83 : i32
      "tpu.region"() ({
        %run_scoped3A = tpu.sem_alloc : memref<!tpu.dma_semaphore, #tpu.memory_space<semaphore_mem>>
        %dma_start3A_87 = arith.constant 0 : i32
        %dma_start3A_88 = tpu.memref_slice %arg7[%dma_start3A_87] : memref<25088xi32, #tpu.memory_space<vmem>> -> memref<25088xi32, #tpu.memory_space<vmem>>
        %dma_start3A_89 = tpu.memref_slice %arg2[%mul3A_84] : memref<800000xi32, #tpu.memory_space<hbm>> -> memref<25088xi32, #tpu.memory_space<hbm>>
        %dma_start3A_90 = arith.constant 0 : i32
        %dma_start3A_91 = tpu.memref_slice %arg7[%dma_start3A_90] : memref<25088xi32, #tpu.memory_space<vmem>> -> memref<25088xi32, #tpu.memory_space<vmem>>
        %dma_start3A_92 = tpu.memref_slice %arg2[%mul3A_84] : memref<800000xi32, #tpu.memory_space<hbm>> -> memref<25088xi32, #tpu.memory_space<hbm>>
        tpu.enqueue_dma source(%dma_start3A_92 : memref<25088xi32, #tpu.memory_space<hbm>>) target(%dma_start3A_91 : memref<25088xi32, #tpu.memory_space<vmem>>) target_semaphore(%run_scoped3A : memref<!tpu.dma_semaphore, #tpu.memory_space<semaphore_mem>>)
        %dma_wait3A = arith.constant 0 : i32
        %dma_wait3A_93 = tpu.memref_slice %arg7[%dma_wait3A] : memref<25088xi32, #tpu.memory_space<vmem>> -> memref<25088xi32, #tpu.memory_space<vmem>>
        %dma_wait3A_94 = tpu.memref_slice %arg2[%mul3A_84] : memref<800000xi32, #tpu.memory_space<hbm>> -> memref<25088xi32, #tpu.memory_space<hbm>>
        %dma_wait3A_95 = arith.constant 0 : i32
        %dma_wait3A_96 = tpu.memref_slice %arg7[%dma_wait3A_95] : memref<25088xi32, #tpu.memory_space<vmem>> -> memref<25088xi32, #tpu.memory_space<vmem>>
        %dma_wait3A_97 = tpu.memref_slice %arg2[%mul3A_84] : memref<800000xi32, #tpu.memory_space<hbm>> -> memref<25088xi32, #tpu.memory_space<hbm>>
        tpu.wait_dma2 semaphore(%run_scoped3A : memref<!tpu.dma_semaphore, #tpu.memory_space<semaphore_mem>>) src(%dma_wait3A_97 : memref<25088xi32, #tpu.memory_space<hbm>>) dst(%dma_wait3A_96 : memref<25088xi32, #tpu.memory_space<vmem>>)
        tpu.yield
      }) : () -> ()
      %mul3A_85 = arith.constant 16 : i32
      %mul3A_86 = arith.muli %add3A_8, %mul3A_85 : i32
      "tpu.region"() ({
        %run_scoped3A = tpu.sem_alloc : memref<!tpu.dma_semaphore, #tpu.memory_space<semaphore_mem>>
        %dma_start3A_87 = arith.constant 0 : i32
        %dma_start3A_88 = tpu.memref_slice %arg8[%dma_start3A_87] : memref<3136xi32, #tpu.memory_space<vmem>> -> memref<3136xi32, #tpu.memory_space<vmem>>
        %dma_start3A_89 = tpu.memref_slice %arg3[%mul3A_86] : memref<100000xi32, #tpu.memory_space<hbm>> -> memref<3136xi32, #tpu.memory_space<hbm>>
        %dma_start3A_90 = arith.constant 0 : i32
        %dma_start3A_91 = tpu.memref_slice %arg8[%dma_start3A_90] : memref<3136xi32, #tpu.memory_space<vmem>> -> memref<3136xi32, #tpu.memory_space<vmem>>
        %dma_start3A_92 = tpu.memref_slice %arg3[%mul3A_86] : memref<100000xi32, #tpu.memory_space<hbm>> -> memref<3136xi32, #tpu.memory_space<hbm>>
        tpu.enqueue_dma source(%dma_start3A_92 : memref<3136xi32, #tpu.memory_space<hbm>>) target(%dma_start3A_91 : memref<3136xi32, #tpu.memory_space<vmem>>) target_semaphore(%run_scoped3A : memref<!tpu.dma_semaphore, #tpu.memory_space<semaphore_mem>>)
        %dma_wait3A = arith.constant 0 : i32
        %dma_wait3A_93 = tpu.memref_slice %arg8[%dma_wait3A] : memref<3136xi32, #tpu.memory_space<vmem>> -> memref<3136xi32, #tpu.memory_space<vmem>>
        %dma_wait3A_94 = tpu.memref_slice %arg3[%mul3A_86] : memref<100000xi32, #tpu.memory_space<hbm>> -> memref<3136xi32, #tpu.memory_space<hbm>>
        %dma_wait3A_95 = arith.constant 0 : i32
        %dma_wait3A_96 = tpu.memref_slice %arg8[%dma_wait3A_95] : memref<3136xi32, #tpu.memory_space<vmem>> -> memref<3136xi32, #tpu.memory_space<vmem>>
        %dma_wait3A_97 = tpu.memref_slice %arg3[%mul3A_86] : memref<100000xi32, #tpu.memory_space<hbm>> -> memref<3136xi32, #tpu.memory_space<hbm>>
        tpu.wait_dma2 semaphore(%run_scoped3A : memref<!tpu.dma_semaphore, #tpu.memory_space<semaphore_mem>>) src(%dma_wait3A_97 : memref<3136xi32, #tpu.memory_space<hbm>>) dst(%dma_wait3A_96 : memref<3136xi32, #tpu.memory_space<vmem>>)
        tpu.yield
      }) : () -> ()
    } else {
    }
    %ge3A = arith.constant 10 : i32
    %ge3A_12 = arith.cmpi sge, %add3A, %ge3A : i32
    %convert_element_type3A_13 = arith.extui %ge3A_12 : i1 to i32
    %cond3A_14 = arith.constant 0 : i32
    %cond3A_15 = arith.cmpi ne, %convert_element_type3A_13, %cond3A_14 : i32
    scf.if %cond3A_15 {
      %mul3A_81 = arith.constant 16 : i32
      %mul3A_82 = arith.muli %add3A_8, %mul3A_81 : i32
      %mul3A_83 = arith.constant 8 : i32
      %mul3A_84 = arith.muli %mul3A_82, %mul3A_83 : i32
      "tpu.region"() ({
        %run_scoped3A = tpu.sem_alloc : memref<!tpu.dma_semaphore, #tpu.memory_space<semaphore_mem>>
        %dma_start3A_87 = arith.constant 0 : i32
        %dma_start3A_88 = tpu.memref_slice %arg7[%dma_start3A_87] : memref<25088xi32, #tpu.memory_space<vmem>> -> memref<24960xi32, #tpu.memory_space<vmem>>
        %dma_start3A_89 = tpu.memref_slice %arg2[%mul3A_84] : memref<800000xi32, #tpu.memory_space<hbm>> -> memref<24960xi32, #tpu.memory_space<hbm>>
        %dma_start3A_90 = arith.constant 0 : i32
        %dma_start3A_91 = tpu.memref_slice %arg7[%dma_start3A_90] : memref<25088xi32, #tpu.memory_space<vmem>> -> memref<24960xi32, #tpu.memory_space<vmem>>
        %dma_start3A_92 = tpu.memref_slice %arg2[%mul3A_84] : memref<800000xi32, #tpu.memory_space<hbm>> -> memref<24960xi32, #tpu.memory_space<hbm>>
        tpu.enqueue_dma source(%dma_start3A_92 : memref<24960xi32, #tpu.memory_space<hbm>>) target(%dma_start3A_91 : memref<24960xi32, #tpu.memory_space<vmem>>) target_semaphore(%run_scoped3A : memref<!tpu.dma_semaphore, #tpu.memory_space<semaphore_mem>>)
        %dma_wait3A = arith.constant 0 : i32
        %dma_wait3A_93 = tpu.memref_slice %arg7[%dma_wait3A] : memref<25088xi32, #tpu.memory_space<vmem>> -> memref<24960xi32, #tpu.memory_space<vmem>>
        %dma_wait3A_94 = tpu.memref_slice %arg2[%mul3A_84] : memref<800000xi32, #tpu.memory_space<hbm>> -> memref<24960xi32, #tpu.memory_space<hbm>>
        %dma_wait3A_95 = arith.constant 0 : i32
        %dma_wait3A_96 = tpu.memref_slice %arg7[%dma_wait3A_95] : memref<25088xi32, #tpu.memory_space<vmem>> -> memref<24960xi32, #tpu.memory_space<vmem>>
        %dma_wait3A_97 = tpu.memref_slice %arg2[%mul3A_84] : memref<800000xi32, #tpu.memory_space<hbm>> -> memref<24960xi32, #tpu.memory_space<hbm>>
        tpu.wait_dma2 semaphore(%run_scoped3A : memref<!tpu.dma_semaphore, #tpu.memory_space<semaphore_mem>>) src(%dma_wait3A_97 : memref<24960xi32, #tpu.memory_space<hbm>>) dst(%dma_wait3A_96 : memref<24960xi32, #tpu.memory_space<vmem>>)
        tpu.yield
      }) : () -> ()
      %mul3A_85 = arith.constant 16 : i32
      %mul3A_86 = arith.muli %add3A_8, %mul3A_85 : i32
      "tpu.region"() ({
        %run_scoped3A = tpu.sem_alloc : memref<!tpu.dma_semaphore, #tpu.memory_space<semaphore_mem>>
        %dma_start3A_87 = arith.constant 0 : i32
        %dma_start3A_88 = tpu.memref_slice %arg8[%dma_start3A_87] : memref<3136xi32, #tpu.memory_space<vmem>> -> memref<3120xi32, #tpu.memory_space<vmem>>
        %dma_start3A_89 = tpu.memref_slice %arg3[%mul3A_86] : memref<100000xi32, #tpu.memory_space<hbm>> -> memref<3120xi32, #tpu.memory_space<hbm>>
        %dma_start3A_90 = arith.constant 0 : i32
        %dma_start3A_91 = tpu.memref_slice %arg8[%dma_start3A_90] : memref<3136xi32, #tpu.memory_space<vmem>> -> memref<3120xi32, #tpu.memory_space<vmem>>
        %dma_start3A_92 = tpu.memref_slice %arg3[%mul3A_86] : memref<100000xi32, #tpu.memory_space<hbm>> -> memref<3120xi32, #tpu.memory_space<hbm>>
        tpu.enqueue_dma source(%dma_start3A_92 : memref<3120xi32, #tpu.memory_space<hbm>>) target(%dma_start3A_91 : memref<3120xi32, #tpu.memory_space<vmem>>) target_semaphore(%run_scoped3A : memref<!tpu.dma_semaphore, #tpu.memory_space<semaphore_mem>>)
        %dma_wait3A = arith.constant 0 : i32
        %dma_wait3A_93 = tpu.memref_slice %arg8[%dma_wait3A] : memref<3136xi32, #tpu.memory_space<vmem>> -> memref<3120xi32, #tpu.memory_space<vmem>>
        %dma_wait3A_94 = tpu.memref_slice %arg3[%mul3A_86] : memref<100000xi32, #tpu.memory_space<hbm>> -> memref<3120xi32, #tpu.memory_space<hbm>>
        %dma_wait3A_95 = arith.constant 0 : i32
        %dma_wait3A_96 = tpu.memref_slice %arg8[%dma_wait3A_95] : memref<3136xi32, #tpu.memory_space<vmem>> -> memref<3120xi32, #tpu.memory_space<vmem>>
        %dma_wait3A_97 = tpu.memref_slice %arg3[%mul3A_86] : memref<100000xi32, #tpu.memory_space<hbm>> -> memref<3120xi32, #tpu.memory_space<hbm>>
        tpu.wait_dma2 semaphore(%run_scoped3A : memref<!tpu.dma_semaphore, #tpu.memory_space<semaphore_mem>>) src(%dma_wait3A_97 : memref<3120xi32, #tpu.memory_space<hbm>>) dst(%dma_wait3A_96 : memref<3120xi32, #tpu.memory_space<vmem>>)
        tpu.yield
      }) : () -> ()
    } else {
    }
    %dma_start3A = arith.constant 0 : i32
    %dma_start3A_16 = arith.constant 0 : i32
    %dma_start3A_17 = arith.constant 0 : i32
    %dma_start3A_18 = arith.constant 0 : i32
    %dma_start3A_19 = tpu.memref_slice %arg9[%dma_start3A, %dma_start3A_17, %dma_start3A_18] : memref<3x128x128xf32, #tpu.memory_space<vmem>> -> memref<1x128x128xf32, #tpu.memory_space<vmem>>
    %dma_start3A_20 = tpu.memref_squeeze %dma_start3A_19 : memref<1x128x128xf32, #tpu.memory_space<vmem>> -> memref<128x128xf32, #tpu.memory_space<vmem>>
    %dma_start3A_21 = arith.constant 0 : i32
    %dma_start3A_22 = tpu.memref_slice %arg7[%dma_start3A_21] : memref<25088xi32, #tpu.memory_space<vmem>> -> memref<128xi32, #tpu.memory_space<vmem>>
    %dma_start3A_23 = arith.constant 0 : i32
    %dma_start3A_24 = arith.constant 0 : i32
    %dma_start3A_25 = tpu.memref_slice %arg4[%dma_start3A_23, %dma_start3A_24] : memref<100000x128xf32, #tpu.memory_space<hbm>> -> memref<100000x128xf32, #tpu.memory_space<hbm>>
    %dma_start3A_26 = tpu.memref_slice %arg12[%dma_start3A_16] : memref<3x!tpu.dma_semaphore, #tpu.memory_space<semaphore_mem>> -> memref<1x!tpu.dma_semaphore, #tpu.memory_space<semaphore_mem>>
    %dma_start3A_27 = tpu.memref_squeeze %dma_start3A_26 : memref<1x!tpu.dma_semaphore, #tpu.memory_space<semaphore_mem>> -> memref<!tpu.dma_semaphore, #tpu.memory_space<semaphore_mem>>
    tpu.enqueue_indirect_dma source(%dma_start3A_25 : memref<100000x128xf32, #tpu.memory_space<hbm>>) target(%dma_start3A_20 : memref<128x128xf32, #tpu.memory_space<vmem>>) offsets(%dma_start3A_22 : memref<128xi32, #tpu.memory_space<vmem>>) semaphore(%dma_start3A_27 : memref<!tpu.dma_semaphore, #tpu.memory_space<semaphore_mem>>)
    %dma_start3A_28 = arith.constant 0 : i32
    %dma_start3A_29 = arith.constant 0 : i32
    %dma_start3A_30 = arith.constant 0 : i32
    %dma_start3A_31 = arith.constant 0 : i32
    %dma_start3A_32 = tpu.memref_slice %arg10[%dma_start3A_28, %dma_start3A_30, %dma_start3A_31] : memref<3x16x128xf32, #tpu.memory_space<vmem>> -> memref<1x16x128xf32, #tpu.memory_space<vmem>>
    %dma_start3A_33 = tpu.memref_squeeze %dma_start3A_32 : memref<1x16x128xf32, #tpu.memory_space<vmem>> -> memref<16x128xf32, #tpu.memory_space<vmem>>
    %dma_start3A_34 = arith.constant 0 : i32
    %dma_start3A_35 = tpu.memref_slice %arg8[%dma_start3A_34] : memref<3136xi32, #tpu.memory_space<vmem>> -> memref<16xi32, #tpu.memory_space<vmem>>
    %dma_start3A_36 = arith.constant 0 : i32
    %dma_start3A_37 = arith.constant 0 : i32
    %dma_start3A_38 = tpu.memref_slice %arg5[%dma_start3A_36, %dma_start3A_37] : memref<1000x128xf32, #tpu.memory_space<hbm>> -> memref<1000x128xf32, #tpu.memory_space<hbm>>
    %dma_start3A_39 = tpu.memref_slice %arg13[%dma_start3A_29] : memref<3x!tpu.dma_semaphore, #tpu.memory_space<semaphore_mem>> -> memref<1x!tpu.dma_semaphore, #tpu.memory_space<semaphore_mem>>
    %dma_start3A_40 = tpu.memref_squeeze %dma_start3A_39 : memref<1x!tpu.dma_semaphore, #tpu.memory_space<semaphore_mem>> -> memref<!tpu.dma_semaphore, #tpu.memory_space<semaphore_mem>>
    tpu.enqueue_indirect_dma source(%dma_start3A_38 : memref<1000x128xf32, #tpu.memory_space<hbm>>) target(%dma_start3A_33 : memref<16x128xf32, #tpu.memory_space<vmem>>) offsets(%dma_start3A_35 : memref<16xi32, #tpu.memory_space<vmem>>) semaphore(%dma_start3A_40 : memref<!tpu.dma_semaphore, #tpu.memory_space<semaphore_mem>>)
    %dma_start3A_41 = arith.constant 1 : i32
    %dma_start3A_42 = arith.constant 1 : i32
    %dma_start3A_43 = arith.constant 0 : i32
    %dma_start3A_44 = arith.constant 0 : i32
    %dma_start3A_45 = tpu.memref_slice %arg9[%dma_start3A_41, %dma_start3A_43, %dma_start3A_44] : memref<3x128x128xf32, #tpu.memory_space<vmem>> -> memref<1x128x128xf32, #tpu.memory_space<vmem>>
    %dma_start3A_46 = tpu.memref_squeeze %dma_start3A_45 : memref<1x128x128xf32, #tpu.memory_space<vmem>> -> memref<128x128xf32, #tpu.memory_space<vmem>>
    %dma_start3A_47 = arith.constant 128 : i32
    %dma_start3A_48 = tpu.memref_slice %arg7[%dma_start3A_47] : memref<25088xi32, #tpu.memory_space<vmem>> -> memref<128xi32, #tpu.memory_space<vmem>>
    %dma_start3A_49 = arith.constant 0 : i32
    %dma_start3A_50 = arith.constant 0 : i32
    %dma_start3A_51 = tpu.memref_slice %arg4[%dma_start3A_49, %dma_start3A_50] : memref<100000x128xf32, #tpu.memory_space<hbm>> -> memref<100000x128xf32, #tpu.memory_space<hbm>>
    %dma_start3A_52 = tpu.memref_slice %arg12[%dma_start3A_42] : memref<3x!tpu.dma_semaphore, #tpu.memory_space<semaphore_mem>> -> memref<1x!tpu.dma_semaphore, #tpu.memory_space<semaphore_mem>>
    %dma_start3A_53 = tpu.memref_squeeze %dma_start3A_52 : memref<1x!tpu.dma_semaphore, #tpu.memory_space<semaphore_mem>> -> memref<!tpu.dma_semaphore, #tpu.memory_space<semaphore_mem>>
    tpu.enqueue_indirect_dma source(%dma_start3A_51 : memref<100000x128xf32, #tpu.memory_space<hbm>>) target(%dma_start3A_46 : memref<128x128xf32, #tpu.memory_space<vmem>>) offsets(%dma_start3A_48 : memref<128xi32, #tpu.memory_space<vmem>>) semaphore(%dma_start3A_53 : memref<!tpu.dma_semaphore, #tpu.memory_space<semaphore_mem>>)
    %dma_start3A_54 = arith.constant 1 : i32
    %dma_start3A_55 = arith.constant 1 : i32
    %dma_start3A_56 = arith.constant 0 : i32
    %dma_start3A_57 = arith.constant 0 : i32
    %dma_start3A_58 = tpu.memref_slice %arg10[%dma_start3A_54, %dma_start3A_56, %dma_start3A_57] : memref<3x16x128xf32, #tpu.memory_space<vmem>> -> memref<1x16x128xf32, #tpu.memory_space<vmem>>
    %dma_start3A_59 = tpu.memref_squeeze %dma_start3A_58 : memref<1x16x128xf32, #tpu.memory_space<vmem>> -> memref<16x128xf32, #tpu.memory_space<vmem>>
    %dma_start3A_60 = arith.constant 16 : i32
    %dma_start3A_61 = tpu.memref_slice %arg8[%dma_start3A_60] : memref<3136xi32, #tpu.memory_space<vmem>> -> memref<16xi32, #tpu.memory_space<vmem>>
    %dma_start3A_62 = arith.constant 0 : i32
    %dma_start3A_63 = arith.constant 0 : i32
    %dma_start3A_64 = tpu.memref_slice %arg5[%dma_start3A_62, %dma_start3A_63] : memref<1000x128xf32, #tpu.memory_space<hbm>> -> memref<1000x128xf32, #tpu.memory_space<hbm>>
    %dma_start3A_65 = tpu.memref_slice %arg13[%dma_start3A_55] : memref<3x!tpu.dma_semaphore, #tpu.memory_space<semaphore_mem>> -> memref<1x!tpu.dma_semaphore, #tpu.memory_space<semaphore_mem>>
    %dma_start3A_66 = tpu.memref_squeeze %dma_start3A_65 : memref<1x!tpu.dma_semaphore, #tpu.memory_space<semaphore_mem>> -> memref<!tpu.dma_semaphore, #tpu.memory_space<semaphore_mem>>
    tpu.enqueue_indirect_dma source(%dma_start3A_64 : memref<1000x128xf32, #tpu.memory_space<hbm>>) target(%dma_start3A_59 : memref<16x128xf32, #tpu.memory_space<vmem>>) offsets(%dma_start3A_61 : memref<16xi32, #tpu.memory_space<vmem>>) semaphore(%dma_start3A_66 : memref<!tpu.dma_semaphore, #tpu.memory_space<semaphore_mem>>)
    %while3A = arith.constant 0 : i32
    %while3A_67 = arith.constant 0 : i32
    %while3A_68 = arith.subi %add3A_4, %while3A_67 : i32
    %while3A_69 = arith.addi %while3A_67, %while3A_68 : i32
    %while3A_70 = arith.constant 1 : i32
    %while3A_71 = arith.divsi %while3A_68, %while3A_70 : i32
    %while3A_72 = arith.muli %while3A_71, %while3A_70 : i32
    %while3A_73 = arith.addi %while3A_67, %while3A_72 : i32
    %while3A_74 = arith.constant 1 : i32
    scf.for %while3A_81 = %while3A_67 to %while3A_73 step %while3A_74  : i32 {
      %rem3A = arith.constant 3 : i32
      %rem3A_82 = arith.remsi %while3A_81, %rem3A : i32
      %add3A_83 = arith.constant 3 : i32
      %add3A_84 = arith.addi %while3A_81, %add3A_83 : i32
      %sub3A = arith.constant 1 : i32
      %sub3A_85 = arith.subi %add3A_84, %sub3A : i32
      %lt3A_86 = arith.cmpi slt, %sub3A_85, %add3A_4 : i32
      %convert_element_type3A_87 = arith.extui %lt3A_86 : i1 to i32
      %cond3A_88 = arith.constant 0 : i32
      %cond3A_89 = arith.cmpi ne, %convert_element_type3A_87, %cond3A_88 : i32
      scf.if %cond3A_89 {
        %add3A_139 = arith.constant 3 : i32
        %add3A_140 = arith.addi %while3A_81, %add3A_139 : i32
        %sub3A_141 = arith.constant 1 : i32
        %sub3A_142 = arith.subi %add3A_140, %sub3A_141 : i32
        %add3A_143 = arith.constant 3 : i32
        %add3A_144 = arith.addi %while3A_81, %add3A_143 : i32
        %sub3A_145 = arith.constant 1 : i32
        %sub3A_146 = arith.subi %add3A_144, %sub3A_145 : i32
        %rem3A_147 = arith.constant 3 : i32
        %rem3A_148 = arith.remsi %sub3A_146, %rem3A_147 : i32
        %mul3A_149 = arith.constant 16 : i32
        %mul3A_150 = arith.muli %sub3A_142, %mul3A_149 : i32
        %mul3A_151 = arith.constant 8 : i32
        %mul3A_152 = arith.muli %mul3A_150, %mul3A_151 : i32
        %dma_start3A_153 = arith.constant 0 : i32
        %dma_start3A_154 = arith.constant 0 : i32
        %dma_start3A_155 = tpu.memref_slice %arg9[%rem3A_148, %dma_start3A_153, %dma_start3A_154] : memref<3x128x128xf32, #tpu.memory_space<vmem>> -> memref<1x128x128xf32, #tpu.memory_space<vmem>>
        %dma_start3A_156 = tpu.memref_squeeze %dma_start3A_155 : memref<1x128x128xf32, #tpu.memory_space<vmem>> -> memref<128x128xf32, #tpu.memory_space<vmem>>
        %dma_start3A_157 = tpu.memref_slice %arg7[%mul3A_152] : memref<25088xi32, #tpu.memory_space<vmem>> -> memref<128xi32, #tpu.memory_space<vmem>>
        %dma_start3A_158 = arith.constant 0 : i32
        %dma_start3A_159 = arith.constant 0 : i32
        %dma_start3A_160 = tpu.memref_slice %arg4[%dma_start3A_158, %dma_start3A_159] : memref<100000x128xf32, #tpu.memory_space<hbm>> -> memref<100000x128xf32, #tpu.memory_space<hbm>>
        %dma_start3A_161 = tpu.memref_slice %arg12[%rem3A_148] : memref<3x!tpu.dma_semaphore, #tpu.memory_space<semaphore_mem>> -> memref<1x!tpu.dma_semaphore, #tpu.memory_space<semaphore_mem>>
        %dma_start3A_162 = tpu.memref_squeeze %dma_start3A_161 : memref<1x!tpu.dma_semaphore, #tpu.memory_space<semaphore_mem>> -> memref<!tpu.dma_semaphore, #tpu.memory_space<semaphore_mem>>
        tpu.enqueue_indirect_dma source(%dma_start3A_160 : memref<100000x128xf32, #tpu.memory_space<hbm>>) target(%dma_start3A_156 : memref<128x128xf32, #tpu.memory_space<vmem>>) offsets(%dma_start3A_157 : memref<128xi32, #tpu.memory_space<vmem>>) semaphore(%dma_start3A_162 : memref<!tpu.dma_semaphore, #tpu.memory_space<semaphore_mem>>)
        %mul3A_163 = arith.constant 16 : i32
        %mul3A_164 = arith.muli %sub3A_142, %mul3A_163 : i32
        %dma_start3A_165 = arith.constant 0 : i32
        %dma_start3A_166 = arith.constant 0 : i32
        %dma_start3A_167 = tpu.memref_slice %arg10[%rem3A_148, %dma_start3A_165, %dma_start3A_166] : memref<3x16x128xf32, #tpu.memory_space<vmem>> -> memref<1x16x128xf32, #tpu.memory_space<vmem>>
        %dma_start3A_168 = tpu.memref_squeeze %dma_start3A_167 : memref<1x16x128xf32, #tpu.memory_space<vmem>> -> memref<16x128xf32, #tpu.memory_space<vmem>>
        %dma_start3A_169 = tpu.memref_slice %arg8[%mul3A_164] : memref<3136xi32, #tpu.memory_space<vmem>> -> memref<16xi32, #tpu.memory_space<vmem>>
        %dma_start3A_170 = arith.constant 0 : i32
        %dma_start3A_171 = arith.constant 0 : i32
        %dma_start3A_172 = tpu.memref_slice %arg5[%dma_start3A_170, %dma_start3A_171] : memref<1000x128xf32, #tpu.memory_space<hbm>> -> memref<1000x128xf32, #tpu.memory_space<hbm>>
        %dma_start3A_173 = tpu.memref_slice %arg13[%rem3A_148] : memref<3x!tpu.dma_semaphore, #tpu.memory_space<semaphore_mem>> -> memref<1x!tpu.dma_semaphore, #tpu.memory_space<semaphore_mem>>
        %dma_start3A_174 = tpu.memref_squeeze %dma_start3A_173 : memref<1x!tpu.dma_semaphore, #tpu.memory_space<semaphore_mem>> -> memref<!tpu.dma_semaphore, #tpu.memory_space<semaphore_mem>>
        tpu.enqueue_indirect_dma source(%dma_start3A_172 : memref<1000x128xf32, #tpu.memory_space<hbm>>) target(%dma_start3A_168 : memref<16x128xf32, #tpu.memory_space<vmem>>) offsets(%dma_start3A_169 : memref<16xi32, #tpu.memory_space<vmem>>) semaphore(%dma_start3A_174 : memref<!tpu.dma_semaphore, #tpu.memory_space<semaphore_mem>>)
      } else {
      }
      %mul3A_90 = arith.constant 16 : i32
      %mul3A_91 = arith.muli %while3A_81, %mul3A_90 : i32
      %mul3A_92 = arith.constant 8 : i32
      %mul3A_93 = arith.muli %mul3A_91, %mul3A_92 : i32
      %dma_wait3A = arith.constant 0 : i32
      %dma_wait3A_94 = arith.constant 0 : i32
      %dma_wait3A_95 = tpu.memref_slice %arg9[%rem3A_82, %dma_wait3A, %dma_wait3A_94] : memref<3x128x128xf32, #tpu.memory_space<vmem>> -> memref<1x128x128xf32, #tpu.memory_space<vmem>>
      %dma_wait3A_96 = tpu.memref_squeeze %dma_wait3A_95 : memref<1x128x128xf32, #tpu.memory_space<vmem>> -> memref<128x128xf32, #tpu.memory_space<vmem>>
      %dma_wait3A_97 = tpu.memref_slice %arg7[%mul3A_93] : memref<25088xi32, #tpu.memory_space<vmem>> -> memref<128xi32, #tpu.memory_space<vmem>>
      %dma_wait3A_98 = arith.constant 0 : i32
      %dma_wait3A_99 = arith.constant 0 : i32
      %dma_wait3A_100 = tpu.memref_slice %arg4[%dma_wait3A_98, %dma_wait3A_99] : memref<100000x128xf32, #tpu.memory_space<hbm>> -> memref<100000x128xf32, #tpu.memory_space<hbm>>
      %dma_wait3A_101 = tpu.memref_slice %arg12[%rem3A_82] : memref<3x!tpu.dma_semaphore, #tpu.memory_space<semaphore_mem>> -> memref<1x!tpu.dma_semaphore, #tpu.memory_space<semaphore_mem>>
      %dma_wait3A_102 = tpu.memref_squeeze %dma_wait3A_101 : memref<1x!tpu.dma_semaphore, #tpu.memory_space<semaphore_mem>> -> memref<!tpu.dma_semaphore, #tpu.memory_space<semaphore_mem>>
      tpu.wait_indirect_dma semaphore(%dma_wait3A_102 : memref<!tpu.dma_semaphore, #tpu.memory_space<semaphore_mem>>) src(%dma_wait3A_100 : memref<100000x128xf32, #tpu.memory_space<hbm>>) dst(%dma_wait3A_96 : memref<128x128xf32, #tpu.memory_space<vmem>>)
      %mul3A_103 = arith.constant 16 : i32
      %mul3A_104 = arith.muli %while3A_81, %mul3A_103 : i32
      %dma_wait3A_105 = arith.constant 0 : i32
      %dma_wait3A_106 = arith.constant 0 : i32
      %dma_wait3A_107 = tpu.memref_slice %arg10[%rem3A_82, %dma_wait3A_105, %dma_wait3A_106] : memref<3x16x128xf32, #tpu.memory_space<vmem>> -> memref<1x16x128xf32, #tpu.memory_space<vmem>>
      %dma_wait3A_108 = tpu.memref_squeeze %dma_wait3A_107 : memref<1x16x128xf32, #tpu.memory_space<vmem>> -> memref<16x128xf32, #tpu.memory_space<vmem>>
      %dma_wait3A_109 = tpu.memref_slice %arg8[%mul3A_104] : memref<3136xi32, #tpu.memory_space<vmem>> -> memref<16xi32, #tpu.memory_space<vmem>>
      %dma_wait3A_110 = arith.constant 0 : i32
      %dma_wait3A_111 = arith.constant 0 : i32
      %dma_wait3A_112 = tpu.memref_slice %arg5[%dma_wait3A_110, %dma_wait3A_111] : memref<1000x128xf32, #tpu.memory_space<hbm>> -> memref<1000x128xf32, #tpu.memory_space<hbm>>
      %dma_wait3A_113 = tpu.memref_slice %arg13[%rem3A_82] : memref<3x!tpu.dma_semaphore, #tpu.memory_space<semaphore_mem>> -> memref<1x!tpu.dma_semaphore, #tpu.memory_space<semaphore_mem>>
      %dma_wait3A_114 = tpu.memref_squeeze %dma_wait3A_113 : memref<1x!tpu.dma_semaphore, #tpu.memory_space<semaphore_mem>> -> memref<!tpu.dma_semaphore, #tpu.memory_space<semaphore_mem>>
      tpu.wait_indirect_dma semaphore(%dma_wait3A_114 : memref<!tpu.dma_semaphore, #tpu.memory_space<semaphore_mem>>) src(%dma_wait3A_112 : memref<1000x128xf32, #tpu.memory_space<hbm>>) dst(%dma_wait3A_108 : memref<16x128xf32, #tpu.memory_space<vmem>>)
      %ge3A_115 = arith.constant 3 : i32
      %ge3A_116 = arith.cmpi sge, %while3A_81, %ge3A_115 : i32
      %convert_element_type3A_117 = arith.extui %ge3A_116 : i1 to i32
      %cond3A_118 = arith.constant 0 : i32
      %cond3A_119 = arith.cmpi ne, %convert_element_type3A_117, %cond3A_118 : i32
      scf.if %cond3A_119 {
        %sub3A_139 = arith.constant 3 : i32
        %sub3A_140 = arith.subi %while3A_81, %sub3A_139 : i32
        %add3A_141 = arith.addi %add3A_8, %sub3A_140 : i32
        %mul3A_142 = arith.constant 16 : i32
        %mul3A_143 = arith.muli %add3A_141, %mul3A_142 : i32
        %dma_wait3A_144 = arith.constant 0 : i32
        %dma_wait3A_145 = arith.constant 0 : i32
        %dma_wait3A_146 = tpu.memref_slice %arg11[%rem3A_82, %dma_wait3A_144, %dma_wait3A_145] : memref<3x16x128xf32, #tpu.memory_space<vmem>> -> memref<1x16x128xf32, #tpu.memory_space<vmem>>
        %dma_wait3A_147 = tpu.memref_squeeze %dma_wait3A_146 : memref<1x16x128xf32, #tpu.memory_space<vmem>> -> memref<16x128xf32, #tpu.memory_space<vmem>>
        %dma_wait3A_148 = arith.constant 0 : i32
        %dma_wait3A_149 = tpu.memref_slice %arg6[%mul3A_143, %dma_wait3A_148] : memref<100000x128xf32, #tpu.memory_space<hbm>> -> memref<16x128xf32, #tpu.memory_space<hbm>>
        %dma_wait3A_150 = tpu.memref_slice %arg14[%rem3A_82] : memref<3x!tpu.dma_semaphore, #tpu.memory_space<semaphore_mem>> -> memref<1x!tpu.dma_semaphore, #tpu.memory_space<semaphore_mem>>
        %dma_wait3A_151 = tpu.memref_squeeze %dma_wait3A_150 : memref<1x!tpu.dma_semaphore, #tpu.memory_space<semaphore_mem>> -> memref<!tpu.dma_semaphore, #tpu.memory_space<semaphore_mem>>
        %dma_wait3A_152 = arith.constant 0 : i32
        %dma_wait3A_153 = tpu.memref_slice %arg6[%mul3A_143, %dma_wait3A_152] : memref<100000x128xf32, #tpu.memory_space<hbm>> -> memref<16x128xf32, #tpu.memory_space<hbm>>
        %dma_wait3A_154 = arith.constant 0 : i32
        %dma_wait3A_155 = arith.constant 0 : i32
        %dma_wait3A_156 = tpu.memref_slice %arg11[%rem3A_82, %dma_wait3A_154, %dma_wait3A_155] : memref<3x16x128xf32, #tpu.memory_space<vmem>> -> memref<1x16x128xf32, #tpu.memory_space<vmem>>
        %dma_wait3A_157 = tpu.memref_squeeze %dma_wait3A_156 : memref<1x16x128xf32, #tpu.memory_space<vmem>> -> memref<16x128xf32, #tpu.memory_space<vmem>>
        tpu.wait_dma2 semaphore(%dma_wait3A_151 : memref<!tpu.dma_semaphore, #tpu.memory_space<semaphore_mem>>) src(%dma_wait3A_157 : memref<16x128xf32, #tpu.memory_space<vmem>>) dst(%dma_wait3A_153 : memref<16x128xf32, #tpu.memory_space<hbm>>)
      } else {
      }
      %parallel_loop3A = arith.constant 0 : i32
      %parallel_loop3A_120 = arith.constant 16 : i32
      %parallel_loop3A_121 = arith.constant 1 : i32
      scf.for %parallel_loop3A_139 = %parallel_loop3A to %parallel_loop3A_120 step %parallel_loop3A_121  : i32 {
        %parallel_loop3A_140 = arith.constant 8 : i32
        %parallel_loop3A_141 = arith.muli %parallel_loop3A_139, %parallel_loop3A_140 : i32
        %parallel_loop3A_142 = arith.constant 0 : i32
        %parallel_loop3A_143 = arith.addi %parallel_loop3A_141, %parallel_loop3A_142 : i32
        %parallel_loop3A_144 = arith.index_cast %rem3A_82 : i32 to index
        %parallel_loop3A_145 = arith.index_cast %parallel_loop3A_143 : i32 to index
        %parallel_loop3A_146 = arith.constant 0 : index
        %parallel_loop3A_147 = tpu.vector_load %arg9[%parallel_loop3A_144, %parallel_loop3A_145, %parallel_loop3A_146] {strides = array<i32>} : memref<3x128x128xf32, #tpu.memory_space<vmem>>, vector<1x1x16xf32>,
        %parallel_loop3A_148 = vector.shape_cast %parallel_loop3A_147 : vector<1x1x16xf32> to vector<16xf32>
        %parallel_loop3A_149 = arith.constant 1 : i32
        %parallel_loop3A_150 = arith.addi %parallel_loop3A_141, %parallel_loop3A_149 : i32
        %parallel_loop3A_151 = arith.index_cast %rem3A_82 : i32 to index
        %parallel_loop3A_152 = arith.index_cast %parallel_loop3A_150 : i32 to index
        %parallel_loop3A_153 = arith.constant 0 : index
        %parallel_loop3A_154 = tpu.vector_load %arg9[%parallel_loop3A_151, %parallel_loop3A_152, %parallel_loop3A_153] {strides = array<i32>} : memref<3x128x128xf32, #tpu.memory_space<vmem>>, vector<1x1x16xf32>,
        %parallel_loop3A_155 = vector.shape_cast %parallel_loop3A_154 : vector<1x1x16xf32> to vector<16xf32>
        %parallel_loop3A_156 = arith.addf %parallel_loop3A_148, %parallel_loop3A_155 : vector<16xf32>
        %parallel_loop3A_157 = arith.constant 2 : i32
        %parallel_loop3A_158 = arith.addi %parallel_loop3A_141, %parallel_loop3A_157 : i32
        %parallel_loop3A_159 = arith.index_cast %rem3A_82 : i32 to index
        %parallel_loop3A_160 = arith.index_cast %parallel_loop3A_158 : i32 to index
        %parallel_loop3A_161 = arith.constant 0 : index
        %parallel_loop3A_162 = tpu.vector_load %arg9[%parallel_loop3A_159, %parallel_loop3A_160, %parallel_loop3A_161] {strides = array<i32>} : memref<3x128x128xf32, #tpu.memory_space<vmem>>, vector<1x1x16xf32>,
        %parallel_loop3A_163 = vector.shape_cast %parallel_loop3A_162 : vector<1x1x16xf32> to vector<16xf32>
        %parallel_loop3A_164 = arith.constant 3 : i32
        %parallel_loop3A_165 = arith.addi %parallel_loop3A_141, %parallel_loop3A_164 : i32
        %parallel_loop3A_166 = arith.index_cast %rem3A_82 : i32 to index
        %parallel_loop3A_167 = arith.index_cast %parallel_loop3A_165 : i32 to index
        %parallel_loop3A_168 = arith.constant 0 : index
        %parallel_loop3A_169 = tpu.vector_load %arg9[%parallel_loop3A_166, %parallel_loop3A_167, %parallel_loop3A_168] {strides = array<i32>} : memref<3x128x128xf32, #tpu.memory_space<vmem>>, vector<1x1x16xf32>,
        %parallel_loop3A_170 = vector.shape_cast %parallel_loop3A_169 : vector<1x1x16xf32> to vector<16xf32>
        %parallel_loop3A_171 = arith.addf %parallel_loop3A_163, %parallel_loop3A_170 : vector<16xf32>
        %parallel_loop3A_172 = arith.constant 4 : i32
        %parallel_loop3A_173 = arith.addi %parallel_loop3A_141, %parallel_loop3A_172 : i32
        %parallel_loop3A_174 = arith.index_cast %rem3A_82 : i32 to index
        %parallel_loop3A_175 = arith.index_cast %parallel_loop3A_173 : i32 to index
        %parallel_loop3A_176 = arith.constant 0 : index
        %parallel_loop3A_177 = tpu.vector_load %arg9[%parallel_loop3A_174, %parallel_loop3A_175, %parallel_loop3A_176] {strides = array<i32>} : memref<3x128x128xf32, #tpu.memory_space<vmem>>, vector<1x1x16xf32>,
        %parallel_loop3A_178 = vector.shape_cast %parallel_loop3A_177 : vector<1x1x16xf32> to vector<16xf32>
        %parallel_loop3A_179 = arith.constant 5 : i32
        %parallel_loop3A_180 = arith.addi %parallel_loop3A_141, %parallel_loop3A_179 : i32
        %parallel_loop3A_181 = arith.index_cast %rem3A_82 : i32 to index
        %parallel_loop3A_182 = arith.index_cast %parallel_loop3A_180 : i32 to index
        %parallel_loop3A_183 = arith.constant 0 : index
        %parallel_loop3A_184 = tpu.vector_load %arg9[%parallel_loop3A_181, %parallel_loop3A_182, %parallel_loop3A_183] {strides = array<i32>} : memref<3x128x128xf32, #tpu.memory_space<vmem>>, vector<1x1x16xf32>,
        %parallel_loop3A_185 = vector.shape_cast %parallel_loop3A_184 : vector<1x1x16xf32> to vector<16xf32>
        %parallel_loop3A_186 = arith.addf %parallel_loop3A_178, %parallel_loop3A_185 : vector<16xf32>
        %parallel_loop3A_187 = arith.constant 6 : i32
        %parallel_loop3A_188 = arith.addi %parallel_loop3A_141, %parallel_loop3A_187 : i32
        %parallel_loop3A_189 = arith.index_cast %rem3A_82 : i32 to index
        %parallel_loop3A_190 = arith.index_cast %parallel_loop3A_188 : i32 to index
        %parallel_loop3A_191 = arith.constant 0 : index
        %parallel_loop3A_192 = tpu.vector_load %arg9[%parallel_loop3A_189, %parallel_loop3A_190, %parallel_loop3A_191] {strides = array<i32>} : memref<3x128x128xf32, #tpu.memory_space<vmem>>, vector<1x1x16xf32>,
        %parallel_loop3A_193 = vector.shape_cast %parallel_loop3A_192 : vector<1x1x16xf32> to vector<16xf32>
        %parallel_loop3A_194 = arith.constant 7 : i32
        %parallel_loop3A_195 = arith.addi %parallel_loop3A_141, %parallel_loop3A_194 : i32
        %parallel_loop3A_196 = arith.index_cast %rem3A_82 : i32 to index
        %parallel_loop3A_197 = arith.index_cast %parallel_loop3A_195 : i32 to index
        %parallel_loop3A_198 = arith.constant 0 : index
        %parallel_loop3A_199 = tpu.vector_load %arg9[%parallel_loop3A_196, %parallel_loop3A_197, %parallel_loop3A_198] {strides = array<i32>} : memref<3x128x128xf32, #tpu.memory_space<vmem>>, vector<1x1x16xf32>,
        %parallel_loop3A_200 = vector.shape_cast %parallel_loop3A_199 : vector<1x1x16xf32> to vector<16xf32>
        %parallel_loop3A_201 = arith.addf %parallel_loop3A_193, %parallel_loop3A_200 : vector<16xf32>
        %parallel_loop3A_202 = arith.addf %parallel_loop3A_156, %parallel_loop3A_171 : vector<16xf32>
        %parallel_loop3A_203 = arith.addf %parallel_loop3A_186, %parallel_loop3A_201 : vector<16xf32>
        %parallel_loop3A_204 = arith.index_cast %rem3A_82 : i32 to index
        %parallel_loop3A_205 = arith.index_cast %parallel_loop3A_139 : i32 to index
        %parallel_loop3A_206 = arith.constant 0 : index
        %parallel_loop3A_207 = tpu.vector_load %arg10[%parallel_loop3A_204, %parallel_loop3A_205, %parallel_loop3A_206] {strides = array<i32>} : memref<3x16x128xf32, #tpu.memory_space<vmem>>, vector<1x1x16xf32>,
        %parallel_loop3A_208 = vector.shape_cast %parallel_loop3A_207 : vector<1x1x16xf32> to vector<16xf32>
        %parallel_loop3A_209 = arith.addf %parallel_loop3A_203, %parallel_loop3A_208 : vector<16xf32>
        %parallel_loop3A_210 = arith.addf %parallel_loop3A_202, %parallel_loop3A_209 : vector<16xf32>
        %parallel_loop3A_211 = arith.index_cast %rem3A_82 : i32 to index
        %parallel_loop3A_212 = arith.index_cast %parallel_loop3A_139 : i32 to index
        %parallel_loop3A_213 = arith.constant 0 : index
        %parallel_loop3A_214 = tpu.vector_load %arg11[%parallel_loop3A_211, %parallel_loop3A_212, %parallel_loop3A_213] {strides = array<i32>} : memref<3x16x128xf32, #tpu.memory_space<vmem>>, vector<1x1x16xf32>,
        %parallel_loop3A_215 = vector.shape_cast %parallel_loop3A_214 : vector<1x1x16xf32> to vector<16xf32>
        %parallel_loop3A_216 = vector.shape_cast %parallel_loop3A_210 : vector<16xf32> to vector<1x1x16xf32>
        tpu.vector_store %arg11[%parallel_loop3A_211, %parallel_loop3A_212, %parallel_loop3A_213], %parallel_loop3A_216 {strides = array<i32>} : memref<3x16x128xf32, #tpu.memory_space<vmem>>, vector<1x1x16xf32>,
        %parallel_loop3A_217 = arith.constant 0 : i32
        %parallel_loop3A_218 = arith.addi %parallel_loop3A_141, %parallel_loop3A_217 : i32
        %parallel_loop3A_219 = arith.index_cast %rem3A_82 : i32 to index
        %parallel_loop3A_220 = arith.index_cast %parallel_loop3A_218 : i32 to index
        %parallel_loop3A_221 = arith.constant 16 : index
        %parallel_loop3A_222 = tpu.vector_load %arg9[%parallel_loop3A_219, %parallel_loop3A_220, %parallel_loop3A_221] {strides = array<i32>} : memref<3x128x128xf32, #tpu.memory_space<vmem>>, vector<1x1x16xf32>,
        %parallel_loop3A_223 = vector.shape_cast %parallel_loop3A_222 : vector<1x1x16xf32> to vector<16xf32>
        %parallel_loop3A_224 = arith.constant 1 : i32
        %parallel_loop3A_225 = arith.addi %parallel_loop3A_141, %parallel_loop3A_224 : i32
        %parallel_loop3A_226 = arith.index_cast %rem3A_82 : i32 to index
        %parallel_loop3A_227 = arith.index_cast %parallel_loop3A_225 : i32 to index
        %parallel_loop3A_228 = arith.constant 16 : index
        %parallel_loop3A_229 = tpu.vector_load %arg9[%parallel_loop3A_226, %parallel_loop3A_227, %parallel_loop3A_228] {strides = array<i32>} : memref<3x128x128xf32, #tpu.memory_space<vmem>>, vector<1x1x16xf32>,
        %parallel_loop3A_230 = vector.shape_cast %parallel_loop3A_229 : vector<1x1x16xf32> to vector<16xf32>
        %parallel_loop3A_231 = arith.addf %parallel_loop3A_223, %parallel_loop3A_230 : vector<16xf32>
        %parallel_loop3A_232 = arith.constant 2 : i32
        %parallel_loop3A_233 = arith.addi %parallel_loop3A_141, %parallel_loop3A_232 : i32
        %parallel_loop3A_234 = arith.index_cast %rem3A_82 : i32 to index
        %parallel_loop3A_235 = arith.index_cast %parallel_loop3A_233 : i32 to index
        %parallel_loop3A_236 = arith.constant 16 : index
        %parallel_loop3A_237 = tpu.vector_load %arg9[%parallel_loop3A_234, %parallel_loop3A_235, %parallel_loop3A_236] {strides = array<i32>} : memref<3x128x128xf32, #tpu.memory_space<vmem>>, vector<1x1x16xf32>,
        %parallel_loop3A_238 = vector.shape_cast %parallel_loop3A_237 : vector<1x1x16xf32> to vector<16xf32>
        %parallel_loop3A_239 = arith.constant 3 : i32
        %parallel_loop3A_240 = arith.addi %parallel_loop3A_141, %parallel_loop3A_239 : i32
        %parallel_loop3A_241 = arith.index_cast %rem3A_82 : i32 to index
        %parallel_loop3A_242 = arith.index_cast %parallel_loop3A_240 : i32 to index
        %parallel_loop3A_243 = arith.constant 16 : index
        %parallel_loop3A_244 = tpu.vector_load %arg9[%parallel_loop3A_241, %parallel_loop3A_242, %parallel_loop3A_243] {strides = array<i32>} : memref<3x128x128xf32, #tpu.memory_space<vmem>>, vector<1x1x16xf32>,
        %parallel_loop3A_245 = vector.shape_cast %parallel_loop3A_244 : vector<1x1x16xf32> to vector<16xf32>
        %parallel_loop3A_246 = arith.addf %parallel_loop3A_238, %parallel_loop3A_245 : vector<16xf32>
        %parallel_loop3A_247 = arith.constant 4 : i32
        %parallel_loop3A_248 = arith.addi %parallel_loop3A_141, %parallel_loop3A_247 : i32
        %parallel_loop3A_249 = arith.index_cast %rem3A_82 : i32 to index
        %parallel_loop3A_250 = arith.index_cast %parallel_loop3A_248 : i32 to index
        %parallel_loop3A_251 = arith.constant 16 : index
        %parallel_loop3A_252 = tpu.vector_load %arg9[%parallel_loop3A_249, %parallel_loop3A_250, %parallel_loop3A_251] {strides = array<i32>} : memref<3x128x128xf32, #tpu.memory_space<vmem>>, vector<1x1x16xf32>,
        %parallel_loop3A_253 = vector.shape_cast %parallel_loop3A_252 : vector<1x1x16xf32> to vector<16xf32>
        %parallel_loop3A_254 = arith.constant 5 : i32
        %parallel_loop3A_255 = arith.addi %parallel_loop3A_141, %parallel_loop3A_254 : i32
        %parallel_loop3A_256 = arith.index_cast %rem3A_82 : i32 to index
        %parallel_loop3A_257 = arith.index_cast %parallel_loop3A_255 : i32 to index
        %parallel_loop3A_258 = arith.constant 16 : index
        %parallel_loop3A_259 = tpu.vector_load %arg9[%parallel_loop3A_256, %parallel_loop3A_257, %parallel_loop3A_258] {strides = array<i32>} : memref<3x128x128xf32, #tpu.memory_space<vmem>>, vector<1x1x16xf32>,
        %parallel_loop3A_260 = vector.shape_cast %parallel_loop3A_259 : vector<1x1x16xf32> to vector<16xf32>
        %parallel_loop3A_261 = arith.addf %parallel_loop3A_253, %parallel_loop3A_260 : vector<16xf32>
        %parallel_loop3A_262 = arith.constant 6 : i32
        %parallel_loop3A_263 = arith.addi %parallel_loop3A_141, %parallel_loop3A_262 : i32
        %parallel_loop3A_264 = arith.index_cast %rem3A_82 : i32 to index
        %parallel_loop3A_265 = arith.index_cast %parallel_loop3A_263 : i32 to index
        %parallel_loop3A_266 = arith.constant 16 : index
        %parallel_loop3A_267 = tpu.vector_load %arg9[%parallel_loop3A_264, %parallel_loop3A_265, %parallel_loop3A_266] {strides = array<i32>} : memref<3x128x128xf32, #tpu.memory_space<vmem>>, vector<1x1x16xf32>,
        %parallel_loop3A_268 = vector.shape_cast %parallel_loop3A_267 : vector<1x1x16xf32> to vector<16xf32>
        %parallel_loop3A_269 = arith.constant 7 : i32
        %parallel_loop3A_270 = arith.addi %parallel_loop3A_141, %parallel_loop3A_269 : i32
        %parallel_loop3A_271 = arith.index_cast %rem3A_82 : i32 to index
        %parallel_loop3A_272 = arith.index_cast %parallel_loop3A_270 : i32 to index
        %parallel_loop3A_273 = arith.constant 16 : index
        %parallel_loop3A_274 = tpu.vector_load %arg9[%parallel_loop3A_271, %parallel_loop3A_272, %parallel_loop3A_273] {strides = array<i32>} : memref<3x128x128xf32, #tpu.memory_space<vmem>>, vector<1x1x16xf32>,
        %parallel_loop3A_275 = vector.shape_cast %parallel_loop3A_274 : vector<1x1x16xf32> to vector<16xf32>
        %parallel_loop3A_276 = arith.addf %parallel_loop3A_268, %parallel_loop3A_275 : vector<16xf32>
        %parallel_loop3A_277 = arith.addf %parallel_loop3A_231, %parallel_loop3A_246 : vector<16xf32>
        %parallel_loop3A_278 = arith.addf %parallel_loop3A_261, %parallel_loop3A_276 : vector<16xf32>
        %parallel_loop3A_279 = arith.index_cast %rem3A_82 : i32 to index
        %parallel_loop3A_280 = arith.index_cast %parallel_loop3A_139 : i32 to index
        %parallel_loop3A_281 = arith.constant 16 : index
        %parallel_loop3A_282 = tpu.vector_load %arg10[%parallel_loop3A_279, %parallel_loop3A_280, %parallel_loop3A_281] {strides = array<i32>} : memref<3x16x128xf32, #tpu.memory_space<vmem>>, vector<1x1x16xf32>,
        %parallel_loop3A_283 = vector.shape_cast %parallel_loop3A_282 : vector<1x1x16xf32> to vector<16xf32>
        %parallel_loop3A_284 = arith.addf %parallel_loop3A_278, %parallel_loop3A_283 : vector<16xf32>
        %parallel_loop3A_285 = arith.addf %parallel_loop3A_277, %parallel_loop3A_284 : vector<16xf32>
        %parallel_loop3A_286 = arith.index_cast %rem3A_82 : i32 to index
        %parallel_loop3A_287 = arith.index_cast %parallel_loop3A_139 : i32 to index
        %parallel_loop3A_288 = arith.constant 16 : index
        %parallel_loop3A_289 = tpu.vector_load %arg11[%parallel_loop3A_286, %parallel_loop3A_287, %parallel_loop3A_288] {strides = array<i32>} : memref<3x16x128xf32, #tpu.memory_space<vmem>>, vector<1x1x16xf32>,
        %parallel_loop3A_290 = vector.shape_cast %parallel_loop3A_289 : vector<1x1x16xf32> to vector<16xf32>
        %parallel_loop3A_291 = vector.shape_cast %parallel_loop3A_285 : vector<16xf32> to vector<1x1x16xf32>
        tpu.vector_store %arg11[%parallel_loop3A_286, %parallel_loop3A_287, %parallel_loop3A_288], %parallel_loop3A_291 {strides = array<i32>} : memref<3x16x128xf32, #tpu.memory_space<vmem>>, vector<1x1x16xf32>,
        %parallel_loop3A_292 = arith.constant 0 : i32
        %parallel_loop3A_293 = arith.addi %parallel_loop3A_141, %parallel_loop3A_292 : i32
        %parallel_loop3A_294 = arith.index_cast %rem3A_82 : i32 to index
        %parallel_loop3A_295 = arith.index_cast %parallel_loop3A_293 : i32 to index
        %parallel_loop3A_296 = arith.constant 32 : index
        %parallel_loop3A_297 = tpu.vector_load %arg9[%parallel_loop3A_294, %parallel_loop3A_295, %parallel_loop3A_296] {strides = array<i32>} : memref<3x128x128xf32, #tpu.memory_space<vmem>>, vector<1x1x16xf32>,
        %parallel_loop3A_298 = vector.shape_cast %parallel_loop3A_297 : vector<1x1x16xf32> to vector<16xf32>
        %parallel_loop3A_299 = arith.constant 1 : i32
        %parallel_loop3A_300 = arith.addi %parallel_loop3A_141, %parallel_loop3A_299 : i32
        %parallel_loop3A_301 = arith.index_cast %rem3A_82 : i32 to index
        %parallel_loop3A_302 = arith.index_cast %parallel_loop3A_300 : i32 to index
        %parallel_loop3A_303 = arith.constant 32 : index
        %parallel_loop3A_304 = tpu.vector_load %arg9[%parallel_loop3A_301, %parallel_loop3A_302, %parallel_loop3A_303] {strides = array<i32>} : memref<3x128x128xf32, #tpu.memory_space<vmem>>, vector<1x1x16xf32>,
        %parallel_loop3A_305 = vector.shape_cast %parallel_loop3A_304 : vector<1x1x16xf32> to vector<16xf32>
        %parallel_loop3A_306 = arith.addf %parallel_loop3A_298, %parallel_loop3A_305 : vector<16xf32>
        %parallel_loop3A_307 = arith.constant 2 : i32
        %parallel_loop3A_308 = arith.addi %parallel_loop3A_141, %parallel_loop3A_307 : i32
        %parallel_loop3A_309 = arith.index_cast %rem3A_82 : i32 to index
        %parallel_loop3A_310 = arith.index_cast %parallel_loop3A_308 : i32 to index
        %parallel_loop3A_311 = arith.constant 32 : index
        %parallel_loop3A_312 = tpu.vector_load %arg9[%parallel_loop3A_309, %parallel_loop3A_310, %parallel_loop3A_311] {strides = array<i32>} : memref<3x128x128xf32, #tpu.memory_space<vmem>>, vector<1x1x16xf32>,
        %parallel_loop3A_313 = vector.shape_cast %parallel_loop3A_312 : vector<1x1x16xf32> to vector<16xf32>
        %parallel_loop3A_314 = arith.constant 3 : i32
        %parallel_loop3A_315 = arith.addi %parallel_loop3A_141, %parallel_loop3A_314 : i32
        %parallel_loop3A_316 = arith.index_cast %rem3A_82 : i32 to index
        %parallel_loop3A_317 = arith.index_cast %parallel_loop3A_315 : i32 to index
        %parallel_loop3A_318 = arith.constant 32 : index
        %parallel_loop3A_319 = tpu.vector_load %arg9[%parallel_loop3A_316, %parallel_loop3A_317, %parallel_loop3A_318] {strides = array<i32>} : memref<3x128x128xf32, #tpu.memory_space<vmem>>, vector<1x1x16xf32>,
        %parallel_loop3A_320 = vector.shape_cast %parallel_loop3A_319 : vector<1x1x16xf32> to vector<16xf32>
        %parallel_loop3A_321 = arith.addf %parallel_loop3A_313, %parallel_loop3A_320 : vector<16xf32>
        %parallel_loop3A_322 = arith.constant 4 : i32
        %parallel_loop3A_323 = arith.addi %parallel_loop3A_141, %parallel_loop3A_322 : i32
        %parallel_loop3A_324 = arith.index_cast %rem3A_82 : i32 to index
        %parallel_loop3A_325 = arith.index_cast %parallel_loop3A_323 : i32 to index
        %parallel_loop3A_326 = arith.constant 32 : index
        %parallel_loop3A_327 = tpu.vector_load %arg9[%parallel_loop3A_324, %parallel_loop3A_325, %parallel_loop3A_326] {strides = array<i32>} : memref<3x128x128xf32, #tpu.memory_space<vmem>>, vector<1x1x16xf32>,
        %parallel_loop3A_328 = vector.shape_cast %parallel_loop3A_327 : vector<1x1x16xf32> to vector<16xf32>
        %parallel_loop3A_329 = arith.constant 5 : i32
        %parallel_loop3A_330 = arith.addi %parallel_loop3A_141, %parallel_loop3A_329 : i32
        %parallel_loop3A_331 = arith.index_cast %rem3A_82 : i32 to index
        %parallel_loop3A_332 = arith.index_cast %parallel_loop3A_330 : i32 to index
        %parallel_loop3A_333 = arith.constant 32 : index
        %parallel_loop3A_334 = tpu.vector_load %arg9[%parallel_loop3A_331, %parallel_loop3A_332, %parallel_loop3A_333] {strides = array<i32>} : memref<3x128x128xf32, #tpu.memory_space<vmem>>, vector<1x1x16xf32>,
        %parallel_loop3A_335 = vector.shape_cast %parallel_loop3A_334 : vector<1x1x16xf32> to vector<16xf32>
        %parallel_loop3A_336 = arith.addf %parallel_loop3A_328, %parallel_loop3A_335 : vector<16xf32>
        %parallel_loop3A_337 = arith.constant 6 : i32
        %parallel_loop3A_338 = arith.addi %parallel_loop3A_141, %parallel_loop3A_337 : i32
        %parallel_loop3A_339 = arith.index_cast %rem3A_82 : i32 to index
        %parallel_loop3A_340 = arith.index_cast %parallel_loop3A_338 : i32 to index
        %parallel_loop3A_341 = arith.constant 32 : index
        %parallel_loop3A_342 = tpu.vector_load %arg9[%parallel_loop3A_339, %parallel_loop3A_340, %parallel_loop3A_341] {strides = array<i32>} : memref<3x128x128xf32, #tpu.memory_space<vmem>>, vector<1x1x16xf32>,
        %parallel_loop3A_343 = vector.shape_cast %parallel_loop3A_342 : vector<1x1x16xf32> to vector<16xf32>
        %parallel_loop3A_344 = arith.constant 7 : i32
        %parallel_loop3A_345 = arith.addi %parallel_loop3A_141, %parallel_loop3A_344 : i32
        %parallel_loop3A_346 = arith.index_cast %rem3A_82 : i32 to index
        %parallel_loop3A_347 = arith.index_cast %parallel_loop3A_345 : i32 to index
        %parallel_loop3A_348 = arith.constant 32 : index
        %parallel_loop3A_349 = tpu.vector_load %arg9[%parallel_loop3A_346, %parallel_loop3A_347, %parallel_loop3A_348] {strides = array<i32>} : memref<3x128x128xf32, #tpu.memory_space<vmem>>, vector<1x1x16xf32>,
        %parallel_loop3A_350 = vector.shape_cast %parallel_loop3A_349 : vector<1x1x16xf32> to vector<16xf32>
        %parallel_loop3A_351 = arith.addf %parallel_loop3A_343, %parallel_loop3A_350 : vector<16xf32>
        %parallel_loop3A_352 = arith.addf %parallel_loop3A_306, %parallel_loop3A_321 : vector<16xf32>
        %parallel_loop3A_353 = arith.addf %parallel_loop3A_336, %parallel_loop3A_351 : vector<16xf32>
        %parallel_loop3A_354 = arith.index_cast %rem3A_82 : i32 to index
        %parallel_loop3A_355 = arith.index_cast %parallel_loop3A_139 : i32 to index
        %parallel_loop3A_356 = arith.constant 32 : index
        %parallel_loop3A_357 = tpu.vector_load %arg10[%parallel_loop3A_354, %parallel_loop3A_355, %parallel_loop3A_356] {strides = array<i32>} : memref<3x16x128xf32, #tpu.memory_space<vmem>>, vector<1x1x16xf32>,
        %parallel_loop3A_358 = vector.shape_cast %parallel_loop3A_357 : vector<1x1x16xf32> to vector<16xf32>
        %parallel_loop3A_359 = arith.addf %parallel_loop3A_353, %parallel_loop3A_358 : vector<16xf32>
        %parallel_loop3A_360 = arith.addf %parallel_loop3A_352, %parallel_loop3A_359 : vector<16xf32>
        %parallel_loop3A_361 = arith.index_cast %rem3A_82 : i32 to index
        %parallel_loop3A_362 = arith.index_cast %parallel_loop3A_139 : i32 to index
        %parallel_loop3A_363 = arith.constant 32 : index
        %parallel_loop3A_364 = tpu.vector_load %arg11[%parallel_loop3A_361, %parallel_loop3A_362, %parallel_loop3A_363] {strides = array<i32>} : memref<3x16x128xf32, #tpu.memory_space<vmem>>, vector<1x1x16xf32>,
        %parallel_loop3A_365 = vector.shape_cast %parallel_loop3A_364 : vector<1x1x16xf32> to vector<16xf32>
        %parallel_loop3A_366 = vector.shape_cast %parallel_loop3A_360 : vector<16xf32> to vector<1x1x16xf32>
        tpu.vector_store %arg11[%parallel_loop3A_361, %parallel_loop3A_362, %parallel_loop3A_363], %parallel_loop3A_366 {strides = array<i32>} : memref<3x16x128xf32, #tpu.memory_space<vmem>>, vector<1x1x16xf32>,
        %parallel_loop3A_367 = arith.constant 0 : i32
        %parallel_loop3A_368 = arith.addi %parallel_loop3A_141, %parallel_loop3A_367 : i32
        %parallel_loop3A_369 = arith.index_cast %rem3A_82 : i32 to index
        %parallel_loop3A_370 = arith.index_cast %parallel_loop3A_368 : i32 to index
        %parallel_loop3A_371 = arith.constant 48 : index
        %parallel_loop3A_372 = tpu.vector_load %arg9[%parallel_loop3A_369, %parallel_loop3A_370, %parallel_loop3A_371] {strides = array<i32>} : memref<3x128x128xf32, #tpu.memory_space<vmem>>, vector<1x1x16xf32>,
        %parallel_loop3A_373 = vector.shape_cast %parallel_loop3A_372 : vector<1x1x16xf32> to vector<16xf32>
        %parallel_loop3A_374 = arith.constant 1 : i32
        %parallel_loop3A_375 = arith.addi %parallel_loop3A_141, %parallel_loop3A_374 : i32
        %parallel_loop3A_376 = arith.index_cast %rem3A_82 : i32 to index
        %parallel_loop3A_377 = arith.index_cast %parallel_loop3A_375 : i32 to index
        %parallel_loop3A_378 = arith.constant 48 : index
        %parallel_loop3A_379 = tpu.vector_load %arg9[%parallel_loop3A_376, %parallel_loop3A_377, %parallel_loop3A_378] {strides = array<i32>} : memref<3x128x128xf32, #tpu.memory_space<vmem>>, vector<1x1x16xf32>,
        %parallel_loop3A_380 = vector.shape_cast %parallel_loop3A_379 : vector<1x1x16xf32> to vector<16xf32>
        %parallel_loop3A_381 = arith.addf %parallel_loop3A_373, %parallel_loop3A_380 : vector<16xf32>
        %parallel_loop3A_382 = arith.constant 2 : i32
        %parallel_loop3A_383 = arith.addi %parallel_loop3A_141, %parallel_loop3A_382 : i32
        %parallel_loop3A_384 = arith.index_cast %rem3A_82 : i32 to index
        %parallel_loop3A_385 = arith.index_cast %parallel_loop3A_383 : i32 to index
        %parallel_loop3A_386 = arith.constant 48 : index
        %parallel_loop3A_387 = tpu.vector_load %arg9[%parallel_loop3A_384, %parallel_loop3A_385, %parallel_loop3A_386] {strides = array<i32>} : memref<3x128x128xf32, #tpu.memory_space<vmem>>, vector<1x1x16xf32>,
        %parallel_loop3A_388 = vector.shape_cast %parallel_loop3A_387 : vector<1x1x16xf32> to vector<16xf32>
        %parallel_loop3A_389 = arith.constant 3 : i32
        %parallel_loop3A_390 = arith.addi %parallel_loop3A_141, %parallel_loop3A_389 : i32
        %parallel_loop3A_391 = arith.index_cast %rem3A_82 : i32 to index
        %parallel_loop3A_392 = arith.index_cast %parallel_loop3A_390 : i32 to index
        %parallel_loop3A_393 = arith.constant 48 : index
        %parallel_loop3A_394 = tpu.vector_load %arg9[%parallel_loop3A_391, %parallel_loop3A_392, %parallel_loop3A_393] {strides = array<i32>} : memref<3x128x128xf32, #tpu.memory_space<vmem>>, vector<1x1x16xf32>,
        %parallel_loop3A_395 = vector.shape_cast %parallel_loop3A_394 : vector<1x1x16xf32> to vector<16xf32>
        %parallel_loop3A_396 = arith.addf %parallel_loop3A_388, %parallel_loop3A_395 : vector<16xf32>
        %parallel_loop3A_397 = arith.constant 4 : i32
        %parallel_loop3A_398 = arith.addi %parallel_loop3A_141, %parallel_loop3A_397 : i32
        %parallel_loop3A_399 = arith.index_cast %rem3A_82 : i32 to index
        %parallel_loop3A_400 = arith.index_cast %parallel_loop3A_398 : i32 to index
        %parallel_loop3A_401 = arith.constant 48 : index
        %parallel_loop3A_402 = tpu.vector_load %arg9[%parallel_loop3A_399, %parallel_loop3A_400, %parallel_loop3A_401] {strides = array<i32>} : memref<3x128x128xf32, #tpu.memory_space<vmem>>, vector<1x1x16xf32>,
        %parallel_loop3A_403 = vector.shape_cast %parallel_loop3A_402 : vector<1x1x16xf32> to vector<16xf32>
        %parallel_loop3A_404 = arith.constant 5 : i32
        %parallel_loop3A_405 = arith.addi %parallel_loop3A_141, %parallel_loop3A_404 : i32
        %parallel_loop3A_406 = arith.index_cast %rem3A_82 : i32 to index
        %parallel_loop3A_407 = arith.index_cast %parallel_loop3A_405 : i32 to index
        %parallel_loop3A_408 = arith.constant 48 : index
        %parallel_loop3A_409 = tpu.vector_load %arg9[%parallel_loop3A_406, %parallel_loop3A_407, %parallel_loop3A_408] {strides = array<i32>} : memref<3x128x128xf32, #tpu.memory_space<vmem>>, vector<1x1x16xf32>,
        %parallel_loop3A_410 = vector.shape_cast %parallel_loop3A_409 : vector<1x1x16xf32> to vector<16xf32>
        %parallel_loop3A_411 = arith.addf %parallel_loop3A_403, %parallel_loop3A_410 : vector<16xf32>
        %parallel_loop3A_412 = arith.constant 6 : i32
        %parallel_loop3A_413 = arith.addi %parallel_loop3A_141, %parallel_loop3A_412 : i32
        %parallel_loop3A_414 = arith.index_cast %rem3A_82 : i32 to index
        %parallel_loop3A_415 = arith.index_cast %parallel_loop3A_413 : i32 to index
        %parallel_loop3A_416 = arith.constant 48 : index
        %parallel_loop3A_417 = tpu.vector_load %arg9[%parallel_loop3A_414, %parallel_loop3A_415, %parallel_loop3A_416] {strides = array<i32>} : memref<3x128x128xf32, #tpu.memory_space<vmem>>, vector<1x1x16xf32>,
        %parallel_loop3A_418 = vector.shape_cast %parallel_loop3A_417 : vector<1x1x16xf32> to vector<16xf32>
        %parallel_loop3A_419 = arith.constant 7 : i32
        %parallel_loop3A_420 = arith.addi %parallel_loop3A_141, %parallel_loop3A_419 : i32
        %parallel_loop3A_421 = arith.index_cast %rem3A_82 : i32 to index
        %parallel_loop3A_422 = arith.index_cast %parallel_loop3A_420 : i32 to index
        %parallel_loop3A_423 = arith.constant 48 : index
        %parallel_loop3A_424 = tpu.vector_load %arg9[%parallel_loop3A_421, %parallel_loop3A_422, %parallel_loop3A_423] {strides = array<i32>} : memref<3x128x128xf32, #tpu.memory_space<vmem>>, vector<1x1x16xf32>,
        %parallel_loop3A_425 = vector.shape_cast %parallel_loop3A_424 : vector<1x1x16xf32> to vector<16xf32>
        %parallel_loop3A_426 = arith.addf %parallel_loop3A_418, %parallel_loop3A_425 : vector<16xf32>
        %parallel_loop3A_427 = arith.addf %parallel_loop3A_381, %parallel_loop3A_396 : vector<16xf32>
        %parallel_loop3A_428 = arith.addf %parallel_loop3A_411, %parallel_loop3A_426 : vector<16xf32>
        %parallel_loop3A_429 = arith.index_cast %rem3A_82 : i32 to index
        %parallel_loop3A_430 = arith.index_cast %parallel_loop3A_139 : i32 to index
        %parallel_loop3A_431 = arith.constant 48 : index
        %parallel_loop3A_432 = tpu.vector_load %arg10[%parallel_loop3A_429, %parallel_loop3A_430, %parallel_loop3A_431] {strides = array<i32>} : memref<3x16x128xf32, #tpu.memory_space<vmem>>, vector<1x1x16xf32>,
        %parallel_loop3A_433 = vector.shape_cast %parallel_loop3A_432 : vector<1x1x16xf32> to vector<16xf32>
        %parallel_loop3A_434 = arith.addf %parallel_loop3A_428, %parallel_loop3A_433 : vector<16xf32>
        %parallel_loop3A_435 = arith.addf %parallel_loop3A_427, %parallel_loop3A_434 : vector<16xf32>
        %parallel_loop3A_436 = arith.index_cast %rem3A_82 : i32 to index
        %parallel_loop3A_437 = arith.index_cast %parallel_loop3A_139 : i32 to index
        %parallel_loop3A_438 = arith.constant 48 : index
        %parallel_loop3A_439 = tpu.vector_load %arg11[%parallel_loop3A_436, %parallel_loop3A_437, %parallel_loop3A_438] {strides = array<i32>} : memref<3x16x128xf32, #tpu.memory_space<vmem>>, vector<1x1x16xf32>,
        %parallel_loop3A_440 = vector.shape_cast %parallel_loop3A_439 : vector<1x1x16xf32> to vector<16xf32>
        %parallel_loop3A_441 = vector.shape_cast %parallel_loop3A_435 : vector<16xf32> to vector<1x1x16xf32>
        tpu.vector_store %arg11[%parallel_loop3A_436, %parallel_loop3A_437, %parallel_loop3A_438], %parallel_loop3A_441 {strides = array<i32>} : memref<3x16x128xf32, #tpu.memory_space<vmem>>, vector<1x1x16xf32>,
        %parallel_loop3A_442 = arith.constant 0 : i32
        %parallel_loop3A_443 = arith.addi %parallel_loop3A_141, %parallel_loop3A_442 : i32
        %parallel_loop3A_444 = arith.index_cast %rem3A_82 : i32 to index
        %parallel_loop3A_445 = arith.index_cast %parallel_loop3A_443 : i32 to index
        %parallel_loop3A_446 = arith.constant 64 : index
        %parallel_loop3A_447 = tpu.vector_load %arg9[%parallel_loop3A_444, %parallel_loop3A_445, %parallel_loop3A_446] {strides = array<i32>} : memref<3x128x128xf32, #tpu.memory_space<vmem>>, vector<1x1x16xf32>,
        %parallel_loop3A_448 = vector.shape_cast %parallel_loop3A_447 : vector<1x1x16xf32> to vector<16xf32>
        %parallel_loop3A_449 = arith.constant 1 : i32
        %parallel_loop3A_450 = arith.addi %parallel_loop3A_141, %parallel_loop3A_449 : i32
        %parallel_loop3A_451 = arith.index_cast %rem3A_82 : i32 to index
        %parallel_loop3A_452 = arith.index_cast %parallel_loop3A_450 : i32 to index
        %parallel_loop3A_453 = arith.constant 64 : index
        %parallel_loop3A_454 = tpu.vector_load %arg9[%parallel_loop3A_451, %parallel_loop3A_452, %parallel_loop3A_453] {strides = array<i32>} : memref<3x128x128xf32, #tpu.memory_space<vmem>>, vector<1x1x16xf32>,
        %parallel_loop3A_455 = vector.shape_cast %parallel_loop3A_454 : vector<1x1x16xf32> to vector<16xf32>
        %parallel_loop3A_456 = arith.addf %parallel_loop3A_448, %parallel_loop3A_455 : vector<16xf32>
        %parallel_loop3A_457 = arith.constant 2 : i32
        %parallel_loop3A_458 = arith.addi %parallel_loop3A_141, %parallel_loop3A_457 : i32
        %parallel_loop3A_459 = arith.index_cast %rem3A_82 : i32 to index
        %parallel_loop3A_460 = arith.index_cast %parallel_loop3A_458 : i32 to index
        %parallel_loop3A_461 = arith.constant 64 : index
        %parallel_loop3A_462 = tpu.vector_load %arg9[%parallel_loop3A_459, %parallel_loop3A_460, %parallel_loop3A_461] {strides = array<i32>} : memref<3x128x128xf32, #tpu.memory_space<vmem>>, vector<1x1x16xf32>,
        %parallel_loop3A_463 = vector.shape_cast %parallel_loop3A_462 : vector<1x1x16xf32> to vector<16xf32>
        %parallel_loop3A_464 = arith.constant 3 : i32
        %parallel_loop3A_465 = arith.addi %parallel_loop3A_141, %parallel_loop3A_464 : i32
        %parallel_loop3A_466 = arith.index_cast %rem3A_82 : i32 to index
        %parallel_loop3A_467 = arith.index_cast %parallel_loop3A_465 : i32 to index
        %parallel_loop3A_468 = arith.constant 64 : index
        %parallel_loop3A_469 = tpu.vector_load %arg9[%parallel_loop3A_466, %parallel_loop3A_467, %parallel_loop3A_468] {strides = array<i32>} : memref<3x128x128xf32, #tpu.memory_space<vmem>>, vector<1x1x16xf32>,
        %parallel_loop3A_470 = vector.shape_cast %parallel_loop3A_469 : vector<1x1x16xf32> to vector<16xf32>
        %parallel_loop3A_471 = arith.addf %parallel_loop3A_463, %parallel_loop3A_470 : vector<16xf32>
        %parallel_loop3A_472 = arith.constant 4 : i32
        %parallel_loop3A_473 = arith.addi %parallel_loop3A_141, %parallel_loop3A_472 : i32
        %parallel_loop3A_474 = arith.index_cast %rem3A_82 : i32 to index
        %parallel_loop3A_475 = arith.index_cast %parallel_loop3A_473 : i32 to index
        %parallel_loop3A_476 = arith.constant 64 : index
        %parallel_loop3A_477 = tpu.vector_load %arg9[%parallel_loop3A_474, %parallel_loop3A_475, %parallel_loop3A_476] {strides = array<i32>} : memref<3x128x128xf32, #tpu.memory_space<vmem>>, vector<1x1x16xf32>,
        %parallel_loop3A_478 = vector.shape_cast %parallel_loop3A_477 : vector<1x1x16xf32> to vector<16xf32>
        %parallel_loop3A_479 = arith.constant 5 : i32
        %parallel_loop3A_480 = arith.addi %parallel_loop3A_141, %parallel_loop3A_479 : i32
        %parallel_loop3A_481 = arith.index_cast %rem3A_82 : i32 to index
        %parallel_loop3A_482 = arith.index_cast %parallel_loop3A_480 : i32 to index
        %parallel_loop3A_483 = arith.constant 64 : index
        %parallel_loop3A_484 = tpu.vector_load %arg9[%parallel_loop3A_481, %parallel_loop3A_482, %parallel_loop3A_483] {strides = array<i32>} : memref<3x128x128xf32, #tpu.memory_space<vmem>>, vector<1x1x16xf32>,
        %parallel_loop3A_485 = vector.shape_cast %parallel_loop3A_484 : vector<1x1x16xf32> to vector<16xf32>
        %parallel_loop3A_486 = arith.addf %parallel_loop3A_478, %parallel_loop3A_485 : vector<16xf32>
        %parallel_loop3A_487 = arith.constant 6 : i32
        %parallel_loop3A_488 = arith.addi %parallel_loop3A_141, %parallel_loop3A_487 : i32
        %parallel_loop3A_489 = arith.index_cast %rem3A_82 : i32 to index
        %parallel_loop3A_490 = arith.index_cast %parallel_loop3A_488 : i32 to index
        %parallel_loop3A_491 = arith.constant 64 : index
        %parallel_loop3A_492 = tpu.vector_load %arg9[%parallel_loop3A_489, %parallel_loop3A_490, %parallel_loop3A_491] {strides = array<i32>} : memref<3x128x128xf32, #tpu.memory_space<vmem>>, vector<1x1x16xf32>,
        %parallel_loop3A_493 = vector.shape_cast %parallel_loop3A_492 : vector<1x1x16xf32> to vector<16xf32>
        %parallel_loop3A_494 = arith.constant 7 : i32
        %parallel_loop3A_495 = arith.addi %parallel_loop3A_141, %parallel_loop3A_494 : i32
        %parallel_loop3A_496 = arith.index_cast %rem3A_82 : i32 to index
        %parallel_loop3A_497 = arith.index_cast %parallel_loop3A_495 : i32 to index
        %parallel_loop3A_498 = arith.constant 64 : index
        %parallel_loop3A_499 = tpu.vector_load %arg9[%parallel_loop3A_496, %parallel_loop3A_497, %parallel_loop3A_498] {strides = array<i32>} : memref<3x128x128xf32, #tpu.memory_space<vmem>>, vector<1x1x16xf32>,
        %parallel_loop3A_500 = vector.shape_cast %parallel_loop3A_499 : vector<1x1x16xf32> to vector<16xf32>
        %parallel_loop3A_501 = arith.addf %parallel_loop3A_493, %parallel_loop3A_500 : vector<16xf32>
        %parallel_loop3A_502 = arith.addf %parallel_loop3A_456, %parallel_loop3A_471 : vector<16xf32>
        %parallel_loop3A_503 = arith.addf %parallel_loop3A_486, %parallel_loop3A_501 : vector<16xf32>
        %parallel_loop3A_504 = arith.index_cast %rem3A_82 : i32 to index
        %parallel_loop3A_505 = arith.index_cast %parallel_loop3A_139 : i32 to index
        %parallel_loop3A_506 = arith.constant 64 : index
        %parallel_loop3A_507 = tpu.vector_load %arg10[%parallel_loop3A_504, %parallel_loop3A_505, %parallel_loop3A_506] {strides = array<i32>} : memref<3x16x128xf32, #tpu.memory_space<vmem>>, vector<1x1x16xf32>,
        %parallel_loop3A_508 = vector.shape_cast %parallel_loop3A_507 : vector<1x1x16xf32> to vector<16xf32>
        %parallel_loop3A_509 = arith.addf %parallel_loop3A_503, %parallel_loop3A_508 : vector<16xf32>
        %parallel_loop3A_510 = arith.addf %parallel_loop3A_502, %parallel_loop3A_509 : vector<16xf32>
        %parallel_loop3A_511 = arith.index_cast %rem3A_82 : i32 to index
        %parallel_loop3A_512 = arith.index_cast %parallel_loop3A_139 : i32 to index
        %parallel_loop3A_513 = arith.constant 64 : index
        %parallel_loop3A_514 = tpu.vector_load %arg11[%parallel_loop3A_511, %parallel_loop3A_512, %parallel_loop3A_513] {strides = array<i32>} : memref<3x16x128xf32, #tpu.memory_space<vmem>>, vector<1x1x16xf32>,
        %parallel_loop3A_515 = vector.shape_cast %parallel_loop3A_514 : vector<1x1x16xf32> to vector<16xf32>
        %parallel_loop3A_516 = vector.shape_cast %parallel_loop3A_510 : vector<16xf32> to vector<1x1x16xf32>
        tpu.vector_store %arg11[%parallel_loop3A_511, %parallel_loop3A_512, %parallel_loop3A_513], %parallel_loop3A_516 {strides = array<i32>} : memref<3x16x128xf32, #tpu.memory_space<vmem>>, vector<1x1x16xf32>,
        %parallel_loop3A_517 = arith.constant 0 : i32
        %parallel_loop3A_518 = arith.addi %parallel_loop3A_141, %parallel_loop3A_517 : i32
        %parallel_loop3A_519 = arith.index_cast %rem3A_82 : i32 to index
        %parallel_loop3A_520 = arith.index_cast %parallel_loop3A_518 : i32 to index
        %parallel_loop3A_521 = arith.constant 80 : index
        %parallel_loop3A_522 = tpu.vector_load %arg9[%parallel_loop3A_519, %parallel_loop3A_520, %parallel_loop3A_521] {strides = array<i32>} : memref<3x128x128xf32, #tpu.memory_space<vmem>>, vector<1x1x16xf32>,
        %parallel_loop3A_523 = vector.shape_cast %parallel_loop3A_522 : vector<1x1x16xf32> to vector<16xf32>
        %parallel_loop3A_524 = arith.constant 1 : i32
        %parallel_loop3A_525 = arith.addi %parallel_loop3A_141, %parallel_loop3A_524 : i32
        %parallel_loop3A_526 = arith.index_cast %rem3A_82 : i32 to index
        %parallel_loop3A_527 = arith.index_cast %parallel_loop3A_525 : i32 to index
        %parallel_loop3A_528 = arith.constant 80 : index
        %parallel_loop3A_529 = tpu.vector_load %arg9[%parallel_loop3A_526, %parallel_loop3A_527, %parallel_loop3A_528] {strides = array<i32>} : memref<3x128x128xf32, #tpu.memory_space<vmem>>, vector<1x1x16xf32>,
        %parallel_loop3A_530 = vector.shape_cast %parallel_loop3A_529 : vector<1x1x16xf32> to vector<16xf32>
        %parallel_loop3A_531 = arith.addf %parallel_loop3A_523, %parallel_loop3A_530 : vector<16xf32>
        %parallel_loop3A_532 = arith.constant 2 : i32
        %parallel_loop3A_533 = arith.addi %parallel_loop3A_141, %parallel_loop3A_532 : i32
        %parallel_loop3A_534 = arith.index_cast %rem3A_82 : i32 to index
        %parallel_loop3A_535 = arith.index_cast %parallel_loop3A_533 : i32 to index
        %parallel_loop3A_536 = arith.constant 80 : index
        %parallel_loop3A_537 = tpu.vector_load %arg9[%parallel_loop3A_534, %parallel_loop3A_535, %parallel_loop3A_536] {strides = array<i32>} : memref<3x128x128xf32, #tpu.memory_space<vmem>>, vector<1x1x16xf32>,
        %parallel_loop3A_538 = vector.shape_cast %parallel_loop3A_537 : vector<1x1x16xf32> to vector<16xf32>
        %parallel_loop3A_539 = arith.constant 3 : i32
        %parallel_loop3A_540 = arith.addi %parallel_loop3A_141, %parallel_loop3A_539 : i32
        %parallel_loop3A_541 = arith.index_cast %rem3A_82 : i32 to index
        %parallel_loop3A_542 = arith.index_cast %parallel_loop3A_540 : i32 to index
        %parallel_loop3A_543 = arith.constant 80 : index
        %parallel_loop3A_544 = tpu.vector_load %arg9[%parallel_loop3A_541, %parallel_loop3A_542, %parallel_loop3A_543] {strides = array<i32>} : memref<3x128x128xf32, #tpu.memory_space<vmem>>, vector<1x1x16xf32>,
        %parallel_loop3A_545 = vector.shape_cast %parallel_loop3A_544 : vector<1x1x16xf32> to vector<16xf32>
        %parallel_loop3A_546 = arith.addf %parallel_loop3A_538, %parallel_loop3A_545 : vector<16xf32>
        %parallel_loop3A_547 = arith.constant 4 : i32
        %parallel_loop3A_548 = arith.addi %parallel_loop3A_141, %parallel_loop3A_547 : i32
        %parallel_loop3A_549 = arith.index_cast %rem3A_82 : i32 to index
        %parallel_loop3A_550 = arith.index_cast %parallel_loop3A_548 : i32 to index
        %parallel_loop3A_551 = arith.constant 80 : index
        %parallel_loop3A_552 = tpu.vector_load %arg9[%parallel_loop3A_549, %parallel_loop3A_550, %parallel_loop3A_551] {strides = array<i32>} : memref<3x128x128xf32, #tpu.memory_space<vmem>>, vector<1x1x16xf32>,
        %parallel_loop3A_553 = vector.shape_cast %parallel_loop3A_552 : vector<1x1x16xf32> to vector<16xf32>
        %parallel_loop3A_554 = arith.constant 5 : i32
        %parallel_loop3A_555 = arith.addi %parallel_loop3A_141, %parallel_loop3A_554 : i32
        %parallel_loop3A_556 = arith.index_cast %rem3A_82 : i32 to index
        %parallel_loop3A_557 = arith.index_cast %parallel_loop3A_555 : i32 to index
        %parallel_loop3A_558 = arith.constant 80 : index
        %parallel_loop3A_559 = tpu.vector_load %arg9[%parallel_loop3A_556, %parallel_loop3A_557, %parallel_loop3A_558] {strides = array<i32>} : memref<3x128x128xf32, #tpu.memory_space<vmem>>, vector<1x1x16xf32>,
        %parallel_loop3A_560 = vector.shape_cast %parallel_loop3A_559 : vector<1x1x16xf32> to vector<16xf32>
        %parallel_loop3A_561 = arith.addf %parallel_loop3A_553, %parallel_loop3A_560 : vector<16xf32>
        %parallel_loop3A_562 = arith.constant 6 : i32
        %parallel_loop3A_563 = arith.addi %parallel_loop3A_141, %parallel_loop3A_562 : i32
        %parallel_loop3A_564 = arith.index_cast %rem3A_82 : i32 to index
        %parallel_loop3A_565 = arith.index_cast %parallel_loop3A_563 : i32 to index
        %parallel_loop3A_566 = arith.constant 80 : index
        %parallel_loop3A_567 = tpu.vector_load %arg9[%parallel_loop3A_564, %parallel_loop3A_565, %parallel_loop3A_566] {strides = array<i32>} : memref<3x128x128xf32, #tpu.memory_space<vmem>>, vector<1x1x16xf32>,
        %parallel_loop3A_568 = vector.shape_cast %parallel_loop3A_567 : vector<1x1x16xf32> to vector<16xf32>
        %parallel_loop3A_569 = arith.constant 7 : i32
        %parallel_loop3A_570 = arith.addi %parallel_loop3A_141, %parallel_loop3A_569 : i32
        %parallel_loop3A_571 = arith.index_cast %rem3A_82 : i32 to index
        %parallel_loop3A_572 = arith.index_cast %parallel_loop3A_570 : i32 to index
        %parallel_loop3A_573 = arith.constant 80 : index
        %parallel_loop3A_574 = tpu.vector_load %arg9[%parallel_loop3A_571, %parallel_loop3A_572, %parallel_loop3A_573] {strides = array<i32>} : memref<3x128x128xf32, #tpu.memory_space<vmem>>, vector<1x1x16xf32>,
        %parallel_loop3A_575 = vector.shape_cast %parallel_loop3A_574 : vector<1x1x16xf32> to vector<16xf32>
        %parallel_loop3A_576 = arith.addf %parallel_loop3A_568, %parallel_loop3A_575 : vector<16xf32>
        %parallel_loop3A_577 = arith.addf %parallel_loop3A_531, %parallel_loop3A_546 : vector<16xf32>
        %parallel_loop3A_578 = arith.addf %parallel_loop3A_561, %parallel_loop3A_576 : vector<16xf32>
        %parallel_loop3A_579 = arith.index_cast %rem3A_82 : i32 to index
        %parallel_loop3A_580 = arith.index_cast %parallel_loop3A_139 : i32 to index
        %parallel_loop3A_581 = arith.constant 80 : index
        %parallel_loop3A_582 = tpu.vector_load %arg10[%parallel_loop3A_579, %parallel_loop3A_580, %parallel_loop3A_581] {strides = array<i32>} : memref<3x16x128xf32, #tpu.memory_space<vmem>>, vector<1x1x16xf32>,
        %parallel_loop3A_583 = vector.shape_cast %parallel_loop3A_582 : vector<1x1x16xf32> to vector<16xf32>
        %parallel_loop3A_584 = arith.addf %parallel_loop3A_578, %parallel_loop3A_583 : vector<16xf32>
        %parallel_loop3A_585 = arith.addf %parallel_loop3A_577, %parallel_loop3A_584 : vector<16xf32>
        %parallel_loop3A_586 = arith.index_cast %rem3A_82 : i32 to index
        %parallel_loop3A_587 = arith.index_cast %parallel_loop3A_139 : i32 to index
        %parallel_loop3A_588 = arith.constant 80 : index
        %parallel_loop3A_589 = tpu.vector_load %arg11[%parallel_loop3A_586, %parallel_loop3A_587, %parallel_loop3A_588] {strides = array<i32>} : memref<3x16x128xf32, #tpu.memory_space<vmem>>, vector<1x1x16xf32>,
        %parallel_loop3A_590 = vector.shape_cast %parallel_loop3A_589 : vector<1x1x16xf32> to vector<16xf32>
        %parallel_loop3A_591 = vector.shape_cast %parallel_loop3A_585 : vector<16xf32> to vector<1x1x16xf32>
        tpu.vector_store %arg11[%parallel_loop3A_586, %parallel_loop3A_587, %parallel_loop3A_588], %parallel_loop3A_591 {strides = array<i32>} : memref<3x16x128xf32, #tpu.memory_space<vmem>>, vector<1x1x16xf32>,
        %parallel_loop3A_592 = arith.constant 0 : i32
        %parallel_loop3A_593 = arith.addi %parallel_loop3A_141, %parallel_loop3A_592 : i32
        %parallel_loop3A_594 = arith.index_cast %rem3A_82 : i32 to index
        %parallel_loop3A_595 = arith.index_cast %parallel_loop3A_593 : i32 to index
        %parallel_loop3A_596 = arith.constant 96 : index
        %parallel_loop3A_597 = tpu.vector_load %arg9[%parallel_loop3A_594, %parallel_loop3A_595, %parallel_loop3A_596] {strides = array<i32>} : memref<3x128x128xf32, #tpu.memory_space<vmem>>, vector<1x1x16xf32>,
        %parallel_loop3A_598 = vector.shape_cast %parallel_loop3A_597 : vector<1x1x16xf32> to vector<16xf32>
        %parallel_loop3A_599 = arith.constant 1 : i32
        %parallel_loop3A_600 = arith.addi %parallel_loop3A_141, %parallel_loop3A_599 : i32
        %parallel_loop3A_601 = arith.index_cast %rem3A_82 : i32 to index
        %parallel_loop3A_602 = arith.index_cast %parallel_loop3A_600 : i32 to index
        %parallel_loop3A_603 = arith.constant 96 : index
        %parallel_loop3A_604 = tpu.vector_load %arg9[%parallel_loop3A_601, %parallel_loop3A_602, %parallel_loop3A_603] {strides = array<i32>} : memref<3x128x128xf32, #tpu.memory_space<vmem>>, vector<1x1x16xf32>,
        %parallel_loop3A_605 = vector.shape_cast %parallel_loop3A_604 : vector<1x1x16xf32> to vector<16xf32>
        %parallel_loop3A_606 = arith.addf %parallel_loop3A_598, %parallel_loop3A_605 : vector<16xf32>
        %parallel_loop3A_607 = arith.constant 2 : i32
        %parallel_loop3A_608 = arith.addi %parallel_loop3A_141, %parallel_loop3A_607 : i32
        %parallel_loop3A_609 = arith.index_cast %rem3A_82 : i32 to index
        %parallel_loop3A_610 = arith.index_cast %parallel_loop3A_608 : i32 to index
        %parallel_loop3A_611 = arith.constant 96 : index
        %parallel_loop3A_612 = tpu.vector_load %arg9[%parallel_loop3A_609, %parallel_loop3A_610, %parallel_loop3A_611] {strides = array<i32>} : memref<3x128x128xf32, #tpu.memory_space<vmem>>, vector<1x1x16xf32>,
        %parallel_loop3A_613 = vector.shape_cast %parallel_loop3A_612 : vector<1x1x16xf32> to vector<16xf32>
        %parallel_loop3A_614 = arith.constant 3 : i32
        %parallel_loop3A_615 = arith.addi %parallel_loop3A_141, %parallel_loop3A_614 : i32
        %parallel_loop3A_616 = arith.index_cast %rem3A_82 : i32 to index
        %parallel_loop3A_617 = arith.index_cast %parallel_loop3A_615 : i32 to index
        %parallel_loop3A_618 = arith.constant 96 : index
        %parallel_loop3A_619 = tpu.vector_load %arg9[%parallel_loop3A_616, %parallel_loop3A_617, %parallel_loop3A_618] {strides = array<i32>} : memref<3x128x128xf32, #tpu.memory_space<vmem>>, vector<1x1x16xf32>,
        %parallel_loop3A_620 = vector.shape_cast %parallel_loop3A_619 : vector<1x1x16xf32> to vector<16xf32>
        %parallel_loop3A_621 = arith.addf %parallel_loop3A_613, %parallel_loop3A_620 : vector<16xf32>
        %parallel_loop3A_622 = arith.constant 4 : i32
        %parallel_loop3A_623 = arith.addi %parallel_loop3A_141, %parallel_loop3A_622 : i32
        %parallel_loop3A_624 = arith.index_cast %rem3A_82 : i32 to index
        %parallel_loop3A_625 = arith.index_cast %parallel_loop3A_623 : i32 to index
        %parallel_loop3A_626 = arith.constant 96 : index
        %parallel_loop3A_627 = tpu.vector_load %arg9[%parallel_loop3A_624, %parallel_loop3A_625, %parallel_loop3A_626] {strides = array<i32>} : memref<3x128x128xf32, #tpu.memory_space<vmem>>, vector<1x1x16xf32>,
        %parallel_loop3A_628 = vector.shape_cast %parallel_loop3A_627 : vector<1x1x16xf32> to vector<16xf32>
        %parallel_loop3A_629 = arith.constant 5 : i32
        %parallel_loop3A_630 = arith.addi %parallel_loop3A_141, %parallel_loop3A_629 : i32
        %parallel_loop3A_631 = arith.index_cast %rem3A_82 : i32 to index
        %parallel_loop3A_632 = arith.index_cast %parallel_loop3A_630 : i32 to index
        %parallel_loop3A_633 = arith.constant 96 : index
        %parallel_loop3A_634 = tpu.vector_load %arg9[%parallel_loop3A_631, %parallel_loop3A_632, %parallel_loop3A_633] {strides = array<i32>} : memref<3x128x128xf32, #tpu.memory_space<vmem>>, vector<1x1x16xf32>,
        %parallel_loop3A_635 = vector.shape_cast %parallel_loop3A_634 : vector<1x1x16xf32> to vector<16xf32>
        %parallel_loop3A_636 = arith.addf %parallel_loop3A_628, %parallel_loop3A_635 : vector<16xf32>
        %parallel_loop3A_637 = arith.constant 6 : i32
        %parallel_loop3A_638 = arith.addi %parallel_loop3A_141, %parallel_loop3A_637 : i32
        %parallel_loop3A_639 = arith.index_cast %rem3A_82 : i32 to index
        %parallel_loop3A_640 = arith.index_cast %parallel_loop3A_638 : i32 to index
        %parallel_loop3A_641 = arith.constant 96 : index
        %parallel_loop3A_642 = tpu.vector_load %arg9[%parallel_loop3A_639, %parallel_loop3A_640, %parallel_loop3A_641] {strides = array<i32>} : memref<3x128x128xf32, #tpu.memory_space<vmem>>, vector<1x1x16xf32>,
        %parallel_loop3A_643 = vector.shape_cast %parallel_loop3A_642 : vector<1x1x16xf32> to vector<16xf32>
        %parallel_loop3A_644 = arith.constant 7 : i32
        %parallel_loop3A_645 = arith.addi %parallel_loop3A_141, %parallel_loop3A_644 : i32
        %parallel_loop3A_646 = arith.index_cast %rem3A_82 : i32 to index
        %parallel_loop3A_647 = arith.index_cast %parallel_loop3A_645 : i32 to index
        %parallel_loop3A_648 = arith.constant 96 : index
        %parallel_loop3A_649 = tpu.vector_load %arg9[%parallel_loop3A_646, %parallel_loop3A_647, %parallel_loop3A_648] {strides = array<i32>} : memref<3x128x128xf32, #tpu.memory_space<vmem>>, vector<1x1x16xf32>,
        %parallel_loop3A_650 = vector.shape_cast %parallel_loop3A_649 : vector<1x1x16xf32> to vector<16xf32>
        %parallel_loop3A_651 = arith.addf %parallel_loop3A_643, %parallel_loop3A_650 : vector<16xf32>
        %parallel_loop3A_652 = arith.addf %parallel_loop3A_606, %parallel_loop3A_621 : vector<16xf32>
        %parallel_loop3A_653 = arith.addf %parallel_loop3A_636, %parallel_loop3A_651 : vector<16xf32>
        %parallel_loop3A_654 = arith.index_cast %rem3A_82 : i32 to index
        %parallel_loop3A_655 = arith.index_cast %parallel_loop3A_139 : i32 to index
        %parallel_loop3A_656 = arith.constant 96 : index
        %parallel_loop3A_657 = tpu.vector_load %arg10[%parallel_loop3A_654, %parallel_loop3A_655, %parallel_loop3A_656] {strides = array<i32>} : memref<3x16x128xf32, #tpu.memory_space<vmem>>, vector<1x1x16xf32>,
        %parallel_loop3A_658 = vector.shape_cast %parallel_loop3A_657 : vector<1x1x16xf32> to vector<16xf32>
        %parallel_loop3A_659 = arith.addf %parallel_loop3A_653, %parallel_loop3A_658 : vector<16xf32>
        %parallel_loop3A_660 = arith.addf %parallel_loop3A_652, %parallel_loop3A_659 : vector<16xf32>
        %parallel_loop3A_661 = arith.index_cast %rem3A_82 : i32 to index
        %parallel_loop3A_662 = arith.index_cast %parallel_loop3A_139 : i32 to index
        %parallel_loop3A_663 = arith.constant 96 : index
        %parallel_loop3A_664 = tpu.vector_load %arg11[%parallel_loop3A_661, %parallel_loop3A_662, %parallel_loop3A_663] {strides = array<i32>} : memref<3x16x128xf32, #tpu.memory_space<vmem>>, vector<1x1x16xf32>,
        %parallel_loop3A_665 = vector.shape_cast %parallel_loop3A_664 : vector<1x1x16xf32> to vector<16xf32>
        %parallel_loop3A_666 = vector.shape_cast %parallel_loop3A_660 : vector<16xf32> to vector<1x1x16xf32>
        tpu.vector_store %arg11[%parallel_loop3A_661, %parallel_loop3A_662, %parallel_loop3A_663], %parallel_loop3A_666 {strides = array<i32>} : memref<3x16x128xf32, #tpu.memory_space<vmem>>, vector<1x1x16xf32>,
        %parallel_loop3A_667 = arith.constant 0 : i32
        %parallel_loop3A_668 = arith.addi %parallel_loop3A_141, %parallel_loop3A_667 : i32
        %parallel_loop3A_669 = arith.index_cast %rem3A_82 : i32 to index
        %parallel_loop3A_670 = arith.index_cast %parallel_loop3A_668 : i32 to index
        %parallel_loop3A_671 = arith.constant 112 : index
        %parallel_loop3A_672 = tpu.vector_load %arg9[%parallel_loop3A_669, %parallel_loop3A_670, %parallel_loop3A_671] {strides = array<i32>} : memref<3x128x128xf32, #tpu.memory_space<vmem>>, vector<1x1x16xf32>,
        %parallel_loop3A_673 = vector.shape_cast %parallel_loop3A_672 : vector<1x1x16xf32> to vector<16xf32>
        %parallel_loop3A_674 = arith.constant 1 : i32
        %parallel_loop3A_675 = arith.addi %parallel_loop3A_141, %parallel_loop3A_674 : i32
        %parallel_loop3A_676 = arith.index_cast %rem3A_82 : i32 to index
        %parallel_loop3A_677 = arith.index_cast %parallel_loop3A_675 : i32 to index
        %parallel_loop3A_678 = arith.constant 112 : index
        %parallel_loop3A_679 = tpu.vector_load %arg9[%parallel_loop3A_676, %parallel_loop3A_677, %parallel_loop3A_678] {strides = array<i32>} : memref<3x128x128xf32, #tpu.memory_space<vmem>>, vector<1x1x16xf32>,
        %parallel_loop3A_680 = vector.shape_cast %parallel_loop3A_679 : vector<1x1x16xf32> to vector<16xf32>
        %parallel_loop3A_681 = arith.addf %parallel_loop3A_673, %parallel_loop3A_680 : vector<16xf32>
        %parallel_loop3A_682 = arith.constant 2 : i32
        %parallel_loop3A_683 = arith.addi %parallel_loop3A_141, %parallel_loop3A_682 : i32
        %parallel_loop3A_684 = arith.index_cast %rem3A_82 : i32 to index
        %parallel_loop3A_685 = arith.index_cast %parallel_loop3A_683 : i32 to index
        %parallel_loop3A_686 = arith.constant 112 : index
        %parallel_loop3A_687 = tpu.vector_load %arg9[%parallel_loop3A_684, %parallel_loop3A_685, %parallel_loop3A_686] {strides = array<i32>} : memref<3x128x128xf32, #tpu.memory_space<vmem>>, vector<1x1x16xf32>,
        %parallel_loop3A_688 = vector.shape_cast %parallel_loop3A_687 : vector<1x1x16xf32> to vector<16xf32>
        %parallel_loop3A_689 = arith.constant 3 : i32
        %parallel_loop3A_690 = arith.addi %parallel_loop3A_141, %parallel_loop3A_689 : i32
        %parallel_loop3A_691 = arith.index_cast %rem3A_82 : i32 to index
        %parallel_loop3A_692 = arith.index_cast %parallel_loop3A_690 : i32 to index
        %parallel_loop3A_693 = arith.constant 112 : index
        %parallel_loop3A_694 = tpu.vector_load %arg9[%parallel_loop3A_691, %parallel_loop3A_692, %parallel_loop3A_693] {strides = array<i32>} : memref<3x128x128xf32, #tpu.memory_space<vmem>>, vector<1x1x16xf32>,
        %parallel_loop3A_695 = vector.shape_cast %parallel_loop3A_694 : vector<1x1x16xf32> to vector<16xf32>
        %parallel_loop3A_696 = arith.addf %parallel_loop3A_688, %parallel_loop3A_695 : vector<16xf32>
        %parallel_loop3A_697 = arith.constant 4 : i32
        %parallel_loop3A_698 = arith.addi %parallel_loop3A_141, %parallel_loop3A_697 : i32
        %parallel_loop3A_699 = arith.index_cast %rem3A_82 : i32 to index
        %parallel_loop3A_700 = arith.index_cast %parallel_loop3A_698 : i32 to index
        %parallel_loop3A_701 = arith.constant 112 : index
        %parallel_loop3A_702 = tpu.vector_load %arg9[%parallel_loop3A_699, %parallel_loop3A_700, %parallel_loop3A_701] {strides = array<i32>} : memref<3x128x128xf32, #tpu.memory_space<vmem>>, vector<1x1x16xf32>,
        %parallel_loop3A_703 = vector.shape_cast %parallel_loop3A_702 : vector<1x1x16xf32> to vector<16xf32>
        %parallel_loop3A_704 = arith.constant 5 : i32
        %parallel_loop3A_705 = arith.addi %parallel_loop3A_141, %parallel_loop3A_704 : i32
        %parallel_loop3A_706 = arith.index_cast %rem3A_82 : i32 to index
        %parallel_loop3A_707 = arith.index_cast %parallel_loop3A_705 : i32 to index
        %parallel_loop3A_708 = arith.constant 112 : index
        %parallel_loop3A_709 = tpu.vector_load %arg9[%parallel_loop3A_706, %parallel_loop3A_707, %parallel_loop3A_708] {strides = array<i32>} : memref<3x128x128xf32, #tpu.memory_space<vmem>>, vector<1x1x16xf32>,
        %parallel_loop3A_710 = vector.shape_cast %parallel_loop3A_709 : vector<1x1x16xf32> to vector<16xf32>
        %parallel_loop3A_711 = arith.addf %parallel_loop3A_703, %parallel_loop3A_710 : vector<16xf32>
        %parallel_loop3A_712 = arith.constant 6 : i32
        %parallel_loop3A_713 = arith.addi %parallel_loop3A_141, %parallel_loop3A_712 : i32
        %parallel_loop3A_714 = arith.index_cast %rem3A_82 : i32 to index
        %parallel_loop3A_715 = arith.index_cast %parallel_loop3A_713 : i32 to index
        %parallel_loop3A_716 = arith.constant 112 : index
        %parallel_loop3A_717 = tpu.vector_load %arg9[%parallel_loop3A_714, %parallel_loop3A_715, %parallel_loop3A_716] {strides = array<i32>} : memref<3x128x128xf32, #tpu.memory_space<vmem>>, vector<1x1x16xf32>,
        %parallel_loop3A_718 = vector.shape_cast %parallel_loop3A_717 : vector<1x1x16xf32> to vector<16xf32>
        %parallel_loop3A_719 = arith.constant 7 : i32
        %parallel_loop3A_720 = arith.addi %parallel_loop3A_141, %parallel_loop3A_719 : i32
        %parallel_loop3A_721 = arith.index_cast %rem3A_82 : i32 to index
        %parallel_loop3A_722 = arith.index_cast %parallel_loop3A_720 : i32 to index
        %parallel_loop3A_723 = arith.constant 112 : index
        %parallel_loop3A_724 = tpu.vector_load %arg9[%parallel_loop3A_721, %parallel_loop3A_722, %parallel_loop3A_723] {strides = array<i32>} : memref<3x128x128xf32, #tpu.memory_space<vmem>>, vector<1x1x16xf32>,
        %parallel_loop3A_725 = vector.shape_cast %parallel_loop3A_724 : vector<1x1x16xf32> to vector<16xf32>
        %parallel_loop3A_726 = arith.addf %parallel_loop3A_718, %parallel_loop3A_725 : vector<16xf32>
        %parallel_loop3A_727 = arith.addf %parallel_loop3A_681, %parallel_loop3A_696 : vector<16xf32>
        %parallel_loop3A_728 = arith.addf %parallel_loop3A_711, %parallel_loop3A_726 : vector<16xf32>
        %parallel_loop3A_729 = arith.index_cast %rem3A_82 : i32 to index
        %parallel_loop3A_730 = arith.index_cast %parallel_loop3A_139 : i32 to index
        %parallel_loop3A_731 = arith.constant 112 : index
        %parallel_loop3A_732 = tpu.vector_load %arg10[%parallel_loop3A_729, %parallel_loop3A_730, %parallel_loop3A_731] {strides = array<i32>} : memref<3x16x128xf32, #tpu.memory_space<vmem>>, vector<1x1x16xf32>,
        %parallel_loop3A_733 = vector.shape_cast %parallel_loop3A_732 : vector<1x1x16xf32> to vector<16xf32>
        %parallel_loop3A_734 = arith.addf %parallel_loop3A_728, %parallel_loop3A_733 : vector<16xf32>
        %parallel_loop3A_735 = arith.addf %parallel_loop3A_727, %parallel_loop3A_734 : vector<16xf32>
        %parallel_loop3A_736 = arith.index_cast %rem3A_82 : i32 to index
        %parallel_loop3A_737 = arith.index_cast %parallel_loop3A_139 : i32 to index
        %parallel_loop3A_738 = arith.constant 112 : index
        %parallel_loop3A_739 = tpu.vector_load %arg11[%parallel_loop3A_736, %parallel_loop3A_737, %parallel_loop3A_738] {strides = array<i32>} : memref<3x16x128xf32, #tpu.memory_space<vmem>>, vector<1x1x16xf32>,
        %parallel_loop3A_740 = vector.shape_cast %parallel_loop3A_739 : vector<1x1x16xf32> to vector<16xf32>
        %parallel_loop3A_741 = vector.shape_cast %parallel_loop3A_735 : vector<16xf32> to vector<1x1x16xf32>
        tpu.vector_store %arg11[%parallel_loop3A_736, %parallel_loop3A_737, %parallel_loop3A_738], %parallel_loop3A_741 {strides = array<i32>} : memref<3x16x128xf32, #tpu.memory_space<vmem>>, vector<1x1x16xf32>,
      } {sc.loop_unroll_factor = 2 : i64, sc.parallel_access}
      %add3A_122 = arith.addi %add3A_8, %while3A_81 : i32
      %mul3A_123 = arith.constant 16 : i32
      %mul3A_124 = arith.muli %add3A_122, %mul3A_123 : i32
      %dma_start3A_125 = arith.constant 0 : i32
      %dma_start3A_126 = arith.constant 0 : i32
      %dma_start3A_127 = tpu.memref_slice %arg11[%rem3A_82, %dma_start3A_125, %dma_start3A_126] : memref<3x16x128xf32, #tpu.memory_space<vmem>> -> memref<1x16x128xf32, #tpu.memory_space<vmem>>
      %dma_start3A_128 = tpu.memref_squeeze %dma_start3A_127 : memref<1x16x128xf32, #tpu.memory_space<vmem>> -> memref<16x128xf32, #tpu.memory_space<vmem>>
      %dma_start3A_129 = arith.constant 0 : i32
      %dma_start3A_130 = tpu.memref_slice %arg6[%mul3A_124, %dma_start3A_129] : memref<100000x128xf32, #tpu.memory_space<hbm>> -> memref<16x128xf32, #tpu.memory_space<hbm>>
      %dma_start3A_131 = tpu.memref_slice %arg14[%rem3A_82] : memref<3x!tpu.dma_semaphore, #tpu.memory_space<semaphore_mem>> -> memref<1x!tpu.dma_semaphore, #tpu.memory_space<semaphore_mem>>
      %dma_start3A_132 = tpu.memref_squeeze %dma_start3A_131 : memref<1x!tpu.dma_semaphore, #tpu.memory_space<semaphore_mem>> -> memref<!tpu.dma_semaphore, #tpu.memory_space<semaphore_mem>>
      %dma_start3A_133 = arith.constant 0 : i32
      %dma_start3A_134 = tpu.memref_slice %arg6[%mul3A_124, %dma_start3A_133] : memref<100000x128xf32, #tpu.memory_space<hbm>> -> memref<16x128xf32, #tpu.memory_space<hbm>>
      %dma_start3A_135 = arith.constant 0 : i32
      %dma_start3A_136 = arith.constant 0 : i32
      %dma_start3A_137 = tpu.memref_slice %arg11[%rem3A_82, %dma_start3A_135, %dma_start3A_136] : memref<3x16x128xf32, #tpu.memory_space<vmem>> -> memref<1x16x128xf32, #tpu.memory_space<vmem>>
      %dma_start3A_138 = tpu.memref_squeeze %dma_start3A_137 : memref<1x16x128xf32, #tpu.memory_space<vmem>> -> memref<16x128xf32, #tpu.memory_space<vmem>>
      tpu.enqueue_dma source(%dma_start3A_138 : memref<16x128xf32, #tpu.memory_space<vmem>>) target(%dma_start3A_134 : memref<16x128xf32, #tpu.memory_space<hbm>>) target_semaphore(%dma_start3A_132 : memref<!tpu.dma_semaphore, #tpu.memory_space<semaphore_mem>>)
    }
    %while3A_75 = arith.constant 1 : i32
    scf.for %while3A_81 = %while3A_73 to %while3A_69 step %while3A_75  : i32 {
      %rem3A = arith.constant 3 : i32
      %rem3A_82 = arith.remsi %while3A_81, %rem3A : i32
      %add3A_83 = arith.constant 3 : i32
      %add3A_84 = arith.addi %while3A_81, %add3A_83 : i32
      %sub3A = arith.constant 1 : i32
      %sub3A_85 = arith.subi %add3A_84, %sub3A : i32
      %lt3A_86 = arith.cmpi slt, %sub3A_85, %add3A_4 : i32
      %convert_element_type3A_87 = arith.extui %lt3A_86 : i1 to i32
      %cond3A_88 = arith.constant 0 : i32
      %cond3A_89 = arith.cmpi ne, %convert_element_type3A_87, %cond3A_88 : i32
      scf.if %cond3A_89 {
        %add3A_139 = arith.constant 3 : i32
        %add3A_140 = arith.addi %while3A_81, %add3A_139 : i32
        %sub3A_141 = arith.constant 1 : i32
        %sub3A_142 = arith.subi %add3A_140, %sub3A_141 : i32
        %add3A_143 = arith.constant 3 : i32
        %add3A_144 = arith.addi %while3A_81, %add3A_143 : i32
        %sub3A_145 = arith.constant 1 : i32
        %sub3A_146 = arith.subi %add3A_144, %sub3A_145 : i32
        %rem3A_147 = arith.constant 3 : i32
        %rem3A_148 = arith.remsi %sub3A_146, %rem3A_147 : i32
        %mul3A_149 = arith.constant 16 : i32
        %mul3A_150 = arith.muli %sub3A_142, %mul3A_149 : i32
        %mul3A_151 = arith.constant 8 : i32
        %mul3A_152 = arith.muli %mul3A_150, %mul3A_151 : i32
        %dma_start3A_153 = arith.constant 0 : i32
        %dma_start3A_154 = arith.constant 0 : i32
        %dma_start3A_155 = tpu.memref_slice %arg9[%rem3A_148, %dma_start3A_153, %dma_start3A_154] : memref<3x128x128xf32, #tpu.memory_space<vmem>> -> memref<1x128x128xf32, #tpu.memory_space<vmem>>
        %dma_start3A_156 = tpu.memref_squeeze %dma_start3A_155 : memref<1x128x128xf32, #tpu.memory_space<vmem>> -> memref<128x128xf32, #tpu.memory_space<vmem>>
        %dma_start3A_157 = tpu.memref_slice %arg7[%mul3A_152] : memref<25088xi32, #tpu.memory_space<vmem>> -> memref<128xi32, #tpu.memory_space<vmem>>
        %dma_start3A_158 = arith.constant 0 : i32
        %dma_start3A_159 = arith.constant 0 : i32
        %dma_start3A_160 = tpu.memref_slice %arg4[%dma_start3A_158, %dma_start3A_159] : memref<100000x128xf32, #tpu.memory_space<hbm>> -> memref<100000x128xf32, #tpu.memory_space<hbm>>
        %dma_start3A_161 = tpu.memref_slice %arg12[%rem3A_148] : memref<3x!tpu.dma_semaphore, #tpu.memory_space<semaphore_mem>> -> memref<1x!tpu.dma_semaphore, #tpu.memory_space<semaphore_mem>>
        %dma_start3A_162 = tpu.memref_squeeze %dma_start3A_161 : memref<1x!tpu.dma_semaphore, #tpu.memory_space<semaphore_mem>> -> memref<!tpu.dma_semaphore, #tpu.memory_space<semaphore_mem>>
        tpu.enqueue_indirect_dma source(%dma_start3A_160 : memref<100000x128xf32, #tpu.memory_space<hbm>>) target(%dma_start3A_156 : memref<128x128xf32, #tpu.memory_space<vmem>>) offsets(%dma_start3A_157 : memref<128xi32, #tpu.memory_space<vmem>>) semaphore(%dma_start3A_162 : memref<!tpu.dma_semaphore, #tpu.memory_space<semaphore_mem>>)
        %mul3A_163 = arith.constant 16 : i32
        %mul3A_164 = arith.muli %sub3A_142, %mul3A_163 : i32
        %dma_start3A_165 = arith.constant 0 : i32
        %dma_start3A_166 = arith.constant 0 : i32
        %dma_start3A_167 = tpu.memref_slice %arg10[%rem3A_148, %dma_start3A_165, %dma_start3A_166] : memref<3x16x128xf32, #tpu.memory_space<vmem>> -> memref<1x16x128xf32, #tpu.memory_space<vmem>>
        %dma_start3A_168 = tpu.memref_squeeze %dma_start3A_167 : memref<1x16x128xf32, #tpu.memory_space<vmem>> -> memref<16x128xf32, #tpu.memory_space<vmem>>
        %dma_start3A_169 = tpu.memref_slice %arg8[%mul3A_164] : memref<3136xi32, #tpu.memory_space<vmem>> -> memref<16xi32, #tpu.memory_space<vmem>>
        %dma_start3A_170 = arith.constant 0 : i32
        %dma_start3A_171 = arith.constant 0 : i32
        %dma_start3A_172 = tpu.memref_slice %arg5[%dma_start3A_170, %dma_start3A_171] : memref<1000x128xf32, #tpu.memory_space<hbm>> -> memref<1000x128xf32, #tpu.memory_space<hbm>>
        %dma_start3A_173 = tpu.memref_slice %arg13[%rem3A_148] : memref<3x!tpu.dma_semaphore, #tpu.memory_space<semaphore_mem>> -> memref<1x!tpu.dma_semaphore, #tpu.memory_space<semaphore_mem>>
        %dma_start3A_174 = tpu.memref_squeeze %dma_start3A_173 : memref<1x!tpu.dma_semaphore, #tpu.memory_space<semaphore_mem>> -> memref<!tpu.dma_semaphore, #tpu.memory_space<semaphore_mem>>
        tpu.enqueue_indirect_dma source(%dma_start3A_172 : memref<1000x128xf32, #tpu.memory_space<hbm>>) target(%dma_start3A_168 : memref<16x128xf32, #tpu.memory_space<vmem>>) offsets(%dma_start3A_169 : memref<16xi32, #tpu.memory_space<vmem>>) semaphore(%dma_start3A_174 : memref<!tpu.dma_semaphore, #tpu.memory_space<semaphore_mem>>)
      } else {
      }
      %mul3A_90 = arith.constant 16 : i32
      %mul3A_91 = arith.muli %while3A_81, %mul3A_90 : i32
      %mul3A_92 = arith.constant 8 : i32
      %mul3A_93 = arith.muli %mul3A_91, %mul3A_92 : i32
      %dma_wait3A = arith.constant 0 : i32
      %dma_wait3A_94 = arith.constant 0 : i32
      %dma_wait3A_95 = tpu.memref_slice %arg9[%rem3A_82, %dma_wait3A, %dma_wait3A_94] : memref<3x128x128xf32, #tpu.memory_space<vmem>> -> memref<1x128x128xf32, #tpu.memory_space<vmem>>
      %dma_wait3A_96 = tpu.memref_squeeze %dma_wait3A_95 : memref<1x128x128xf32, #tpu.memory_space<vmem>> -> memref<128x128xf32, #tpu.memory_space<vmem>>
      %dma_wait3A_97 = tpu.memref_slice %arg7[%mul3A_93] : memref<25088xi32, #tpu.memory_space<vmem>> -> memref<128xi32, #tpu.memory_space<vmem>>
      %dma_wait3A_98 = arith.constant 0 : i32
      %dma_wait3A_99 = arith.constant 0 : i32
      %dma_wait3A_100 = tpu.memref_slice %arg4[%dma_wait3A_98, %dma_wait3A_99] : memref<100000x128xf32, #tpu.memory_space<hbm>> -> memref<100000x128xf32, #tpu.memory_space<hbm>>
      %dma_wait3A_101 = tpu.memref_slice %arg12[%rem3A_82] : memref<3x!tpu.dma_semaphore, #tpu.memory_space<semaphore_mem>> -> memref<1x!tpu.dma_semaphore, #tpu.memory_space<semaphore_mem>>
      %dma_wait3A_102 = tpu.memref_squeeze %dma_wait3A_101 : memref<1x!tpu.dma_semaphore, #tpu.memory_space<semaphore_mem>> -> memref<!tpu.dma_semaphore, #tpu.memory_space<semaphore_mem>>
      tpu.wait_indirect_dma semaphore(%dma_wait3A_102 : memref<!tpu.dma_semaphore, #tpu.memory_space<semaphore_mem>>) src(%dma_wait3A_100 : memref<100000x128xf32, #tpu.memory_space<hbm>>) dst(%dma_wait3A_96 : memref<128x128xf32, #tpu.memory_space<vmem>>)
      %mul3A_103 = arith.constant 16 : i32
      %mul3A_104 = arith.muli %while3A_81, %mul3A_103 : i32
      %dma_wait3A_105 = arith.constant 0 : i32
      %dma_wait3A_106 = arith.constant 0 : i32
      %dma_wait3A_107 = tpu.memref_slice %arg10[%rem3A_82, %dma_wait3A_105, %dma_wait3A_106] : memref<3x16x128xf32, #tpu.memory_space<vmem>> -> memref<1x16x128xf32, #tpu.memory_space<vmem>>
      %dma_wait3A_108 = tpu.memref_squeeze %dma_wait3A_107 : memref<1x16x128xf32, #tpu.memory_space<vmem>> -> memref<16x128xf32, #tpu.memory_space<vmem>>
      %dma_wait3A_109 = tpu.memref_slice %arg8[%mul3A_104] : memref<3136xi32, #tpu.memory_space<vmem>> -> memref<16xi32, #tpu.memory_space<vmem>>
      %dma_wait3A_110 = arith.constant 0 : i32
      %dma_wait3A_111 = arith.constant 0 : i32
      %dma_wait3A_112 = tpu.memref_slice %arg5[%dma_wait3A_110, %dma_wait3A_111] : memref<1000x128xf32, #tpu.memory_space<hbm>> -> memref<1000x128xf32, #tpu.memory_space<hbm>>
      %dma_wait3A_113 = tpu.memref_slice %arg13[%rem3A_82] : memref<3x!tpu.dma_semaphore, #tpu.memory_space<semaphore_mem>> -> memref<1x!tpu.dma_semaphore, #tpu.memory_space<semaphore_mem>>
      %dma_wait3A_114 = tpu.memref_squeeze %dma_wait3A_113 : memref<1x!tpu.dma_semaphore, #tpu.memory_space<semaphore_mem>> -> memref<!tpu.dma_semaphore, #tpu.memory_space<semaphore_mem>>
      tpu.wait_indirect_dma semaphore(%dma_wait3A_114 : memref<!tpu.dma_semaphore, #tpu.memory_space<semaphore_mem>>) src(%dma_wait3A_112 : memref<1000x128xf32, #tpu.memory_space<hbm>>) dst(%dma_wait3A_108 : memref<16x128xf32, #tpu.memory_space<vmem>>)
      %ge3A_115 = arith.constant 3 : i32
      %ge3A_116 = arith.cmpi sge, %while3A_81, %ge3A_115 : i32
      %convert_element_type3A_117 = arith.extui %ge3A_116 : i1 to i32
      %cond3A_118 = arith.constant 0 : i32
      %cond3A_119 = arith.cmpi ne, %convert_element_type3A_117, %cond3A_118 : i32
      scf.if %cond3A_119 {
        %sub3A_139 = arith.constant 3 : i32
        %sub3A_140 = arith.subi %while3A_81, %sub3A_139 : i32
        %add3A_141 = arith.addi %add3A_8, %sub3A_140 : i32
        %mul3A_142 = arith.constant 16 : i32
        %mul3A_143 = arith.muli %add3A_141, %mul3A_142 : i32
        %dma_wait3A_144 = arith.constant 0 : i32
        %dma_wait3A_145 = arith.constant 0 : i32
        %dma_wait3A_146 = tpu.memref_slice %arg11[%rem3A_82, %dma_wait3A_144, %dma_wait3A_145] : memref<3x16x128xf32, #tpu.memory_space<vmem>> -> memref<1x16x128xf32, #tpu.memory_space<vmem>>
        %dma_wait3A_147 = tpu.memref_squeeze %dma_wait3A_146 : memref<1x16x128xf32, #tpu.memory_space<vmem>> -> memref<16x128xf32, #tpu.memory_space<vmem>>
        %dma_wait3A_148 = arith.constant 0 : i32
        %dma_wait3A_149 = tpu.memref_slice %arg6[%mul3A_143, %dma_wait3A_148] : memref<100000x128xf32, #tpu.memory_space<hbm>> -> memref<16x128xf32, #tpu.memory_space<hbm>>
        %dma_wait3A_150 = tpu.memref_slice %arg14[%rem3A_82] : memref<3x!tpu.dma_semaphore, #tpu.memory_space<semaphore_mem>> -> memref<1x!tpu.dma_semaphore, #tpu.memory_space<semaphore_mem>>
        %dma_wait3A_151 = tpu.memref_squeeze %dma_wait3A_150 : memref<1x!tpu.dma_semaphore, #tpu.memory_space<semaphore_mem>> -> memref<!tpu.dma_semaphore, #tpu.memory_space<semaphore_mem>>
        %dma_wait3A_152 = arith.constant 0 : i32
        %dma_wait3A_153 = tpu.memref_slice %arg6[%mul3A_143, %dma_wait3A_152] : memref<100000x128xf32, #tpu.memory_space<hbm>> -> memref<16x128xf32, #tpu.memory_space<hbm>>
        %dma_wait3A_154 = arith.constant 0 : i32
        %dma_wait3A_155 = arith.constant 0 : i32
        %dma_wait3A_156 = tpu.memref_slice %arg11[%rem3A_82, %dma_wait3A_154, %dma_wait3A_155] : memref<3x16x128xf32, #tpu.memory_space<vmem>> -> memref<1x16x128xf32, #tpu.memory_space<vmem>>
        %dma_wait3A_157 = tpu.memref_squeeze %dma_wait3A_156 : memref<1x16x128xf32, #tpu.memory_space<vmem>> -> memref<16x128xf32, #tpu.memory_space<vmem>>
        tpu.wait_dma2 semaphore(%dma_wait3A_151 : memref<!tpu.dma_semaphore, #tpu.memory_space<semaphore_mem>>) src(%dma_wait3A_157 : memref<16x128xf32, #tpu.memory_space<vmem>>) dst(%dma_wait3A_153 : memref<16x128xf32, #tpu.memory_space<hbm>>)
      } else {
      }
      %parallel_loop3A = arith.constant 0 : i32
      %parallel_loop3A_120 = arith.constant 16 : i32
      %parallel_loop3A_121 = arith.constant 1 : i32
      scf.for %parallel_loop3A_139 = %parallel_loop3A to %parallel_loop3A_120 step %parallel_loop3A_121  : i32 {
        %parallel_loop3A_140 = arith.constant 8 : i32
        %parallel_loop3A_141 = arith.muli %parallel_loop3A_139, %parallel_loop3A_140 : i32
        %parallel_loop3A_142 = arith.constant 0 : i32
        %parallel_loop3A_143 = arith.addi %parallel_loop3A_141, %parallel_loop3A_142 : i32
        %parallel_loop3A_144 = arith.index_cast %rem3A_82 : i32 to index
        %parallel_loop3A_145 = arith.index_cast %parallel_loop3A_143 : i32 to index
        %parallel_loop3A_146 = arith.constant 0 : index
        %parallel_loop3A_147 = tpu.vector_load %arg9[%parallel_loop3A_144, %parallel_loop3A_145, %parallel_loop3A_146] {strides = array<i32>} : memref<3x128x128xf32, #tpu.memory_space<vmem>>, vector<1x1x16xf32>,
        %parallel_loop3A_148 = vector.shape_cast %parallel_loop3A_147 : vector<1x1x16xf32> to vector<16xf32>
        %parallel_loop3A_149 = arith.constant 1 : i32
        %parallel_loop3A_150 = arith.addi %parallel_loop3A_141, %parallel_loop3A_149 : i32
        %parallel_loop3A_151 = arith.index_cast %rem3A_82 : i32 to index
        %parallel_loop3A_152 = arith.index_cast %parallel_loop3A_150 : i32 to index
        %parallel_loop3A_153 = arith.constant 0 : index
        %parallel_loop3A_154 = tpu.vector_load %arg9[%parallel_loop3A_151, %parallel_loop3A_152, %parallel_loop3A_153] {strides = array<i32>} : memref<3x128x128xf32, #tpu.memory_space<vmem>>, vector<1x1x16xf32>,
        %parallel_loop3A_155 = vector.shape_cast %parallel_loop3A_154 : vector<1x1x16xf32> to vector<16xf32>
        %parallel_loop3A_156 = arith.addf %parallel_loop3A_148, %parallel_loop3A_155 : vector<16xf32>
        %parallel_loop3A_157 = arith.constant 2 : i32
        %parallel_loop3A_158 = arith.addi %parallel_loop3A_141, %parallel_loop3A_157 : i32
        %parallel_loop3A_159 = arith.index_cast %rem3A_82 : i32 to index
        %parallel_loop3A_160 = arith.index_cast %parallel_loop3A_158 : i32 to index
        %parallel_loop3A_161 = arith.constant 0 : index
        %parallel_loop3A_162 = tpu.vector_load %arg9[%parallel_loop3A_159, %parallel_loop3A_160, %parallel_loop3A_161] {strides = array<i32>} : memref<3x128x128xf32, #tpu.memory_space<vmem>>, vector<1x1x16xf32>,
        %parallel_loop3A_163 = vector.shape_cast %parallel_loop3A_162 : vector<1x1x16xf32> to vector<16xf32>
        %parallel_loop3A_164 = arith.constant 3 : i32
        %parallel_loop3A_165 = arith.addi %parallel_loop3A_141, %parallel_loop3A_164 : i32
        %parallel_loop3A_166 = arith.index_cast %rem3A_82 : i32 to index
        %parallel_loop3A_167 = arith.index_cast %parallel_loop3A_165 : i32 to index
        %parallel_loop3A_168 = arith.constant 0 : index
        %parallel_loop3A_169 = tpu.vector_load %arg9[%parallel_loop3A_166, %parallel_loop3A_167, %parallel_loop3A_168] {strides = array<i32>} : memref<3x128x128xf32, #tpu.memory_space<vmem>>, vector<1x1x16xf32>,
        %parallel_loop3A_170 = vector.shape_cast %parallel_loop3A_169 : vector<1x1x16xf32> to vector<16xf32>
        %parallel_loop3A_171 = arith.addf %parallel_loop3A_163, %parallel_loop3A_170 : vector<16xf32>
        %parallel_loop3A_172 = arith.constant 4 : i32
        %parallel_loop3A_173 = arith.addi %parallel_loop3A_141, %parallel_loop3A_172 : i32
        %parallel_loop3A_174 = arith.index_cast %rem3A_82 : i32 to index
        %parallel_loop3A_175 = arith.index_cast %parallel_loop3A_173 : i32 to index
        %parallel_loop3A_176 = arith.constant 0 : index
        %parallel_loop3A_177 = tpu.vector_load %arg9[%parallel_loop3A_174, %parallel_loop3A_175, %parallel_loop3A_176] {strides = array<i32>} : memref<3x128x128xf32, #tpu.memory_space<vmem>>, vector<1x1x16xf32>,
        %parallel_loop3A_178 = vector.shape_cast %parallel_loop3A_177 : vector<1x1x16xf32> to vector<16xf32>
        %parallel_loop3A_179 = arith.constant 5 : i32
        %parallel_loop3A_180 = arith.addi %parallel_loop3A_141, %parallel_loop3A_179 : i32
        %parallel_loop3A_181 = arith.index_cast %rem3A_82 : i32 to index
        %parallel_loop3A_182 = arith.index_cast %parallel_loop3A_180 : i32 to index
        %parallel_loop3A_183 = arith.constant 0 : index
        %parallel_loop3A_184 = tpu.vector_load %arg9[%parallel_loop3A_181, %parallel_loop3A_182, %parallel_loop3A_183] {strides = array<i32>} : memref<3x128x128xf32, #tpu.memory_space<vmem>>, vector<1x1x16xf32>,
        %parallel_loop3A_185 = vector.shape_cast %parallel_loop3A_184 : vector<1x1x16xf32> to vector<16xf32>
        %parallel_loop3A_186 = arith.addf %parallel_loop3A_178, %parallel_loop3A_185 : vector<16xf32>
        %parallel_loop3A_187 = arith.constant 6 : i32
        %parallel_loop3A_188 = arith.addi %parallel_loop3A_141, %parallel_loop3A_187 : i32
        %parallel_loop3A_189 = arith.index_cast %rem3A_82 : i32 to index
        %parallel_loop3A_190 = arith.index_cast %parallel_loop3A_188 : i32 to index
        %parallel_loop3A_191 = arith.constant 0 : index
        %parallel_loop3A_192 = tpu.vector_load %arg9[%parallel_loop3A_189, %parallel_loop3A_190, %parallel_loop3A_191] {strides = array<i32>} : memref<3x128x128xf32, #tpu.memory_space<vmem>>, vector<1x1x16xf32>,
        %parallel_loop3A_193 = vector.shape_cast %parallel_loop3A_192 : vector<1x1x16xf32> to vector<16xf32>
        %parallel_loop3A_194 = arith.constant 7 : i32
        %parallel_loop3A_195 = arith.addi %parallel_loop3A_141, %parallel_loop3A_194 : i32
        %parallel_loop3A_196 = arith.index_cast %rem3A_82 : i32 to index
        %parallel_loop3A_197 = arith.index_cast %parallel_loop3A_195 : i32 to index
        %parallel_loop3A_198 = arith.constant 0 : index
        %parallel_loop3A_199 = tpu.vector_load %arg9[%parallel_loop3A_196, %parallel_loop3A_197, %parallel_loop3A_198] {strides = array<i32>} : memref<3x128x128xf32, #tpu.memory_space<vmem>>, vector<1x1x16xf32>,
        %parallel_loop3A_200 = vector.shape_cast %parallel_loop3A_199 : vector<1x1x16xf32> to vector<16xf32>
        %parallel_loop3A_201 = arith.addf %parallel_loop3A_193, %parallel_loop3A_200 : vector<16xf32>
        %parallel_loop3A_202 = arith.addf %parallel_loop3A_156, %parallel_loop3A_171 : vector<16xf32>
        %parallel_loop3A_203 = arith.addf %parallel_loop3A_186, %parallel_loop3A_201 : vector<16xf32>
        %parallel_loop3A_204 = arith.index_cast %rem3A_82 : i32 to index
        %parallel_loop3A_205 = arith.index_cast %parallel_loop3A_139 : i32 to index
        %parallel_loop3A_206 = arith.constant 0 : index
        %parallel_loop3A_207 = tpu.vector_load %arg10[%parallel_loop3A_204, %parallel_loop3A_205, %parallel_loop3A_206] {strides = array<i32>} : memref<3x16x128xf32, #tpu.memory_space<vmem>>, vector<1x1x16xf32>,
        %parallel_loop3A_208 = vector.shape_cast %parallel_loop3A_207 : vector<1x1x16xf32> to vector<16xf32>
        %parallel_loop3A_209 = arith.addf %parallel_loop3A_203, %parallel_loop3A_208 : vector<16xf32>
        %parallel_loop3A_210 = arith.addf %parallel_loop3A_202, %parallel_loop3A_209 : vector<16xf32>
        %parallel_loop3A_211 = arith.index_cast %rem3A_82 : i32 to index
        %parallel_loop3A_212 = arith.index_cast %parallel_loop3A_139 : i32 to index
        %parallel_loop3A_213 = arith.constant 0 : index
        %parallel_loop3A_214 = tpu.vector_load %arg11[%parallel_loop3A_211, %parallel_loop3A_212, %parallel_loop3A_213] {strides = array<i32>} : memref<3x16x128xf32, #tpu.memory_space<vmem>>, vector<1x1x16xf32>,
        %parallel_loop3A_215 = vector.shape_cast %parallel_loop3A_214 : vector<1x1x16xf32> to vector<16xf32>
        %parallel_loop3A_216 = vector.shape_cast %parallel_loop3A_210 : vector<16xf32> to vector<1x1x16xf32>
        tpu.vector_store %arg11[%parallel_loop3A_211, %parallel_loop3A_212, %parallel_loop3A_213], %parallel_loop3A_216 {strides = array<i32>} : memref<3x16x128xf32, #tpu.memory_space<vmem>>, vector<1x1x16xf32>,
        %parallel_loop3A_217 = arith.constant 0 : i32
        %parallel_loop3A_218 = arith.addi %parallel_loop3A_141, %parallel_loop3A_217 : i32
        %parallel_loop3A_219 = arith.index_cast %rem3A_82 : i32 to index
        %parallel_loop3A_220 = arith.index_cast %parallel_loop3A_218 : i32 to index
        %parallel_loop3A_221 = arith.constant 16 : index
        %parallel_loop3A_222 = tpu.vector_load %arg9[%parallel_loop3A_219, %parallel_loop3A_220, %parallel_loop3A_221] {strides = array<i32>} : memref<3x128x128xf32, #tpu.memory_space<vmem>>, vector<1x1x16xf32>,
        %parallel_loop3A_223 = vector.shape_cast %parallel_loop3A_222 : vector<1x1x16xf32> to vector<16xf32>
        %parallel_loop3A_224 = arith.constant 1 : i32
        %parallel_loop3A_225 = arith.addi %parallel_loop3A_141, %parallel_loop3A_224 : i32
        %parallel_loop3A_226 = arith.index_cast %rem3A_82 : i32 to index
        %parallel_loop3A_227 = arith.index_cast %parallel_loop3A_225 : i32 to index
        %parallel_loop3A_228 = arith.constant 16 : index
        %parallel_loop3A_229 = tpu.vector_load %arg9[%parallel_loop3A_226, %parallel_loop3A_227, %parallel_loop3A_228] {strides = array<i32>} : memref<3x128x128xf32, #tpu.memory_space<vmem>>, vector<1x1x16xf32>,
        %parallel_loop3A_230 = vector.shape_cast %parallel_loop3A_229 : vector<1x1x16xf32> to vector<16xf32>
        %parallel_loop3A_231 = arith.addf %parallel_loop3A_223, %parallel_loop3A_230 : vector<16xf32>
        %parallel_loop3A_232 = arith.constant 2 : i32
        %parallel_loop3A_233 = arith.addi %parallel_loop3A_141, %parallel_loop3A_232 : i32
        %parallel_loop3A_234 = arith.index_cast %rem3A_82 : i32 to index
        %parallel_loop3A_235 = arith.index_cast %parallel_loop3A_233 : i32 to index
        %parallel_loop3A_236 = arith.constant 16 : index
        %parallel_loop3A_237 = tpu.vector_load %arg9[%parallel_loop3A_234, %parallel_loop3A_235, %parallel_loop3A_236] {strides = array<i32>} : memref<3x128x128xf32, #tpu.memory_space<vmem>>, vector<1x1x16xf32>,
        %parallel_loop3A_238 = vector.shape_cast %parallel_loop3A_237 : vector<1x1x16xf32> to vector<16xf32>
        %parallel_loop3A_239 = arith.constant 3 : i32
        %parallel_loop3A_240 = arith.addi %parallel_loop3A_141, %parallel_loop3A_239 : i32
        %parallel_loop3A_241 = arith.index_cast %rem3A_82 : i32 to index
        %parallel_loop3A_242 = arith.index_cast %parallel_loop3A_240 : i32 to index
        %parallel_loop3A_243 = arith.constant 16 : index
        %parallel_loop3A_244 = tpu.vector_load %arg9[%parallel_loop3A_241, %parallel_loop3A_242, %parallel_loop3A_243] {strides = array<i32>} : memref<3x128x128xf32, #tpu.memory_space<vmem>>, vector<1x1x16xf32>,
        %parallel_loop3A_245 = vector.shape_cast %parallel_loop3A_244 : vector<1x1x16xf32> to vector<16xf32>
        %parallel_loop3A_246 = arith.addf %parallel_loop3A_238, %parallel_loop3A_245 : vector<16xf32>
        %parallel_loop3A_247 = arith.constant 4 : i32
        %parallel_loop3A_248 = arith.addi %parallel_loop3A_141, %parallel_loop3A_247 : i32
        %parallel_loop3A_249 = arith.index_cast %rem3A_82 : i32 to index
        %parallel_loop3A_250 = arith.index_cast %parallel_loop3A_248 : i32 to index
        %parallel_loop3A_251 = arith.constant 16 : index
        %parallel_loop3A_252 = tpu.vector_load %arg9[%parallel_loop3A_249, %parallel_loop3A_250, %parallel_loop3A_251] {strides = array<i32>} : memref<3x128x128xf32, #tpu.memory_space<vmem>>, vector<1x1x16xf32>,
        %parallel_loop3A_253 = vector.shape_cast %parallel_loop3A_252 : vector<1x1x16xf32> to vector<16xf32>
        %parallel_loop3A_254 = arith.constant 5 : i32
        %parallel_loop3A_255 = arith.addi %parallel_loop3A_141, %parallel_loop3A_254 : i32
        %parallel_loop3A_256 = arith.index_cast %rem3A_82 : i32 to index
        %parallel_loop3A_257 = arith.index_cast %parallel_loop3A_255 : i32 to index
        %parallel_loop3A_258 = arith.constant 16 : index
        %parallel_loop3A_259 = tpu.vector_load %arg9[%parallel_loop3A_256, %parallel_loop3A_257, %parallel_loop3A_258] {strides = array<i32>} : memref<3x128x128xf32, #tpu.memory_space<vmem>>, vector<1x1x16xf32>,
        %parallel_loop3A_260 = vector.shape_cast %parallel_loop3A_259 : vector<1x1x16xf32> to vector<16xf32>
        %parallel_loop3A_261 = arith.addf %parallel_loop3A_253, %parallel_loop3A_260 : vector<16xf32>
        %parallel_loop3A_262 = arith.constant 6 : i32
        %parallel_loop3A_263 = arith.addi %parallel_loop3A_141, %parallel_loop3A_262 : i32
        %parallel_loop3A_264 = arith.index_cast %rem3A_82 : i32 to index
        %parallel_loop3A_265 = arith.index_cast %parallel_loop3A_263 : i32 to index
        %parallel_loop3A_266 = arith.constant 16 : index
        %parallel_loop3A_267 = tpu.vector_load %arg9[%parallel_loop3A_264, %parallel_loop3A_265, %parallel_loop3A_266] {strides = array<i32>} : memref<3x128x128xf32, #tpu.memory_space<vmem>>, vector<1x1x16xf32>,
        %parallel_loop3A_268 = vector.shape_cast %parallel_loop3A_267 : vector<1x1x16xf32> to vector<16xf32>
        %parallel_loop3A_269 = arith.constant 7 : i32
        %parallel_loop3A_270 = arith.addi %parallel_loop3A_141, %parallel_loop3A_269 : i32
        %parallel_loop3A_271 = arith.index_cast %rem3A_82 : i32 to index
        %parallel_loop3A_272 = arith.index_cast %parallel_loop3A_270 : i32 to index
        %parallel_loop3A_273 = arith.constant 16 : index
        %parallel_loop3A_274 = tpu.vector_load %arg9[%parallel_loop3A_271, %parallel_loop3A_272, %parallel_loop3A_273] {strides = array<i32>} : memref<3x128x128xf32, #tpu.memory_space<vmem>>, vector<1x1x16xf32>,
        %parallel_loop3A_275 = vector.shape_cast %parallel_loop3A_274 : vector<1x1x16xf32> to vector<16xf32>
        %parallel_loop3A_276 = arith.addf %parallel_loop3A_268, %parallel_loop3A_275 : vector<16xf32>
        %parallel_loop3A_277 = arith.addf %parallel_loop3A_231, %parallel_loop3A_246 : vector<16xf32>
        %parallel_loop3A_278 = arith.addf %parallel_loop3A_261, %parallel_loop3A_276 : vector<16xf32>
        %parallel_loop3A_279 = arith.index_cast %rem3A_82 : i32 to index
        %parallel_loop3A_280 = arith.index_cast %parallel_loop3A_139 : i32 to index
        %parallel_loop3A_281 = arith.constant 16 : index
        %parallel_loop3A_282 = tpu.vector_load %arg10[%parallel_loop3A_279, %parallel_loop3A_280, %parallel_loop3A_281] {strides = array<i32>} : memref<3x16x128xf32, #tpu.memory_space<vmem>>, vector<1x1x16xf32>,
        %parallel_loop3A_283 = vector.shape_cast %parallel_loop3A_282 : vector<1x1x16xf32> to vector<16xf32>
        %parallel_loop3A_284 = arith.addf %parallel_loop3A_278, %parallel_loop3A_283 : vector<16xf32>
        %parallel_loop3A_285 = arith.addf %parallel_loop3A_277, %parallel_loop3A_284 : vector<16xf32>
        %parallel_loop3A_286 = arith.index_cast %rem3A_82 : i32 to index
        %parallel_loop3A_287 = arith.index_cast %parallel_loop3A_139 : i32 to index
        %parallel_loop3A_288 = arith.constant 16 : index
        %parallel_loop3A_289 = tpu.vector_load %arg11[%parallel_loop3A_286, %parallel_loop3A_287, %parallel_loop3A_288] {strides = array<i32>} : memref<3x16x128xf32, #tpu.memory_space<vmem>>, vector<1x1x16xf32>,
        %parallel_loop3A_290 = vector.shape_cast %parallel_loop3A_289 : vector<1x1x16xf32> to vector<16xf32>
        %parallel_loop3A_291 = vector.shape_cast %parallel_loop3A_285 : vector<16xf32> to vector<1x1x16xf32>
        tpu.vector_store %arg11[%parallel_loop3A_286, %parallel_loop3A_287, %parallel_loop3A_288], %parallel_loop3A_291 {strides = array<i32>} : memref<3x16x128xf32, #tpu.memory_space<vmem>>, vector<1x1x16xf32>,
        %parallel_loop3A_292 = arith.constant 0 : i32
        %parallel_loop3A_293 = arith.addi %parallel_loop3A_141, %parallel_loop3A_292 : i32
        %parallel_loop3A_294 = arith.index_cast %rem3A_82 : i32 to index
        %parallel_loop3A_295 = arith.index_cast %parallel_loop3A_293 : i32 to index
        %parallel_loop3A_296 = arith.constant 32 : index
        %parallel_loop3A_297 = tpu.vector_load %arg9[%parallel_loop3A_294, %parallel_loop3A_295, %parallel_loop3A_296] {strides = array<i32>} : memref<3x128x128xf32, #tpu.memory_space<vmem>>, vector<1x1x16xf32>,
        %parallel_loop3A_298 = vector.shape_cast %parallel_loop3A_297 : vector<1x1x16xf32> to vector<16xf32>
        %parallel_loop3A_299 = arith.constant 1 : i32
        %parallel_loop3A_300 = arith.addi %parallel_loop3A_141, %parallel_loop3A_299 : i32
        %parallel_loop3A_301 = arith.index_cast %rem3A_82 : i32 to index
        %parallel_loop3A_302 = arith.index_cast %parallel_loop3A_300 : i32 to index
        %parallel_loop3A_303 = arith.constant 32 : index
        %parallel_loop3A_304 = tpu.vector_load %arg9[%parallel_loop3A_301, %parallel_loop3A_302, %parallel_loop3A_303] {strides = array<i32>} : memref<3x128x128xf32, #tpu.memory_space<vmem>>, vector<1x1x16xf32>,
        %parallel_loop3A_305 = vector.shape_cast %parallel_loop3A_304 : vector<1x1x16xf32> to vector<16xf32>
        %parallel_loop3A_306 = arith.addf %parallel_loop3A_298, %parallel_loop3A_305 : vector<16xf32>
        %parallel_loop3A_307 = arith.constant 2 : i32
        %parallel_loop3A_308 = arith.addi %parallel_loop3A_141, %parallel_loop3A_307 : i32
        %parallel_loop3A_309 = arith.index_cast %rem3A_82 : i32 to index
        %parallel_loop3A_310 = arith.index_cast %parallel_loop3A_308 : i32 to index
        %parallel_loop3A_311 = arith.constant 32 : index
        %parallel_loop3A_312 = tpu.vector_load %arg9[%parallel_loop3A_309, %parallel_loop3A_310, %parallel_loop3A_311] {strides = array<i32>} : memref<3x128x128xf32, #tpu.memory_space<vmem>>, vector<1x1x16xf32>,
        %parallel_loop3A_313 = vector.shape_cast %parallel_loop3A_312 : vector<1x1x16xf32> to vector<16xf32>
        %parallel_loop3A_314 = arith.constant 3 : i32
        %parallel_loop3A_315 = arith.addi %parallel_loop3A_141, %parallel_loop3A_314 : i32
        %parallel_loop3A_316 = arith.index_cast %rem3A_82 : i32 to index
        %parallel_loop3A_317 = arith.index_cast %parallel_loop3A_315 : i32 to index
        %parallel_loop3A_318 = arith.constant 32 : index
        %parallel_loop3A_319 = tpu.vector_load %arg9[%parallel_loop3A_316, %parallel_loop3A_317, %parallel_loop3A_318] {strides = array<i32>} : memref<3x128x128xf32, #tpu.memory_space<vmem>>, vector<1x1x16xf32>,
        %parallel_loop3A_320 = vector.shape_cast %parallel_loop3A_319 : vector<1x1x16xf32> to vector<16xf32>
        %parallel_loop3A_321 = arith.addf %parallel_loop3A_313, %parallel_loop3A_320 : vector<16xf32>
        %parallel_loop3A_322 = arith.constant 4 : i32
        %parallel_loop3A_323 = arith.addi %parallel_loop3A_141, %parallel_loop3A_322 : i32
        %parallel_loop3A_324 = arith.index_cast %rem3A_82 : i32 to index
        %parallel_loop3A_325 = arith.index_cast %parallel_loop3A_323 : i32 to index
        %parallel_loop3A_326 = arith.constant 32 : index
        %parallel_loop3A_327 = tpu.vector_load %arg9[%parallel_loop3A_324, %parallel_loop3A_325, %parallel_loop3A_326] {strides = array<i32>} : memref<3x128x128xf32, #tpu.memory_space<vmem>>, vector<1x1x16xf32>,
        %parallel_loop3A_328 = vector.shape_cast %parallel_loop3A_327 : vector<1x1x16xf32> to vector<16xf32>
        %parallel_loop3A_329 = arith.constant 5 : i32
        %parallel_loop3A_330 = arith.addi %parallel_loop3A_141, %parallel_loop3A_329 : i32
        %parallel_loop3A_331 = arith.index_cast %rem3A_82 : i32 to index
        %parallel_loop3A_332 = arith.index_cast %parallel_loop3A_330 : i32 to index
        %parallel_loop3A_333 = arith.constant 32 : index
        %parallel_loop3A_334 = tpu.vector_load %arg9[%parallel_loop3A_331, %parallel_loop3A_332, %parallel_loop3A_333] {strides = array<i32>} : memref<3x128x128xf32, #tpu.memory_space<vmem>>, vector<1x1x16xf32>,
        %parallel_loop3A_335 = vector.shape_cast %parallel_loop3A_334 : vector<1x1x16xf32> to vector<16xf32>
        %parallel_loop3A_336 = arith.addf %parallel_loop3A_328, %parallel_loop3A_335 : vector<16xf32>
        %parallel_loop3A_337 = arith.constant 6 : i32
        %parallel_loop3A_338 = arith.addi %parallel_loop3A_141, %parallel_loop3A_337 : i32
        %parallel_loop3A_339 = arith.index_cast %rem3A_82 : i32 to index
        %parallel_loop3A_340 = arith.index_cast %parallel_loop3A_338 : i32 to index
        %parallel_loop3A_341 = arith.constant 32 : index
        %parallel_loop3A_342 = tpu.vector_load %arg9[%parallel_loop3A_339, %parallel_loop3A_340, %parallel_loop3A_341] {strides = array<i32>} : memref<3x128x128xf32, #tpu.memory_space<vmem>>, vector<1x1x16xf32>,
        %parallel_loop3A_343 = vector.shape_cast %parallel_loop3A_342 : vector<1x1x16xf32> to vector<16xf32>
        %parallel_loop3A_344 = arith.constant 7 : i32
        %parallel_loop3A_345 = arith.addi %parallel_loop3A_141, %parallel_loop3A_344 : i32
        %parallel_loop3A_346 = arith.index_cast %rem3A_82 : i32 to index
        %parallel_loop3A_347 = arith.index_cast %parallel_loop3A_345 : i32 to index
        %parallel_loop3A_348 = arith.constant 32 : index
        %parallel_loop3A_349 = tpu.vector_load %arg9[%parallel_loop3A_346, %parallel_loop3A_347, %parallel_loop3A_348] {strides = array<i32>} : memref<3x128x128xf32, #tpu.memory_space<vmem>>, vector<1x1x16xf32>,
        %parallel_loop3A_350 = vector.shape_cast %parallel_loop3A_349 : vector<1x1x16xf32> to vector<16xf32>
        %parallel_loop3A_351 = arith.addf %parallel_loop3A_343, %parallel_loop3A_350 : vector<16xf32>
        %parallel_loop3A_352 = arith.addf %parallel_loop3A_306, %parallel_loop3A_321 : vector<16xf32>
        %parallel_loop3A_353 = arith.addf %parallel_loop3A_336, %parallel_loop3A_351 : vector<16xf32>
        %parallel_loop3A_354 = arith.index_cast %rem3A_82 : i32 to index
        %parallel_loop3A_355 = arith.index_cast %parallel_loop3A_139 : i32 to index
        %parallel_loop3A_356 = arith.constant 32 : index
        %parallel_loop3A_357 = tpu.vector_load %arg10[%parallel_loop3A_354, %parallel_loop3A_355, %parallel_loop3A_356] {strides = array<i32>} : memref<3x16x128xf32, #tpu.memory_space<vmem>>, vector<1x1x16xf32>,
        %parallel_loop3A_358 = vector.shape_cast %parallel_loop3A_357 : vector<1x1x16xf32> to vector<16xf32>
        %parallel_loop3A_359 = arith.addf %parallel_loop3A_353, %parallel_loop3A_358 : vector<16xf32>
        %parallel_loop3A_360 = arith.addf %parallel_loop3A_352, %parallel_loop3A_359 : vector<16xf32>
        %parallel_loop3A_361 = arith.index_cast %rem3A_82 : i32 to index
        %parallel_loop3A_362 = arith.index_cast %parallel_loop3A_139 : i32 to index
        %parallel_loop3A_363 = arith.constant 32 : index
        %parallel_loop3A_364 = tpu.vector_load %arg11[%parallel_loop3A_361, %parallel_loop3A_362, %parallel_loop3A_363] {strides = array<i32>} : memref<3x16x128xf32, #tpu.memory_space<vmem>>, vector<1x1x16xf32>,
        %parallel_loop3A_365 = vector.shape_cast %parallel_loop3A_364 : vector<1x1x16xf32> to vector<16xf32>
        %parallel_loop3A_366 = vector.shape_cast %parallel_loop3A_360 : vector<16xf32> to vector<1x1x16xf32>
        tpu.vector_store %arg11[%parallel_loop3A_361, %parallel_loop3A_362, %parallel_loop3A_363], %parallel_loop3A_366 {strides = array<i32>} : memref<3x16x128xf32, #tpu.memory_space<vmem>>, vector<1x1x16xf32>,
        %parallel_loop3A_367 = arith.constant 0 : i32
        %parallel_loop3A_368 = arith.addi %parallel_loop3A_141, %parallel_loop3A_367 : i32
        %parallel_loop3A_369 = arith.index_cast %rem3A_82 : i32 to index
        %parallel_loop3A_370 = arith.index_cast %parallel_loop3A_368 : i32 to index
        %parallel_loop3A_371 = arith.constant 48 : index
        %parallel_loop3A_372 = tpu.vector_load %arg9[%parallel_loop3A_369, %parallel_loop3A_370, %parallel_loop3A_371] {strides = array<i32>} : memref<3x128x128xf32, #tpu.memory_space<vmem>>, vector<1x1x16xf32>,
        %parallel_loop3A_373 = vector.shape_cast %parallel_loop3A_372 : vector<1x1x16xf32> to vector<16xf32>
        %parallel_loop3A_374 = arith.constant 1 : i32
        %parallel_loop3A_375 = arith.addi %parallel_loop3A_141, %parallel_loop3A_374 : i32
        %parallel_loop3A_376 = arith.index_cast %rem3A_82 : i32 to index
        %parallel_loop3A_377 = arith.index_cast %parallel_loop3A_375 : i32 to index
        %parallel_loop3A_378 = arith.constant 48 : index
        %parallel_loop3A_379 = tpu.vector_load %arg9[%parallel_loop3A_376, %parallel_loop3A_377, %parallel_loop3A_378] {strides = array<i32>} : memref<3x128x128xf32, #tpu.memory_space<vmem>>, vector<1x1x16xf32>,
        %parallel_loop3A_380 = vector.shape_cast %parallel_loop3A_379 : vector<1x1x16xf32> to vector<16xf32>
        %parallel_loop3A_381 = arith.addf %parallel_loop3A_373, %parallel_loop3A_380 : vector<16xf32>
        %parallel_loop3A_382 = arith.constant 2 : i32
        %parallel_loop3A_383 = arith.addi %parallel_loop3A_141, %parallel_loop3A_382 : i32
        %parallel_loop3A_384 = arith.index_cast %rem3A_82 : i32 to index
        %parallel_loop3A_385 = arith.index_cast %parallel_loop3A_383 : i32 to index
        %parallel_loop3A_386 = arith.constant 48 : index
        %parallel_loop3A_387 = tpu.vector_load %arg9[%parallel_loop3A_384, %parallel_loop3A_385, %parallel_loop3A_386] {strides = array<i32>} : memref<3x128x128xf32, #tpu.memory_space<vmem>>, vector<1x1x16xf32>,
        %parallel_loop3A_388 = vector.shape_cast %parallel_loop3A_387 : vector<1x1x16xf32> to vector<16xf32>
        %parallel_loop3A_389 = arith.constant 3 : i32
        %parallel_loop3A_390 = arith.addi %parallel_loop3A_141, %parallel_loop3A_389 : i32
        %parallel_loop3A_391 = arith.index_cast %rem3A_82 : i32 to index
        %parallel_loop3A_392 = arith.index_cast %parallel_loop3A_390 : i32 to index
        %parallel_loop3A_393 = arith.constant 48 : index
        %parallel_loop3A_394 = tpu.vector_load %arg9[%parallel_loop3A_391, %parallel_loop3A_392, %parallel_loop3A_393] {strides = array<i32>} : memref<3x128x128xf32, #tpu.memory_space<vmem>>, vector<1x1x16xf32>,
        %parallel_loop3A_395 = vector.shape_cast %parallel_loop3A_394 : vector<1x1x16xf32> to vector<16xf32>
        %parallel_loop3A_396 = arith.addf %parallel_loop3A_388, %parallel_loop3A_395 : vector<16xf32>
        %parallel_loop3A_397 = arith.constant 4 : i32
        %parallel_loop3A_398 = arith.addi %parallel_loop3A_141, %parallel_loop3A_397 : i32
        %parallel_loop3A_399 = arith.index_cast %rem3A_82 : i32 to index
        %parallel_loop3A_400 = arith.index_cast %parallel_loop3A_398 : i32 to index
        %parallel_loop3A_401 = arith.constant 48 : index
        %parallel_loop3A_402 = tpu.vector_load %arg9[%parallel_loop3A_399, %parallel_loop3A_400, %parallel_loop3A_401] {strides = array<i32>} : memref<3x128x128xf32, #tpu.memory_space<vmem>>, vector<1x1x16xf32>,
        %parallel_loop3A_403 = vector.shape_cast %parallel_loop3A_402 : vector<1x1x16xf32> to vector<16xf32>
        %parallel_loop3A_404 = arith.constant 5 : i32
        %parallel_loop3A_405 = arith.addi %parallel_loop3A_141, %parallel_loop3A_404 : i32
        %parallel_loop3A_406 = arith.index_cast %rem3A_82 : i32 to index
        %parallel_loop3A_407 = arith.index_cast %parallel_loop3A_405 : i32 to index
        %parallel_loop3A_408 = arith.constant 48 : index
        %parallel_loop3A_409 = tpu.vector_load %arg9[%parallel_loop3A_406, %parallel_loop3A_407, %parallel_loop3A_408] {strides = array<i32>} : memref<3x128x128xf32, #tpu.memory_space<vmem>>, vector<1x1x16xf32>,
        %parallel_loop3A_410 = vector.shape_cast %parallel_loop3A_409 : vector<1x1x16xf32> to vector<16xf32>
        %parallel_loop3A_411 = arith.addf %parallel_loop3A_403, %parallel_loop3A_410 : vector<16xf32>
        %parallel_loop3A_412 = arith.constant 6 : i32
        %parallel_loop3A_413 = arith.addi %parallel_loop3A_141, %parallel_loop3A_412 : i32
        %parallel_loop3A_414 = arith.index_cast %rem3A_82 : i32 to index
        %parallel_loop3A_415 = arith.index_cast %parallel_loop3A_413 : i32 to index
        %parallel_loop3A_416 = arith.constant 48 : index
        %parallel_loop3A_417 = tpu.vector_load %arg9[%parallel_loop3A_414, %parallel_loop3A_415, %parallel_loop3A_416] {strides = array<i32>} : memref<3x128x128xf32, #tpu.memory_space<vmem>>, vector<1x1x16xf32>,
        %parallel_loop3A_418 = vector.shape_cast %parallel_loop3A_417 : vector<1x1x16xf32> to vector<16xf32>
        %parallel_loop3A_419 = arith.constant 7 : i32
        %parallel_loop3A_420 = arith.addi %parallel_loop3A_141, %parallel_loop3A_419 : i32
        %parallel_loop3A_421 = arith.index_cast %rem3A_82 : i32 to index
        %parallel_loop3A_422 = arith.index_cast %parallel_loop3A_420 : i32 to index
        %parallel_loop3A_423 = arith.constant 48 : index
        %parallel_loop3A_424 = tpu.vector_load %arg9[%parallel_loop3A_421, %parallel_loop3A_422, %parallel_loop3A_423] {strides = array<i32>} : memref<3x128x128xf32, #tpu.memory_space<vmem>>, vector<1x1x16xf32>,
        %parallel_loop3A_425 = vector.shape_cast %parallel_loop3A_424 : vector<1x1x16xf32> to vector<16xf32>
        %parallel_loop3A_426 = arith.addf %parallel_loop3A_418, %parallel_loop3A_425 : vector<16xf32>
        %parallel_loop3A_427 = arith.addf %parallel_loop3A_381, %parallel_loop3A_396 : vector<16xf32>
        %parallel_loop3A_428 = arith.addf %parallel_loop3A_411, %parallel_loop3A_426 : vector<16xf32>
        %parallel_loop3A_429 = arith.index_cast %rem3A_82 : i32 to index
        %parallel_loop3A_430 = arith.index_cast %parallel_loop3A_139 : i32 to index
        %parallel_loop3A_431 = arith.constant 48 : index
        %parallel_loop3A_432 = tpu.vector_load %arg10[%parallel_loop3A_429, %parallel_loop3A_430, %parallel_loop3A_431] {strides = array<i32>} : memref<3x16x128xf32, #tpu.memory_space<vmem>>, vector<1x1x16xf32>,
        %parallel_loop3A_433 = vector.shape_cast %parallel_loop3A_432 : vector<1x1x16xf32> to vector<16xf32>
        %parallel_loop3A_434 = arith.addf %parallel_loop3A_428, %parallel_loop3A_433 : vector<16xf32>
        %parallel_loop3A_435 = arith.addf %parallel_loop3A_427, %parallel_loop3A_434 : vector<16xf32>
        %parallel_loop3A_436 = arith.index_cast %rem3A_82 : i32 to index
        %parallel_loop3A_437 = arith.index_cast %parallel_loop3A_139 : i32 to index
        %parallel_loop3A_438 = arith.constant 48 : index
        %parallel_loop3A_439 = tpu.vector_load %arg11[%parallel_loop3A_436, %parallel_loop3A_437, %parallel_loop3A_438] {strides = array<i32>} : memref<3x16x128xf32, #tpu.memory_space<vmem>>, vector<1x1x16xf32>,
        %parallel_loop3A_440 = vector.shape_cast %parallel_loop3A_439 : vector<1x1x16xf32> to vector<16xf32>
        %parallel_loop3A_441 = vector.shape_cast %parallel_loop3A_435 : vector<16xf32> to vector<1x1x16xf32>
        tpu.vector_store %arg11[%parallel_loop3A_436, %parallel_loop3A_437, %parallel_loop3A_438], %parallel_loop3A_441 {strides = array<i32>} : memref<3x16x128xf32, #tpu.memory_space<vmem>>, vector<1x1x16xf32>,
        %parallel_loop3A_442 = arith.constant 0 : i32
        %parallel_loop3A_443 = arith.addi %parallel_loop3A_141, %parallel_loop3A_442 : i32
        %parallel_loop3A_444 = arith.index_cast %rem3A_82 : i32 to index
        %parallel_loop3A_445 = arith.index_cast %parallel_loop3A_443 : i32 to index
        %parallel_loop3A_446 = arith.constant 64 : index
        %parallel_loop3A_447 = tpu.vector_load %arg9[%parallel_loop3A_444, %parallel_loop3A_445, %parallel_loop3A_446] {strides = array<i32>} : memref<3x128x128xf32, #tpu.memory_space<vmem>>, vector<1x1x16xf32>,
        %parallel_loop3A_448 = vector.shape_cast %parallel_loop3A_447 : vector<1x1x16xf32> to vector<16xf32>
        %parallel_loop3A_449 = arith.constant 1 : i32
        %parallel_loop3A_450 = arith.addi %parallel_loop3A_141, %parallel_loop3A_449 : i32
        %parallel_loop3A_451 = arith.index_cast %rem3A_82 : i32 to index
        %parallel_loop3A_452 = arith.index_cast %parallel_loop3A_450 : i32 to index
        %parallel_loop3A_453 = arith.constant 64 : index
        %parallel_loop3A_454 = tpu.vector_load %arg9[%parallel_loop3A_451, %parallel_loop3A_452, %parallel_loop3A_453] {strides = array<i32>} : memref<3x128x128xf32, #tpu.memory_space<vmem>>, vector<1x1x16xf32>,
        %parallel_loop3A_455 = vector.shape_cast %parallel_loop3A_454 : vector<1x1x16xf32> to vector<16xf32>
        %parallel_loop3A_456 = arith.addf %parallel_loop3A_448, %parallel_loop3A_455 : vector<16xf32>
        %parallel_loop3A_457 = arith.constant 2 : i32
        %parallel_loop3A_458 = arith.addi %parallel_loop3A_141, %parallel_loop3A_457 : i32
        %parallel_loop3A_459 = arith.index_cast %rem3A_82 : i32 to index
        %parallel_loop3A_460 = arith.index_cast %parallel_loop3A_458 : i32 to index
        %parallel_loop3A_461 = arith.constant 64 : index
        %parallel_loop3A_462 = tpu.vector_load %arg9[%parallel_loop3A_459, %parallel_loop3A_460, %parallel_loop3A_461] {strides = array<i32>} : memref<3x128x128xf32, #tpu.memory_space<vmem>>, vector<1x1x16xf32>,
        %parallel_loop3A_463 = vector.shape_cast %parallel_loop3A_462 : vector<1x1x16xf32> to vector<16xf32>
        %parallel_loop3A_464 = arith.constant 3 : i32
        %parallel_loop3A_465 = arith.addi %parallel_loop3A_141, %parallel_loop3A_464 : i32
        %parallel_loop3A_466 = arith.index_cast %rem3A_82 : i32 to index
        %parallel_loop3A_467 = arith.index_cast %parallel_loop3A_465 : i32 to index
        %parallel_loop3A_468 = arith.constant 64 : index
        %parallel_loop3A_469 = tpu.vector_load %arg9[%parallel_loop3A_466, %parallel_loop3A_467, %parallel_loop3A_468] {strides = array<i32>} : memref<3x128x128xf32, #tpu.memory_space<vmem>>, vector<1x1x16xf32>,
        %parallel_loop3A_470 = vector.shape_cast %parallel_loop3A_469 : vector<1x1x16xf32> to vector<16xf32>
        %parallel_loop3A_471 = arith.addf %parallel_loop3A_463, %parallel_loop3A_470 : vector<16xf32>
        %parallel_loop3A_472 = arith.constant 4 : i32
        %parallel_loop3A_473 = arith.addi %parallel_loop3A_141, %parallel_loop3A_472 : i32
        %parallel_loop3A_474 = arith.index_cast %rem3A_82 : i32 to index
        %parallel_loop3A_475 = arith.index_cast %parallel_loop3A_473 : i32 to index
        %parallel_loop3A_476 = arith.constant 64 : index
        %parallel_loop3A_477 = tpu.vector_load %arg9[%parallel_loop3A_474, %parallel_loop3A_475, %parallel_loop3A_476] {strides = array<i32>} : memref<3x128x128xf32, #tpu.memory_space<vmem>>, vector<1x1x16xf32>,
        %parallel_loop3A_478 = vector.shape_cast %parallel_loop3A_477 : vector<1x1x16xf32> to vector<16xf32>
        %parallel_loop3A_479 = arith.constant 5 : i32
        %parallel_loop3A_480 = arith.addi %parallel_loop3A_141, %parallel_loop3A_479 : i32
        %parallel_loop3A_481 = arith.index_cast %rem3A_82 : i32 to index
        %parallel_loop3A_482 = arith.index_cast %parallel_loop3A_480 : i32 to index
        %parallel_loop3A_483 = arith.constant 64 : index
        %parallel_loop3A_484 = tpu.vector_load %arg9[%parallel_loop3A_481, %parallel_loop3A_482, %parallel_loop3A_483] {strides = array<i32>} : memref<3x128x128xf32, #tpu.memory_space<vmem>>, vector<1x1x16xf32>,
        %parallel_loop3A_485 = vector.shape_cast %parallel_loop3A_484 : vector<1x1x16xf32> to vector<16xf32>
        %parallel_loop3A_486 = arith.addf %parallel_loop3A_478, %parallel_loop3A_485 : vector<16xf32>
        %parallel_loop3A_487 = arith.constant 6 : i32
        %parallel_loop3A_488 = arith.addi %parallel_loop3A_141, %parallel_loop3A_487 : i32
        %parallel_loop3A_489 = arith.index_cast %rem3A_82 : i32 to index
        %parallel_loop3A_490 = arith.index_cast %parallel_loop3A_488 : i32 to index
        %parallel_loop3A_491 = arith.constant 64 : index
        %parallel_loop3A_492 = tpu.vector_load %arg9[%parallel_loop3A_489, %parallel_loop3A_490, %parallel_loop3A_491] {strides = array<i32>} : memref<3x128x128xf32, #tpu.memory_space<vmem>>, vector<1x1x16xf32>,
        %parallel_loop3A_493 = vector.shape_cast %parallel_loop3A_492 : vector<1x1x16xf32> to vector<16xf32>
        %parallel_loop3A_494 = arith.constant 7 : i32
        %parallel_loop3A_495 = arith.addi %parallel_loop3A_141, %parallel_loop3A_494 : i32
        %parallel_loop3A_496 = arith.index_cast %rem3A_82 : i32 to index
        %parallel_loop3A_497 = arith.index_cast %parallel_loop3A_495 : i32 to index
        %parallel_loop3A_498 = arith.constant 64 : index
        %parallel_loop3A_499 = tpu.vector_load %arg9[%parallel_loop3A_496, %parallel_loop3A_497, %parallel_loop3A_498] {strides = array<i32>} : memref<3x128x128xf32, #tpu.memory_space<vmem>>, vector<1x1x16xf32>,
        %parallel_loop3A_500 = vector.shape_cast %parallel_loop3A_499 : vector<1x1x16xf32> to vector<16xf32>
        %parallel_loop3A_501 = arith.addf %parallel_loop3A_493, %parallel_loop3A_500 : vector<16xf32>
        %parallel_loop3A_502 = arith.addf %parallel_loop3A_456, %parallel_loop3A_471 : vector<16xf32>
        %parallel_loop3A_503 = arith.addf %parallel_loop3A_486, %parallel_loop3A_501 : vector<16xf32>
        %parallel_loop3A_504 = arith.index_cast %rem3A_82 : i32 to index
        %parallel_loop3A_505 = arith.index_cast %parallel_loop3A_139 : i32 to index
        %parallel_loop3A_506 = arith.constant 64 : index
        %parallel_loop3A_507 = tpu.vector_load %arg10[%parallel_loop3A_504, %parallel_loop3A_505, %parallel_loop3A_506] {strides = array<i32>} : memref<3x16x128xf32, #tpu.memory_space<vmem>>, vector<1x1x16xf32>,
        %parallel_loop3A_508 = vector.shape_cast %parallel_loop3A_507 : vector<1x1x16xf32> to vector<16xf32>
        %parallel_loop3A_509 = arith.addf %parallel_loop3A_503, %parallel_loop3A_508 : vector<16xf32>
        %parallel_loop3A_510 = arith.addf %parallel_loop3A_502, %parallel_loop3A_509 : vector<16xf32>
        %parallel_loop3A_511 = arith.index_cast %rem3A_82 : i32 to index
        %parallel_loop3A_512 = arith.index_cast %parallel_loop3A_139 : i32 to index
        %parallel_loop3A_513 = arith.constant 64 : index
        %parallel_loop3A_514 = tpu.vector_load %arg11[%parallel_loop3A_511, %parallel_loop3A_512, %parallel_loop3A_513] {strides = array<i32>} : memref<3x16x128xf32, #tpu.memory_space<vmem>>, vector<1x1x16xf32>,
        %parallel_loop3A_515 = vector.shape_cast %parallel_loop3A_514 : vector<1x1x16xf32> to vector<16xf32>
        %parallel_loop3A_516 = vector.shape_cast %parallel_loop3A_510 : vector<16xf32> to vector<1x1x16xf32>
        tpu.vector_store %arg11[%parallel_loop3A_511, %parallel_loop3A_512, %parallel_loop3A_513], %parallel_loop3A_516 {strides = array<i32>} : memref<3x16x128xf32, #tpu.memory_space<vmem>>, vector<1x1x16xf32>,
        %parallel_loop3A_517 = arith.constant 0 : i32
        %parallel_loop3A_518 = arith.addi %parallel_loop3A_141, %parallel_loop3A_517 : i32
        %parallel_loop3A_519 = arith.index_cast %rem3A_82 : i32 to index
        %parallel_loop3A_520 = arith.index_cast %parallel_loop3A_518 : i32 to index
        %parallel_loop3A_521 = arith.constant 80 : index
        %parallel_loop3A_522 = tpu.vector_load %arg9[%parallel_loop3A_519, %parallel_loop3A_520, %parallel_loop3A_521] {strides = array<i32>} : memref<3x128x128xf32, #tpu.memory_space<vmem>>, vector<1x1x16xf32>,
        %parallel_loop3A_523 = vector.shape_cast %parallel_loop3A_522 : vector<1x1x16xf32> to vector<16xf32>
        %parallel_loop3A_524 = arith.constant 1 : i32
        %parallel_loop3A_525 = arith.addi %parallel_loop3A_141, %parallel_loop3A_524 : i32
        %parallel_loop3A_526 = arith.index_cast %rem3A_82 : i32 to index
        %parallel_loop3A_527 = arith.index_cast %parallel_loop3A_525 : i32 to index
        %parallel_loop3A_528 = arith.constant 80 : index
        %parallel_loop3A_529 = tpu.vector_load %arg9[%parallel_loop3A_526, %parallel_loop3A_527, %parallel_loop3A_528] {strides = array<i32>} : memref<3x128x128xf32, #tpu.memory_space<vmem>>, vector<1x1x16xf32>,
        %parallel_loop3A_530 = vector.shape_cast %parallel_loop3A_529 : vector<1x1x16xf32> to vector<16xf32>
        %parallel_loop3A_531 = arith.addf %parallel_loop3A_523, %parallel_loop3A_530 : vector<16xf32>
        %parallel_loop3A_532 = arith.constant 2 : i32
        %parallel_loop3A_533 = arith.addi %parallel_loop3A_141, %parallel_loop3A_532 : i32
        %parallel_loop3A_534 = arith.index_cast %rem3A_82 : i32 to index
        %parallel_loop3A_535 = arith.index_cast %parallel_loop3A_533 : i32 to index
        %parallel_loop3A_536 = arith.constant 80 : index
        %parallel_loop3A_537 = tpu.vector_load %arg9[%parallel_loop3A_534, %parallel_loop3A_535, %parallel_loop3A_536] {strides = array<i32>} : memref<3x128x128xf32, #tpu.memory_space<vmem>>, vector<1x1x16xf32>,
        %parallel_loop3A_538 = vector.shape_cast %parallel_loop3A_537 : vector<1x1x16xf32> to vector<16xf32>
        %parallel_loop3A_539 = arith.constant 3 : i32
        %parallel_loop3A_540 = arith.addi %parallel_loop3A_141, %parallel_loop3A_539 : i32
        %parallel_loop3A_541 = arith.index_cast %rem3A_82 : i32 to index
        %parallel_loop3A_542 = arith.index_cast %parallel_loop3A_540 : i32 to index
        %parallel_loop3A_543 = arith.constant 80 : index
        %parallel_loop3A_544 = tpu.vector_load %arg9[%parallel_loop3A_541, %parallel_loop3A_542, %parallel_loop3A_543] {strides = array<i32>} : memref<3x128x128xf32, #tpu.memory_space<vmem>>, vector<1x1x16xf32>,
        %parallel_loop3A_545 = vector.shape_cast %parallel_loop3A_544 : vector<1x1x16xf32> to vector<16xf32>
        %parallel_loop3A_546 = arith.addf %parallel_loop3A_538, %parallel_loop3A_545 : vector<16xf32>
        %parallel_loop3A_547 = arith.constant 4 : i32
        %parallel_loop3A_548 = arith.addi %parallel_loop3A_141, %parallel_loop3A_547 : i32
        %parallel_loop3A_549 = arith.index_cast %rem3A_82 : i32 to index
        %parallel_loop3A_550 = arith.index_cast %parallel_loop3A_548 : i32 to index
        %parallel_loop3A_551 = arith.constant 80 : index
        %parallel_loop3A_552 = tpu.vector_load %arg9[%parallel_loop3A_549, %parallel_loop3A_550, %parallel_loop3A_551] {strides = array<i32>} : memref<3x128x128xf32, #tpu.memory_space<vmem>>, vector<1x1x16xf32>,
        %parallel_loop3A_553 = vector.shape_cast %parallel_loop3A_552 : vector<1x1x16xf32> to vector<16xf32>
        %parallel_loop3A_554 = arith.constant 5 : i32
        %parallel_loop3A_555 = arith.addi %parallel_loop3A_141, %parallel_loop3A_554 : i32
        %parallel_loop3A_556 = arith.index_cast %rem3A_82 : i32 to index
        %parallel_loop3A_557 = arith.index_cast %parallel_loop3A_555 : i32 to index
        %parallel_loop3A_558 = arith.constant 80 : index
        %parallel_loop3A_559 = tpu.vector_load %arg9[%parallel_loop3A_556, %parallel_loop3A_557, %parallel_loop3A_558] {strides = array<i32>} : memref<3x128x128xf32, #tpu.memory_space<vmem>>, vector<1x1x16xf32>,
        %parallel_loop3A_560 = vector.shape_cast %parallel_loop3A_559 : vector<1x1x16xf32> to vector<16xf32>
        %parallel_loop3A_561 = arith.addf %parallel_loop3A_553, %parallel_loop3A_560 : vector<16xf32>
        %parallel_loop3A_562 = arith.constant 6 : i32
        %parallel_loop3A_563 = arith.addi %parallel_loop3A_141, %parallel_loop3A_562 : i32
        %parallel_loop3A_564 = arith.index_cast %rem3A_82 : i32 to index
        %parallel_loop3A_565 = arith.index_cast %parallel_loop3A_563 : i32 to index
        %parallel_loop3A_566 = arith.constant 80 : index
        %parallel_loop3A_567 = tpu.vector_load %arg9[%parallel_loop3A_564, %parallel_loop3A_565, %parallel_loop3A_566] {strides = array<i32>} : memref<3x128x128xf32, #tpu.memory_space<vmem>>, vector<1x1x16xf32>,
        %parallel_loop3A_568 = vector.shape_cast %parallel_loop3A_567 : vector<1x1x16xf32> to vector<16xf32>
        %parallel_loop3A_569 = arith.constant 7 : i32
        %parallel_loop3A_570 = arith.addi %parallel_loop3A_141, %parallel_loop3A_569 : i32
        %parallel_loop3A_571 = arith.index_cast %rem3A_82 : i32 to index
        %parallel_loop3A_572 = arith.index_cast %parallel_loop3A_570 : i32 to index
        %parallel_loop3A_573 = arith.constant 80 : index
        %parallel_loop3A_574 = tpu.vector_load %arg9[%parallel_loop3A_571, %parallel_loop3A_572, %parallel_loop3A_573] {strides = array<i32>} : memref<3x128x128xf32, #tpu.memory_space<vmem>>, vector<1x1x16xf32>,
        %parallel_loop3A_575 = vector.shape_cast %parallel_loop3A_574 : vector<1x1x16xf32> to vector<16xf32>
        %parallel_loop3A_576 = arith.addf %parallel_loop3A_568, %parallel_loop3A_575 : vector<16xf32>
        %parallel_loop3A_577 = arith.addf %parallel_loop3A_531, %parallel_loop3A_546 : vector<16xf32>
        %parallel_loop3A_578 = arith.addf %parallel_loop3A_561, %parallel_loop3A_576 : vector<16xf32>
        %parallel_loop3A_579 = arith.index_cast %rem3A_82 : i32 to index
        %parallel_loop3A_580 = arith.index_cast %parallel_loop3A_139 : i32 to index
        %parallel_loop3A_581 = arith.constant 80 : index
        %parallel_loop3A_582 = tpu.vector_load %arg10[%parallel_loop3A_579, %parallel_loop3A_580, %parallel_loop3A_581] {strides = array<i32>} : memref<3x16x128xf32, #tpu.memory_space<vmem>>, vector<1x1x16xf32>,
        %parallel_loop3A_583 = vector.shape_cast %parallel_loop3A_582 : vector<1x1x16xf32> to vector<16xf32>
        %parallel_loop3A_584 = arith.addf %parallel_loop3A_578, %parallel_loop3A_583 : vector<16xf32>
        %parallel_loop3A_585 = arith.addf %parallel_loop3A_577, %parallel_loop3A_584 : vector<16xf32>
        %parallel_loop3A_586 = arith.index_cast %rem3A_82 : i32 to index
        %parallel_loop3A_587 = arith.index_cast %parallel_loop3A_139 : i32 to index
        %parallel_loop3A_588 = arith.constant 80 : index
        %parallel_loop3A_589 = tpu.vector_load %arg11[%parallel_loop3A_586, %parallel_loop3A_587, %parallel_loop3A_588] {strides = array<i32>} : memref<3x16x128xf32, #tpu.memory_space<vmem>>, vector<1x1x16xf32>,
        %parallel_loop3A_590 = vector.shape_cast %parallel_loop3A_589 : vector<1x1x16xf32> to vector<16xf32>
        %parallel_loop3A_591 = vector.shape_cast %parallel_loop3A_585 : vector<16xf32> to vector<1x1x16xf32>
        tpu.vector_store %arg11[%parallel_loop3A_586, %parallel_loop3A_587, %parallel_loop3A_588], %parallel_loop3A_591 {strides = array<i32>} : memref<3x16x128xf32, #tpu.memory_space<vmem>>, vector<1x1x16xf32>,
        %parallel_loop3A_592 = arith.constant 0 : i32
        %parallel_loop3A_593 = arith.addi %parallel_loop3A_141, %parallel_loop3A_592 : i32
        %parallel_loop3A_594 = arith.index_cast %rem3A_82 : i32 to index
        %parallel_loop3A_595 = arith.index_cast %parallel_loop3A_593 : i32 to index
        %parallel_loop3A_596 = arith.constant 96 : index
        %parallel_loop3A_597 = tpu.vector_load %arg9[%parallel_loop3A_594, %parallel_loop3A_595, %parallel_loop3A_596] {strides = array<i32>} : memref<3x128x128xf32, #tpu.memory_space<vmem>>, vector<1x1x16xf32>,
        %parallel_loop3A_598 = vector.shape_cast %parallel_loop3A_597 : vector<1x1x16xf32> to vector<16xf32>
        %parallel_loop3A_599 = arith.constant 1 : i32
        %parallel_loop3A_600 = arith.addi %parallel_loop3A_141, %parallel_loop3A_599 : i32
        %parallel_loop3A_601 = arith.index_cast %rem3A_82 : i32 to index
        %parallel_loop3A_602 = arith.index_cast %parallel_loop3A_600 : i32 to index
        %parallel_loop3A_603 = arith.constant 96 : index
        %parallel_loop3A_604 = tpu.vector_load %arg9[%parallel_loop3A_601, %parallel_loop3A_602, %parallel_loop3A_603] {strides = array<i32>} : memref<3x128x128xf32, #tpu.memory_space<vmem>>, vector<1x1x16xf32>,
        %parallel_loop3A_605 = vector.shape_cast %parallel_loop3A_604 : vector<1x1x16xf32> to vector<16xf32>
        %parallel_loop3A_606 = arith.addf %parallel_loop3A_598, %parallel_loop3A_605 : vector<16xf32>
        %parallel_loop3A_607 = arith.constant 2 : i32
        %parallel_loop3A_608 = arith.addi %parallel_loop3A_141, %parallel_loop3A_607 : i32
        %parallel_loop3A_609 = arith.index_cast %rem3A_82 : i32 to index
        %parallel_loop3A_610 = arith.index_cast %parallel_loop3A_608 : i32 to index
        %parallel_loop3A_611 = arith.constant 96 : index
        %parallel_loop3A_612 = tpu.vector_load %arg9[%parallel_loop3A_609, %parallel_loop3A_610, %parallel_loop3A_611] {strides = array<i32>} : memref<3x128x128xf32, #tpu.memory_space<vmem>>, vector<1x1x16xf32>,
        %parallel_loop3A_613 = vector.shape_cast %parallel_loop3A_612 : vector<1x1x16xf32> to vector<16xf32>
        %parallel_loop3A_614 = arith.constant 3 : i32
        %parallel_loop3A_615 = arith.addi %parallel_loop3A_141, %parallel_loop3A_614 : i32
        %parallel_loop3A_616 = arith.index_cast %rem3A_82 : i32 to index
        %parallel_loop3A_617 = arith.index_cast %parallel_loop3A_615 : i32 to index
        %parallel_loop3A_618 = arith.constant 96 : index
        %parallel_loop3A_619 = tpu.vector_load %arg9[%parallel_loop3A_616, %parallel_loop3A_617, %parallel_loop3A_618] {strides = array<i32>} : memref<3x128x128xf32, #tpu.memory_space<vmem>>, vector<1x1x16xf32>,
        %parallel_loop3A_620 = vector.shape_cast %parallel_loop3A_619 : vector<1x1x16xf32> to vector<16xf32>
        %parallel_loop3A_621 = arith.addf %parallel_loop3A_613, %parallel_loop3A_620 : vector<16xf32>
        %parallel_loop3A_622 = arith.constant 4 : i32
        %parallel_loop3A_623 = arith.addi %parallel_loop3A_141, %parallel_loop3A_622 : i32
        %parallel_loop3A_624 = arith.index_cast %rem3A_82 : i32 to index
        %parallel_loop3A_625 = arith.index_cast %parallel_loop3A_623 : i32 to index
        %parallel_loop3A_626 = arith.constant 96 : index
        %parallel_loop3A_627 = tpu.vector_load %arg9[%parallel_loop3A_624, %parallel_loop3A_625, %parallel_loop3A_626] {strides = array<i32>} : memref<3x128x128xf32, #tpu.memory_space<vmem>>, vector<1x1x16xf32>,
        %parallel_loop3A_628 = vector.shape_cast %parallel_loop3A_627 : vector<1x1x16xf32> to vector<16xf32>
        %parallel_loop3A_629 = arith.constant 5 : i32
        %parallel_loop3A_630 = arith.addi %parallel_loop3A_141, %parallel_loop3A_629 : i32
        %parallel_loop3A_631 = arith.index_cast %rem3A_82 : i32 to index
        %parallel_loop3A_632 = arith.index_cast %parallel_loop3A_630 : i32 to index
        %parallel_loop3A_633 = arith.constant 96 : index
        %parallel_loop3A_634 = tpu.vector_load %arg9[%parallel_loop3A_631, %parallel_loop3A_632, %parallel_loop3A_633] {strides = array<i32>} : memref<3x128x128xf32, #tpu.memory_space<vmem>>, vector<1x1x16xf32>,
        %parallel_loop3A_635 = vector.shape_cast %parallel_loop3A_634 : vector<1x1x16xf32> to vector<16xf32>
        %parallel_loop3A_636 = arith.addf %parallel_loop3A_628, %parallel_loop3A_635 : vector<16xf32>
        %parallel_loop3A_637 = arith.constant 6 : i32
        %parallel_loop3A_638 = arith.addi %parallel_loop3A_141, %parallel_loop3A_637 : i32
        %parallel_loop3A_639 = arith.index_cast %rem3A_82 : i32 to index
        %parallel_loop3A_640 = arith.index_cast %parallel_loop3A_638 : i32 to index
        %parallel_loop3A_641 = arith.constant 96 : index
        %parallel_loop3A_642 = tpu.vector_load %arg9[%parallel_loop3A_639, %parallel_loop3A_640, %parallel_loop3A_641] {strides = array<i32>} : memref<3x128x128xf32, #tpu.memory_space<vmem>>, vector<1x1x16xf32>,
        %parallel_loop3A_643 = vector.shape_cast %parallel_loop3A_642 : vector<1x1x16xf32> to vector<16xf32>
        %parallel_loop3A_644 = arith.constant 7 : i32
        %parallel_loop3A_645 = arith.addi %parallel_loop3A_141, %parallel_loop3A_644 : i32
        %parallel_loop3A_646 = arith.index_cast %rem3A_82 : i32 to index
        %parallel_loop3A_647 = arith.index_cast %parallel_loop3A_645 : i32 to index
        %parallel_loop3A_648 = arith.constant 96 : index
        %parallel_loop3A_649 = tpu.vector_load %arg9[%parallel_loop3A_646, %parallel_loop3A_647, %parallel_loop3A_648] {strides = array<i32>} : memref<3x128x128xf32, #tpu.memory_space<vmem>>, vector<1x1x16xf32>,
        %parallel_loop3A_650 = vector.shape_cast %parallel_loop3A_649 : vector<1x1x16xf32> to vector<16xf32>
        %parallel_loop3A_651 = arith.addf %parallel_loop3A_643, %parallel_loop3A_650 : vector<16xf32>
        %parallel_loop3A_652 = arith.addf %parallel_loop3A_606, %parallel_loop3A_621 : vector<16xf32>
        %parallel_loop3A_653 = arith.addf %parallel_loop3A_636, %parallel_loop3A_651 : vector<16xf32>
        %parallel_loop3A_654 = arith.index_cast %rem3A_82 : i32 to index
        %parallel_loop3A_655 = arith.index_cast %parallel_loop3A_139 : i32 to index
        %parallel_loop3A_656 = arith.constant 96 : index
        %parallel_loop3A_657 = tpu.vector_load %arg10[%parallel_loop3A_654, %parallel_loop3A_655, %parallel_loop3A_656] {strides = array<i32>} : memref<3x16x128xf32, #tpu.memory_space<vmem>>, vector<1x1x16xf32>,
        %parallel_loop3A_658 = vector.shape_cast %parallel_loop3A_657 : vector<1x1x16xf32> to vector<16xf32>
        %parallel_loop3A_659 = arith.addf %parallel_loop3A_653, %parallel_loop3A_658 : vector<16xf32>
        %parallel_loop3A_660 = arith.addf %parallel_loop3A_652, %parallel_loop3A_659 : vector<16xf32>
        %parallel_loop3A_661 = arith.index_cast %rem3A_82 : i32 to index
        %parallel_loop3A_662 = arith.index_cast %parallel_loop3A_139 : i32 to index
        %parallel_loop3A_663 = arith.constant 96 : index
        %parallel_loop3A_664 = tpu.vector_load %arg11[%parallel_loop3A_661, %parallel_loop3A_662, %parallel_loop3A_663] {strides = array<i32>} : memref<3x16x128xf32, #tpu.memory_space<vmem>>, vector<1x1x16xf32>,
        %parallel_loop3A_665 = vector.shape_cast %parallel_loop3A_664 : vector<1x1x16xf32> to vector<16xf32>
        %parallel_loop3A_666 = vector.shape_cast %parallel_loop3A_660 : vector<16xf32> to vector<1x1x16xf32>
        tpu.vector_store %arg11[%parallel_loop3A_661, %parallel_loop3A_662, %parallel_loop3A_663], %parallel_loop3A_666 {strides = array<i32>} : memref<3x16x128xf32, #tpu.memory_space<vmem>>, vector<1x1x16xf32>,
        %parallel_loop3A_667 = arith.constant 0 : i32
        %parallel_loop3A_668 = arith.addi %parallel_loop3A_141, %parallel_loop3A_667 : i32
        %parallel_loop3A_669 = arith.index_cast %rem3A_82 : i32 to index
        %parallel_loop3A_670 = arith.index_cast %parallel_loop3A_668 : i32 to index
        %parallel_loop3A_671 = arith.constant 112 : index
        %parallel_loop3A_672 = tpu.vector_load %arg9[%parallel_loop3A_669, %parallel_loop3A_670, %parallel_loop3A_671] {strides = array<i32>} : memref<3x128x128xf32, #tpu.memory_space<vmem>>, vector<1x1x16xf32>,
        %parallel_loop3A_673 = vector.shape_cast %parallel_loop3A_672 : vector<1x1x16xf32> to vector<16xf32>
        %parallel_loop3A_674 = arith.constant 1 : i32
        %parallel_loop3A_675 = arith.addi %parallel_loop3A_141, %parallel_loop3A_674 : i32
        %parallel_loop3A_676 = arith.index_cast %rem3A_82 : i32 to index
        %parallel_loop3A_677 = arith.index_cast %parallel_loop3A_675 : i32 to index
        %parallel_loop3A_678 = arith.constant 112 : index
        %parallel_loop3A_679 = tpu.vector_load %arg9[%parallel_loop3A_676, %parallel_loop3A_677, %parallel_loop3A_678] {strides = array<i32>} : memref<3x128x128xf32, #tpu.memory_space<vmem>>, vector<1x1x16xf32>,
        %parallel_loop3A_680 = vector.shape_cast %parallel_loop3A_679 : vector<1x1x16xf32> to vector<16xf32>
        %parallel_loop3A_681 = arith.addf %parallel_loop3A_673, %parallel_loop3A_680 : vector<16xf32>
        %parallel_loop3A_682 = arith.constant 2 : i32
        %parallel_loop3A_683 = arith.addi %parallel_loop3A_141, %parallel_loop3A_682 : i32
        %parallel_loop3A_684 = arith.index_cast %rem3A_82 : i32 to index
        %parallel_loop3A_685 = arith.index_cast %parallel_loop3A_683 : i32 to index
        %parallel_loop3A_686 = arith.constant 112 : index
        %parallel_loop3A_687 = tpu.vector_load %arg9[%parallel_loop3A_684, %parallel_loop3A_685, %parallel_loop3A_686] {strides = array<i32>} : memref<3x128x128xf32, #tpu.memory_space<vmem>>, vector<1x1x16xf32>,
        %parallel_loop3A_688 = vector.shape_cast %parallel_loop3A_687 : vector<1x1x16xf32> to vector<16xf32>
        %parallel_loop3A_689 = arith.constant 3 : i32
        %parallel_loop3A_690 = arith.addi %parallel_loop3A_141, %parallel_loop3A_689 : i32
        %parallel_loop3A_691 = arith.index_cast %rem3A_82 : i32 to index
        %parallel_loop3A_692 = arith.index_cast %parallel_loop3A_690 : i32 to index
        %parallel_loop3A_693 = arith.constant 112 : index
        %parallel_loop3A_694 = tpu.vector_load %arg9[%parallel_loop3A_691, %parallel_loop3A_692, %parallel_loop3A_693] {strides = array<i32>} : memref<3x128x128xf32, #tpu.memory_space<vmem>>, vector<1x1x16xf32>,
        %parallel_loop3A_695 = vector.shape_cast %parallel_loop3A_694 : vector<1x1x16xf32> to vector<16xf32>
        %parallel_loop3A_696 = arith.addf %parallel_loop3A_688, %parallel_loop3A_695 : vector<16xf32>
        %parallel_loop3A_697 = arith.constant 4 : i32
        %parallel_loop3A_698 = arith.addi %parallel_loop3A_141, %parallel_loop3A_697 : i32
        %parallel_loop3A_699 = arith.index_cast %rem3A_82 : i32 to index
        %parallel_loop3A_700 = arith.index_cast %parallel_loop3A_698 : i32 to index
        %parallel_loop3A_701 = arith.constant 112 : index
        %parallel_loop3A_702 = tpu.vector_load %arg9[%parallel_loop3A_699, %parallel_loop3A_700, %parallel_loop3A_701] {strides = array<i32>} : memref<3x128x128xf32, #tpu.memory_space<vmem>>, vector<1x1x16xf32>,
        %parallel_loop3A_703 = vector.shape_cast %parallel_loop3A_702 : vector<1x1x16xf32> to vector<16xf32>
        %parallel_loop3A_704 = arith.constant 5 : i32
        %parallel_loop3A_705 = arith.addi %parallel_loop3A_141, %parallel_loop3A_704 : i32
        %parallel_loop3A_706 = arith.index_cast %rem3A_82 : i32 to index
        %parallel_loop3A_707 = arith.index_cast %parallel_loop3A_705 : i32 to index
        %parallel_loop3A_708 = arith.constant 112 : index
        %parallel_loop3A_709 = tpu.vector_load %arg9[%parallel_loop3A_706, %parallel_loop3A_707, %parallel_loop3A_708] {strides = array<i32>} : memref<3x128x128xf32, #tpu.memory_space<vmem>>, vector<1x1x16xf32>,
        %parallel_loop3A_710 = vector.shape_cast %parallel_loop3A_709 : vector<1x1x16xf32> to vector<16xf32>
        %parallel_loop3A_711 = arith.addf %parallel_loop3A_703, %parallel_loop3A_710 : vector<16xf32>
        %parallel_loop3A_712 = arith.constant 6 : i32
        %parallel_loop3A_713 = arith.addi %parallel_loop3A_141, %parallel_loop3A_712 : i32
        %parallel_loop3A_714 = arith.index_cast %rem3A_82 : i32 to index
        %parallel_loop3A_715 = arith.index_cast %parallel_loop3A_713 : i32 to index
        %parallel_loop3A_716 = arith.constant 112 : index
        %parallel_loop3A_717 = tpu.vector_load %arg9[%parallel_loop3A_714, %parallel_loop3A_715, %parallel_loop3A_716] {strides = array<i32>} : memref<3x128x128xf32, #tpu.memory_space<vmem>>, vector<1x1x16xf32>,
        %parallel_loop3A_718 = vector.shape_cast %parallel_loop3A_717 : vector<1x1x16xf32> to vector<16xf32>
        %parallel_loop3A_719 = arith.constant 7 : i32
        %parallel_loop3A_720 = arith.addi %parallel_loop3A_141, %parallel_loop3A_719 : i32
        %parallel_loop3A_721 = arith.index_cast %rem3A_82 : i32 to index
        %parallel_loop3A_722 = arith.index_cast %parallel_loop3A_720 : i32 to index
        %parallel_loop3A_723 = arith.constant 112 : index
        %parallel_loop3A_724 = tpu.vector_load %arg9[%parallel_loop3A_721, %parallel_loop3A_722, %parallel_loop3A_723] {strides = array<i32>} : memref<3x128x128xf32, #tpu.memory_space<vmem>>, vector<1x1x16xf32>,
        %parallel_loop3A_725 = vector.shape_cast %parallel_loop3A_724 : vector<1x1x16xf32> to vector<16xf32>
        %parallel_loop3A_726 = arith.addf %parallel_loop3A_718, %parallel_loop3A_725 : vector<16xf32>
        %parallel_loop3A_727 = arith.addf %parallel_loop3A_681, %parallel_loop3A_696 : vector<16xf32>
        %parallel_loop3A_728 = arith.addf %parallel_loop3A_711, %parallel_loop3A_726 : vector<16xf32>
        %parallel_loop3A_729 = arith.index_cast %rem3A_82 : i32 to index
        %parallel_loop3A_730 = arith.index_cast %parallel_loop3A_139 : i32 to index
        %parallel_loop3A_731 = arith.constant 112 : index
        %parallel_loop3A_732 = tpu.vector_load %arg10[%parallel_loop3A_729, %parallel_loop3A_730, %parallel_loop3A_731] {strides = array<i32>} : memref<3x16x128xf32, #tpu.memory_space<vmem>>, vector<1x1x16xf32>,
        %parallel_loop3A_733 = vector.shape_cast %parallel_loop3A_732 : vector<1x1x16xf32> to vector<16xf32>
        %parallel_loop3A_734 = arith.addf %parallel_loop3A_728, %parallel_loop3A_733 : vector<16xf32>
        %parallel_loop3A_735 = arith.addf %parallel_loop3A_727, %parallel_loop3A_734 : vector<16xf32>
        %parallel_loop3A_736 = arith.index_cast %rem3A_82 : i32 to index
        %parallel_loop3A_737 = arith.index_cast %parallel_loop3A_139 : i32 to index
        %parallel_loop3A_738 = arith.constant 112 : index
        %parallel_loop3A_739 = tpu.vector_load %arg11[%parallel_loop3A_736, %parallel_loop3A_737, %parallel_loop3A_738] {strides = array<i32>} : memref<3x16x128xf32, #tpu.memory_space<vmem>>, vector<1x1x16xf32>,
        %parallel_loop3A_740 = vector.shape_cast %parallel_loop3A_739 : vector<1x1x16xf32> to vector<16xf32>
        %parallel_loop3A_741 = vector.shape_cast %parallel_loop3A_735 : vector<16xf32> to vector<1x1x16xf32>
        tpu.vector_store %arg11[%parallel_loop3A_736, %parallel_loop3A_737, %parallel_loop3A_738], %parallel_loop3A_741 {strides = array<i32>} : memref<3x16x128xf32, #tpu.memory_space<vmem>>, vector<1x1x16xf32>,
      } {sc.loop_unroll_factor = 2 : i64, sc.parallel_access}
      %add3A_122 = arith.addi %add3A_8, %while3A_81 : i32
      %mul3A_123 = arith.constant 16 : i32
      %mul3A_124 = arith.muli %add3A_122, %mul3A_123 : i32
      %dma_start3A_125 = arith.constant 0 : i32
      %dma_start3A_126 = arith.constant 0 : i32
      %dma_start3A_127 = tpu.memref_slice %arg11[%rem3A_82, %dma_start3A_125, %dma_start3A_126] : memref<3x16x128xf32, #tpu.memory_space<vmem>> -> memref<1x16x128xf32, #tpu.memory_space<vmem>>
      %dma_start3A_128 = tpu.memref_squeeze %dma_start3A_127 : memref<1x16x128xf32, #tpu.memory_space<vmem>> -> memref<16x128xf32, #tpu.memory_space<vmem>>
      %dma_start3A_129 = arith.constant 0 : i32
      %dma_start3A_130 = tpu.memref_slice %arg6[%mul3A_124, %dma_start3A_129] : memref<100000x128xf32, #tpu.memory_space<hbm>> -> memref<16x128xf32, #tpu.memory_space<hbm>>
      %dma_start3A_131 = tpu.memref_slice %arg14[%rem3A_82] : memref<3x!tpu.dma_semaphore, #tpu.memory_space<semaphore_mem>> -> memref<1x!tpu.dma_semaphore, #tpu.memory_space<semaphore_mem>>
      %dma_start3A_132 = tpu.memref_squeeze %dma_start3A_131 : memref<1x!tpu.dma_semaphore, #tpu.memory_space<semaphore_mem>> -> memref<!tpu.dma_semaphore, #tpu.memory_space<semaphore_mem>>
      %dma_start3A_133 = arith.constant 0 : i32
      %dma_start3A_134 = tpu.memref_slice %arg6[%mul3A_124, %dma_start3A_133] : memref<100000x128xf32, #tpu.memory_space<hbm>> -> memref<16x128xf32, #tpu.memory_space<hbm>>
      %dma_start3A_135 = arith.constant 0 : i32
      %dma_start3A_136 = arith.constant 0 : i32
      %dma_start3A_137 = tpu.memref_slice %arg11[%rem3A_82, %dma_start3A_135, %dma_start3A_136] : memref<3x16x128xf32, #tpu.memory_space<vmem>> -> memref<1x16x128xf32, #tpu.memory_space<vmem>>
      %dma_start3A_138 = tpu.memref_squeeze %dma_start3A_137 : memref<1x16x128xf32, #tpu.memory_space<vmem>> -> memref<16x128xf32, #tpu.memory_space<vmem>>
      tpu.enqueue_dma source(%dma_start3A_138 : memref<16x128xf32, #tpu.memory_space<vmem>>) target(%dma_start3A_134 : memref<16x128xf32, #tpu.memory_space<hbm>>) target_semaphore(%dma_start3A_132 : memref<!tpu.dma_semaphore, #tpu.memory_space<semaphore_mem>>)
    }
    %scan3A = arith.constant 0 : i32
    %scan3A_76 = arith.constant 0 : i32
    %scan3A_77 = arith.constant 3 : i32
    %scan3A_78 = arith.addi %scan3A_76, %scan3A_77 : i32
    %scan3A_79 = arith.constant 1 : i32
    scf.for %scan3A_81 = %scan3A_76 to %scan3A_78 step %scan3A_79  : i32 {
      %sub3A = arith.constant 3 : i32
      %sub3A_82 = arith.subi %add3A_4, %sub3A : i32
      %add3A_83 = arith.addi %sub3A_82, %scan3A_81 : i32
      %rem3A = arith.constant 3 : i32
      %rem3A_84 = arith.remsi %add3A_83, %rem3A : i32
      %add3A_85 = arith.addi %add3A_8, %add3A_83 : i32
      %mul3A_86 = arith.constant 16 : i32
      %mul3A_87 = arith.muli %add3A_85, %mul3A_86 : i32
      %dma_wait3A = arith.constant 0 : i32
      %dma_wait3A_88 = arith.constant 0 : i32
      %dma_wait3A_89 = tpu.memref_slice %arg11[%rem3A_84, %dma_wait3A, %dma_wait3A_88] : memref<3x16x128xf32, #tpu.memory_space<vmem>> -> memref<1x16x128xf32, #tpu.memory_space<vmem>>
      %dma_wait3A_90 = tpu.memref_squeeze %dma_wait3A_89 : memref<1x16x128xf32, #tpu.memory_space<vmem>> -> memref<16x128xf32, #tpu.memory_space<vmem>>
      %dma_wait3A_91 = arith.constant 0 : i32
      %dma_wait3A_92 = tpu.memref_slice %arg6[%mul3A_87, %dma_wait3A_91] : memref<100000x128xf32, #tpu.memory_space<hbm>> -> memref<16x128xf32, #tpu.memory_space<hbm>>
      %dma_wait3A_93 = tpu.memref_slice %arg14[%rem3A_84] : memref<3x!tpu.dma_semaphore, #tpu.memory_space<semaphore_mem>> -> memref<1x!tpu.dma_semaphore, #tpu.memory_space<semaphore_mem>>
      %dma_wait3A_94 = tpu.memref_squeeze %dma_wait3A_93 : memref<1x!tpu.dma_semaphore, #tpu.memory_space<semaphore_mem>> -> memref<!tpu.dma_semaphore, #tpu.memory_space<semaphore_mem>>
      %dma_wait3A_95 = arith.constant 0 : i32
      %dma_wait3A_96 = tpu.memref_slice %arg6[%mul3A_87, %dma_wait3A_95] : memref<100000x128xf32, #tpu.memory_space<hbm>> -> memref<16x128xf32, #tpu.memory_space<hbm>>
      %dma_wait3A_97 = arith.constant 0 : i32
      %dma_wait3A_98 = arith.constant 0 : i32
      %dma_wait3A_99 = tpu.memref_slice %arg11[%rem3A_84, %dma_wait3A_97, %dma_wait3A_98] : memref<3x16x128xf32, #tpu.memory_space<vmem>> -> memref<1x16x128xf32, #tpu.memory_space<vmem>>
      %dma_wait3A_100 = tpu.memref_squeeze %dma_wait3A_99 : memref<1x16x128xf32, #tpu.memory_space<vmem>> -> memref<16x128xf32, #tpu.memory_space<vmem>>
      tpu.wait_dma2 semaphore(%dma_wait3A_94 : memref<!tpu.dma_semaphore, #tpu.memory_space<semaphore_mem>>) src(%dma_wait3A_100 : memref<16x128xf32, #tpu.memory_space<vmem>>) dst(%dma_wait3A_96 : memref<16x128xf32, #tpu.memory_space<hbm>>)
    }
    %scan3A_80 = arith.constant 3 : i32
    return
  }
}

</mosaic_0001>

<sc_bundles>
// kernel: _embed.3.cloned.1.call-start
scs
__scs_entry_jumppad:
0x0: {  	(pc) =	sbr.rel $0x88, $3  }
0x1: {  	(tag) =	ssettag $0x0;
	lr =	simm.s32 $0x1  }
0x2: {  	[smem:$0x3F9D] =	sst lr;
	_ =	strace $0xD0000000  }
0x3: {  	_ = 	snop  }
0x4: {  	_ = 	snop  }
0x5: {  	_ = 	snop  }
0x6: {  	_ = 	snop  }
0x7: {  	_ = 	snop  }
__scs_overlays_trampoline_lowered:
0x8: {  	[smem:$0x3FAC] =	sst s0  }
0x9: {  	[smem:$0x3FAD] =	sst s1  }
0xa: {  	[smem:$0x3FAE] =	sst s2  }
0xb: {  	[smem:$0x3FAF] =	sst s3  }
0xc: {  	[smem:$0x3FB0] =	sst s4  }
0xd: {  	[smem:$0x3FB1] =	sst s5  }
0xe: {  	[smem:$0x3FB2] =	sst s6  }
0xf: {  	[smem:$0x3FB3] =	sst s7  }
0x10: {  	[smem:$0x3FB4] =	sst s8  }
0x11: {  	[smem:$0x3FB5] =	sst s9;
	s0 =	simm.s32 @!p0 $0x0  }
0x12: {  	s1 =	sld [smem:$0x3F9B];
	s0 =	simm.s32 @p0 $0x1  }
0x13: {  	[smem:$0x3FB6] =	sst s0;
	s0 =	simm.s32 @!p1 $0x0  }
0x14: {  	s2 =	sld [smem:$0x3F9A];
	s0 =	simm.s32 @p1 $0x1  }
0x15: {  	[smem:$0x3FB7] =	sst s0;
	s0 =	simm.s32 @!p2 $0x0  }
0x16: {  	s3 =	sld [smem:$0x3FDB];
	s0 =	simm.s32 @p2 $0x1  }
0x17: {  	s4 =	simm.s32 $0x1BF5;
	[smem:$0x3FB9] =	sst s0  }
0x18: {  	s0 =	sld [smem:$0x3F9C];
	_ =	swait.ge [sflag:s4], $0x0  }
0x19: {  	s7 =	sld [smem:$0x3F9D]  }
0x1a: {  	s8 =	sadd.s32 $0xFFFFE003, lr  }
0x1b: {  	s9 =	sadd.s32 $0xFFFFFEF7, lr;
	s5 =	simm.s32 $0xFFFFFFFF;
	p2 =	slt.u32 s8, $0xFFFFF086  }
0x1c: {  	p1 =	slt.u32 s9, $0xF7A;
	s5 =	simm.s32 @!p2 $0x0  }
0x1d: {  	s5 =	simm.s32 @p1 $0x1;
	p0 =	seq.s32 s7, s2  }
0x1e: {  	s7 =	smul.u32 @!p0 $0xF7A, s2;
	p2 =	seq.s32 @!p0 s5, $0x0  }
0x1f: {  	s9 =	smul.u32 $0xF7A, s1;
	s8 =	simm.s32 @!p0 $0x1BF5;
	p2 =	por !p2, p0  }
0x20: {  	[sflag:s8] =	ssyncset.s32 @!p0 $0xFFFFF086;
	s6 =	sadd.s32 @!p0 s3, s7;
	s7 =	simm.s32 @!p0 $0x108  }
0x21: {  	s3 =	sadd.s32 s3, s9;
	s6 =	sadd.s32 @!p0 $0x88, s6;
	s7 =	simm.s32 @p2 $0x1082  }
0x22: {  	[simem:s7], [sflag:s8] =	dma.local @!p0 [hbm:s6], $0xF7A  }
0x23: {  	s9 =	sor.u32 $0xD0000000, s2;
	s6 =	simm.s32 $0x108;
	_ =	swait.ge @!p0 [sflag:s8], $0x0  }
0x24: {  	s3 =	sadd.s32 $0x88, s3;
	s6 =	simm.s32 @!p1 $0x1082;
	[sflag:s4] =	ssyncset.s32 $0xFFFFF086  }
0x25: {  	[simem:s6], [sflag:s4] =	dma.local [hbm:s3], $0xF7A  }
0x26: {  	[smem:$0x3F9D] =	sst s1;
	(tag) =	ssettag s2;
	_ =	strace s9  }
0x27: {  	s1 =	sld [smem:$0x3FAD]  }
0x28: {  	s2 =	sld [smem:$0x3FAE]  }
0x29: {  	s4 =	sld [smem:$0x3FB0]  }
0x2a: {  	p0 =	seq.s32 s5, $0x0;
	s5 =	sld [smem:$0x3FB1]  }
0x2b: {  	s6 =	sld [smem:$0x3FB2]  }
0x2c: {  	s7 =	sld [smem:$0x3FB3]  }
0x2d: {  	s3 =	simm.s32 $0x108;
	s8 =	sld [smem:$0x3FB4]  }
0x2e: {  	s3 =	simm.s32 @!p0 $0x1082;
	s9 =	sld [smem:$0x3FB5]  }
0x2f: {  	lr =	sadd.s32 s0, s3;
	s0 =	sld [smem:$0x3FAC]  }
0x30: {  	s3 =	sld [smem:$0x3FAF]  }
0x31: {  	[smem:$0x3FB8] =	sst s10  }
0x32: {  	s10 =	sld [smem:$0x3FB6];
	_ =	sdelay $0x3  }
0x33: {  	p0 =	seq.s32 s10, $0x1;
	s10 =	sld [smem:$0x3FB8];
	_ =	sdelay $0x3  }
0x34: {  	[smem:$0x3FB8] =	sst s10  }
0x35: {  	s10 =	sld [smem:$0x3FB7];
	_ =	sdelay $0x3  }
0x36: {  	p1 =	seq.s32 s10, $0x1;
	s10 =	sld [smem:$0x3FB8];
	_ =	sdelay $0x3  }
0x37: {  	[smem:$0x3FB8] =	sst s10  }
0x38: {  	s10 =	sld [smem:$0x3FB9]  }
0x39: {  	_ = 	snop;
	(pc) =	sbr.ind lr, $3  }
0x3a: {  	_ = 	snop  }
0x3b: {  	_ = 	snop  }
0x3c: {  	p2 =	seq.s32 s10, $0x1;
	s10 =	sld [smem:$0x3FB8]  }
0x3d: {  	_ =	shalt  }
0x3e: {  	_ =	shalt  }
0x3f: {  	_ =	shalt  }
0x40: {  	_ =	shalt  }
0x41: {  	_ =	shalt  }
0x42: {  	_ =	shalt  }
0x43: {  	_ =	shalt  }
0x44: {  	_ =	shalt  }
0x45: {  	_ =	shalt  }
0x46: {  	_ =	shalt  }
0x47: {  	_ =	shalt  }
0x48: {  	_ =	shalt  }
0x49: {  	_ =	shalt  }
0x4a: {  	_ =	shalt  }
0x4b: {  	_ =	shalt  }
0x4c: {  	_ =	shalt  }
0x4d: {  	_ =	shalt  }
0x4e: {  	_ =	shalt  }
0x4f: {  	_ =	shalt  }
0x50: {  	_ =	shalt  }
0x51: {  	_ =	shalt  }
0x52: {  	_ =	shalt  }
0x53: {  	_ =	shalt  }
0x54: {  	_ =	shalt  }
0x55: {  	_ =	shalt  }
0x56: {  	_ =	shalt  }
0x57: {  	_ =	shalt  }
0x58: {  	_ =	shalt  }
0x59: {  	_ =	shalt  }
0x5a: {  	_ =	shalt  }
0x5b: {  	_ =	shalt  }
0x5c: {  	_ =	shalt  }
0x5d: {  	_ =	shalt  }
0x5e: {  	_ =	shalt  }
0x5f: {  	_ =	shalt  }
0x60: {  	_ =	shalt  }
0x61: {  	_ =	shalt  }
0x62: {  	_ =	shalt  }
0x63: {  	_ =	shalt  }
0x64: {  	_ =	shalt  }
0x65: {  	_ =	shalt  }
0x66: {  	_ =	shalt  }
0x67: {  	_ =	shalt  }
0x68: {  	_ =	shalt  }
0x69: {  	_ =	shalt  }
0x6a: {  	_ =	shalt  }
0x6b: {  	_ =	shalt  }
0x6c: {  	_ =	shalt  }
0x6d: {  	_ =	shalt  }
0x6e: {  	_ =	shalt  }
0x6f: {  	_ =	shalt  }
0x70: {  	_ =	shalt  }
0x71: {  	_ =	shalt  }
0x72: {  	_ =	shalt  }
0x73: {  	_ =	shalt  }
0x74: {  	_ =	shalt  }
0x75: {  	_ =	shalt  }
0x76: {  	_ =	shalt  }
0x77: {  	_ =	shalt  }
0x78: {  	_ =	shalt  }
0x79: {  	_ =	shalt  }
0x7a: {  	_ =	shalt  }
0x7b: {  	_ =	shalt  }
0x7c: {  	_ =	shalt  }
0x7d: {  	_ =	shalt  }
0x7e: {  	_ =	shalt  }
0x7f: {  	_ =	shalt  }
0x80: {  	_ =	shalt  }
0x81: {  	_ =	shalt  }
0x82: {  	_ =	shalt  }
0x83: {  	_ =	shalt  }
0x84: {  	_ =	shalt  }
0x85: {  	_ =	shalt  }
0x86: {  	_ =	shalt  }
0x87: {  	_ =	shalt  }
.Lfunc_end0:
.L_simem_size_0:
called_computation_lowered:
.L_overlay_start_0:
0x88: {  	s2 =	sld [smem:$0x3FD9]  }
0x89: {  	s3 =	sld [smem:$0x3FFE];
	_ =	sdelay $0x1  }
0x8a: {  	s1 =	srdreg.scid  }
0x8b: {  	s0 =	sand.u32 $0x1, s1  }
0x8c: {  	s18 =	sshll.u32 s0, $0xA;
	s2 =	sadd.s32 s3, s2  }
0x8d: {  	s2 =	sadd.s32 s2, s18  }
0x8e: {  	[smem:$0x3FC4] =	sst s2  }
0x8f: {  	_ = 	snop  }
0x90: {  	s2 =	sld [smem:$0x3FC9]  }
0x91: {  	s19 =	sld [smem:$0x3FC8]  }
0x92: {  	s4 =	sld [smem:$0x3FC7]  }
0x93: {  	s5 =	sld [smem:$0x3FC6]  }
0x94: {  	s6 =	sld [smem:$0x3FD0];
	(tm) =	ssettm $0x1  }
0x95: {  	s7 =	sld [smem:$0x3FFB];
	_ =	sdelay $0x3  }
0x96: {  	_ =	strace s7  }
0x97: {  	s7 =	sld [smem:$0x3FFC];
	_ =	sdelay $0x3  }
0x98: {  	_ =	strace s7  }
0x99: {  	s7 =	sld [smem:$0x3FFD];
	_ =	sdelay $0x3  }
0x9a: {  	_ =	strace s7  }
0x9b: {  	_ =	strace $0x8FFFFFFF  }
0x9c: {  	s20 =	sld [smem:$0x3FDB];
	_ =	sdelay $0x1  }
0x9d: {  	s8 =	simm.s32 $_scs_section_size  }
0x9e: {  	s9 =	simm.s32 $_size__tile_overlayer_lowered;
	s10 =	simm.s32 $_tile_overlayer_lowered  }
0x9f: {  	s23 =	simm.s32 $0x1BFF;
	s22 =	sshll.u32 s10, $0x1;
	s7 =	sadd.s32 s8, s20  }
0xa0: {  	s11 =	simm.s32 $0x0;
	s21 =	sshll.u32 s9, $0x1;
	s9 =	sadd.s32 s22, s7  }
0xa1: {  	[timem:s11], [sflag:s23] =	dma.local [hbm:s9], s21  }
0xa2: {  	_ =	swait.ge [sflag:s23], s21  }
0xa3: {  	s8 =	ssub.s32 $0x0, s21;
	[sflag:s23] =	ssyncset.done $0x0  }
0xa4: {  	[sflag:s23] =	ssyncadd.s32 s8;
	_ =	sdelay $0x1  }
0xa5: {  	s24 =	simm.s32 $0x1B8B  }
0xa6: {  	_ =	swait.ge [sflag:s24], $0x1  }
0xa7: {  	[sflag:s24] =	ssyncset.done $0x0  }
0xa8: {  	s25 =	simm.s32 $0x1B8E;
	[sflag:s24] =	ssyncadd.s32 $0xFFFFFFFF  }
0xa9: {  	s26 =	simm.s32 $execute0_lowered;
	[smem:$0x3FD2] =	sst s25  }
0xaa: {  	s8 =	sshll.u32 s26, $0x1;
	_ =	strace $0x80000046;
	[dreg:$0x1] =	wrdreg $0xFFFFFFFF  }
0xab: {  	s28 =	simm.s32 $_size_execute0_lowered;
	s7 =	sadd.s32 s7, s8;
	[dreg:$0x0] =	wrdreg $0x0  }
0xac: {  	s8 =	sshll.u32 s28, $0x1;
	[dreg:$0x2] =	wrdreg s7  }
0xad: {  	[dreg:$0x3] =	wrdreg s8  }
0xae: {  	[dreg:$0x4] =	wrdreg $0xC0  }
0xaf: {  	_ =	task [dreg:s11], $0x5FFFF  }
0xb0: {  	[dreg:$0x1] =	wrdreg $0xFFFFFFFF  }
0xb1: {  	[dreg:$0x0] =	wrdreg $0x60  }
0xb2: {  	[dreg:$0x2] =	wrdreg s2  }
0xb3: {  	[dreg:$0x3] =	wrdreg s19  }
0xb4: {  	[dreg:$0x4] =	wrdreg s4  }
0xb5: {  	[dreg:$0x5] =	wrdreg s5  }
0xb6: {  	[dreg:$0x6] =	wrdreg s6  }
0xb7: {  	[dreg:$0x7] =	wrdreg $0x9  }
0xb8: {  	_ =	task.clear_ibuf [dreg:s11], $0x8FFFF;
	_ =	strace $0x90000046  }
0xb9: {  	s29 =	simm.s32 $0x9;
	_ =	strace $0x80000048  }
0xba: {  	_ =	swait.ge [sflag:s29], $0x1  }
0xbb: {  	[sflag:s29] =	ssyncadd.s32 $0xFFFFFFFF  }
0xbc: {  	_ =	strace $0x90000048  }
0xbd: {  	_ =	sfence  }
0xbe: {  	s30 =	sld [smem:$0x0];
	_ =	sdelay $0x2  }
0xbf: {  	s31 =	sshll.u32 s1, $0xD;
	s1 =	sshrl.u32 s1, $0x2  }
0xc0: {  	s3 =	sand.u32 $0x4000, s31;
	s1 =	sadd.s32 s1, s30  }
0xc1: {  	s0 =	sor.u32 s3, s0;
	s1 =	sshll.u32 s1, $0x11  }
0xc2: {  	s0 =	sor.u32 s1, s0  }
0xc3: {  	s0 =	sadd.s32 $0x8F2B, s0  }
0xc4: {  	[sflag:s0] =	ssyncadd.remote.s32 $0x1  }
0xc5: {  	_ =	sfence.sel $0xFFFF  }
0xc6: {  	[dreg:$0x0] =	wrdreg $0xFFFFFFFF;
	(pc) =	sbr.abs _section_cstart, $3  }
0xc7: {  	[dreg:$0x1] =	wrdreg $0xFFFFFFFF  }
0xc8: {  	_ =	task.clear_ibuf [dreg:s11], $0x2FFFF;
	_ =	strace $0x9FFFFFFF  }
0xc9: {  	(tm) =	ssettm $0x7FFFFFFF  }
tec
execute0_lowered:
.L_overlay_start_1:
0x0: {  	(tag) =	ssettag $0x1  }
0x1: {  	s0 =	rddreg [dreg:$0x0]  }
0x2: {  	s2 =	rddreg [dreg:$0x1]  }
0x3: {  	s1 =	rddreg [dreg:$0x2]  }
0x4: {  	s3 =	rddreg [dreg:$0x3];
	s5 =	srdreg.scid  }
0x5: {  	s12 =	stileid.u32;
	s4 =	rddreg [dreg:$0x4]  }
0x6: {  	s13 =	simm.s32 $0x10;
	s15 =	simm.s32 $0x12E40;
	s16 =	simm.s32 $0xAE40  }
0x7: {  	s17 =	simm.s32 $0x6210;
	s18 =	simm.s32 $0x13640;
	s19 =	simm.s32 $0x0  }
0x8: {  	s6 =	sand.u32 $0x1, s5;
	s7 =	sshll.u32 s12, $0x1;
	s5 =	simm.s32 $0x0  }
0x9: {  	p0 =	slt.u32 s12, $0x5;
	s7 =	sor.u32 s6, s7;
	[smem:$0x7FF] =	sst s5  }
0xa: {  	s8 =	ssub.s32 $0x2, s6;
	s6 =	simm.s32 $0xC4;
	s9 =	smul.u32 $0xC3, s7  }
0xb: {  	_ =	strace $0x80000047;
	s10 =	sshrl.u32 s8, $0x1;
	s7 =	smin.u32 s7, $0xA  }
0xc: {  	s6 =	simm.s32 @!p0 $0xC3;
	s11 =	ssub.s32 s8, s10;
	s7 =	sadd.s32 s7, s9  }
0xd: {  	s9 =	simm.s32 $0xC1;
	s11 =	smax.u32 s11, $0x1;
	s30 =	sshll.u32 s7, $0x4  }
0xe: {  	s31 =	sshll.u32 s7, $0x1;
	s9 =	simm.s32 @!p0 $0xC0;
	p0 =	sgt.u32 s12, $0x4  }
0xf: {  	s12 =	simm.s32 $0x80;
	s8 =	sadd.s32 s0, s30;
	s10 =	sadd.s32 s2, s31  }
.LBB2_1:
0x10: {  	s0 =	simm.s32 @p0 $0x0;
	s2 =	simm.s32 @p0 $0xA  }
0x11: {  	[tilespmem:s0], [sflag:$0xA] =	stream.linear.gather @p0 [hbm4b:s8+s0], $0x6180, $0x38;
	[tilespmem:$0x15E40] =	vst v63  }
0x12: {  	_ =	swait.ge @p0 [sflag:s2], $0x6180  }
0x13: {  	[sflag:s2] =	ssyncset.done @p0 $0x0  }
0x14: {  	s14 =	simm.s32 @p0 $0x6200;
	[sflag:s2] =	ssyncadd.s32 @p0 $0xFFFF9E80  }
0x15: {  	[tilespmem:s14], [sflag:$0xA] =	stream.linear.gather @p0 [hbm4b:s10+s0], $0xC30, $0x38;
	[tilespmem:$0x15E40] =	vst v63  }
0x16: {  	_ =	swait.ge @p0 [sflag:s2], $0xC30  }
0x17: {  	[sflag:s2] =	ssyncset.done @p0 $0x0  }
0x18: {  	s0 =	simm.s32 @!p0 $0x0;
	[sflag:s2] =	ssyncadd.s32 @p0 $0xFFFFF3D0;
	s2 =	simm.s32 @!p0 $0xA  }
0x19: {  	[tilespmem:s0], [sflag:$0xA] =	stream.linear.gather @!p0 [hbm4b:s8+s0], $0x6200, $0x38;
	[tilespmem:$0x15E40] =	vst v63  }
0x1a: {  	_ =	swait.ge @!p0 [sflag:s2], $0x6200  }
0x1b: {  	[sflag:s2] =	ssyncset.done @!p0 $0x0  }
0x1c: {  	s14 =	simm.s32 @!p0 $0x6200;
	[sflag:s2] =	ssyncadd.s32 @!p0 $0xFFFF9E00  }
0x1d: {  	[tilespmem:s14], [sflag:$0xA] =	stream.linear.gather @!p0 [hbm4b:s10+s0], $0xC40, $0x38;
	[tilespmem:$0x15E40] =	vst v63  }
0x1e: {  	_ =	swait.ge @!p0 [sflag:s2], $0xC40  }
0x1f: {  	[sflag:s2] =	ssyncset.done @!p0 $0x0  }
0x20: {  	s20 =	simm.s32 $0x6E40;
	[sflag:s2] =	ssyncadd.s32 @!p0 $0xFFFFF3C0  }
0x21: {  	[tilespmem:s20], [sflag:$0x1] =	stream.indirect.gather [hbm4b:s1+s12], $0x80, s5, s12, $0xb8;
	[tilespmem:$0x15E40] =	vst v63  }
0x22: {  	s31 =	simm.s32 $0x6200  }
0x23: {  	[tilespmem:s15], [sflag:$0x4] =	stream.indirect.gather [hbm4b:s3+s13], $0x80, s31, s13, $0xb8;
	[tilespmem:$0x15E40] =	vst v63  }
0x24: {  	_ = 	snop  }
0x25: {  	[tilespmem:s16], [sflag:$0x2] =	stream.indirect.gather [hbm4b:s1+s12], $0x80, s12, s12, $0xb8;
	[tilespmem:$0x15E40] =	vst v63  }
0x26: {  	s21 =	simm.s32 $0x14640;
	s23 =	simm.s32 $0x0;
	s2 =	simm.s32 $0x12F30  }
0x27: {  	[tilespmem:s18], [sflag:$0x5] =	stream.indirect.gather [hbm4b:s3+s13], $0x80, s17, s13, $0xb8;
	[tilespmem:$0x15E40] =	vst v63  }
.LBB2_2:
0x28: {  	s0 =	sadd.s32 $0x2, s23  }
0x29: {  	p1 =	sge.u32 s0, s6  }
0x2a: {  	s14 =	smulhi.u32 @!p1 $0xAAAAAAAB, s0;
	_ =	sdelay $0x1  }
0x2b: {  	s22 =	smulhi.u32 $0xAAAAAAAB, s23;
	s14 =	sshrl.u32 @!p1 s14, $0x1  }
0x2c: {  	s14 =	smul.u32 @!p1 $0x3, s14  }
0x2d: {  	s22 =	sshrl.u32 s22, $0x1;
	s26 =	sshll.u32 @!p1 s0, $0x7  }
0x2e: {  	s29 =	simm.s32 @!p1 $0x80;
	s25 =	smul.u32 $0x3, s22;
	s14 =	ssub.s32 @!p1 s0, s14  }
0x2f: {  	s26 =	sand.u32 @!p1 $0x3FFFFF80, s26;
	s0 =	sshll.u32 @!p1 s0, $0x4;
	s24 =	sshll.u32 @!p1 s14, $0xE  }
0x30: {  	s28 =	sadd.s32 @!p1 $0x1, s14;
	s0 =	sand.u32 @!p1 $0x3FFFFFF0, s0;
	s24 =	sadd.s32 @!p1 $0x6E40, s24  }
0x31: {  	[tilespmem:s24], [sflag:s28] =	stream.indirect.gather @!p1 [hbm4b:s1+s29], $0x80, s26, s29, $0xb8;
	[tilespmem:$0x15E40] =	vst v63  }
0x32: {  	s0 =	sadd.s32 @!p1 $0x6200, s0;
	s26 =	sshll.u32 @!p1 s14, $0xB;
	s24 =	ssub.s32 s23, s25  }
0x33: {  	s14 =	sor.u32 @!p1 $0x4, s14;
	s25 =	sadd.s32 @!p1 $0x12E40, s26;
	s26 =	simm.s32 @!p1 $0x10  }
0x34: {  	[tilespmem:s25], [sflag:s14] =	stream.indirect.gather @!p1 [hbm4b:s3+s26], $0x80, s0, s26, $0xb8;
	[tilespmem:$0x15E40] =	vst v63  }
0x35: {  	s25 =	sadd.s32 $0x1, s24  }
0x36: {  	_ =	swait.ge [sflag:s25], $0x4000  }
0x37: {  	s26 =	smul.u32 $0xFFFD0000, s22;
	[sflag:s25] =	ssyncset.done $0x0  }
0x38: {  	[sflag:s25] =	ssyncadd.s32 $0xFFFFC000;
	s25 =	sadd.s32 $0x4, s24  }
0x39: {  	s14 =	sshra.s32 s26, $0x2;
	_ =	swait.ge [sflag:s25], $0x800  }
0x3a: {  	p1 =	slt.u32 s23, $0x3;
	v1 =	vmov s14;
	[sflag:s25] =	ssyncset.done $0x0  }
0x3b: {  	s0 =	sadd.s32 @!p1 $0x7, s24;
	[sflag:s25] =	ssyncadd.s32 $0xFFFFF800  }
0x3c: {  	_ =	swait.ge @!p1 [sflag:s0], $0x800  }
0x3d: {  	[sflag:s0] =	ssyncset.done @!p1 $0x0  }
0x3e: {  	[sflag:s0] =	ssyncadd.s32 @!p1 $0xFFFFF800  }
0x3f: {  	v2 =	vld.idx.msk [tilespmem:v1+s20+$0x400 ss:$0x1], $0xffff  }
0x40: {  	v3 =	vld.idx.msk [tilespmem:v1+s20+$0x480 ss:$0x1], $0xffff  }
0x41: {  	v4 =	vld.idx.msk [tilespmem:v1+s20+$0x500 ss:$0x1], $0xffff  }
0x42: {  	v5 =	vld.idx.msk [tilespmem:v1+s20+$0x600 ss:$0x1], $0xffff  }
0x43: {  	v6 =	vld.idx.msk [tilespmem:v1+s20+$0x680 ss:$0x1], $0xffff  }
0x44: {  	v7 =	vld.idx.msk [tilespmem:v1+s20+$0x700 ss:$0x1], $0xffff  }
0x45: {  	v8 =	vld.idx.msk [tilespmem:v1+s20+$0x780 ss:$0x1], $0xffff  }
0x46: {  	v9 =	vld.idx.msk [tilespmem:v1+s20+$0x580 ss:$0x1], $0xffff  }
0x47: {  	v10 =	vld.idx.msk [tilespmem:v1+s20+$0x200 ss:$0x1], $0xffff  }
0x48: {  	v11 =	vld.idx.msk [tilespmem:v1+s20+$0x280 ss:$0x1], $0xffff  }
0x49: {  	s25 =	sadd.s32 $0x800, s20;
	v13 =	vld.idx.msk [tilespmem:v1+s20+$0x300 ss:$0x1], $0xffff  }
0x4a: {  	v15 =	vld.idx.msk [tilespmem:v1+s25+$0x400 ss:$0x1], $0xffff  }
0x4b: {  	v16 =	vld.idx.msk [tilespmem:v1+s25+$0x480 ss:$0x1], $0xffff  }
0x4c: {  	v17 =	vld.idx.msk [tilespmem:v1+s25+$0x500 ss:$0x1], $0xffff  }
0x4d: {  	v18 =	vld.idx.msk [tilespmem:v1+s25+$0x600 ss:$0x1], $0xffff  }
0x4e: {  	v19 =	vld.idx.msk [tilespmem:v1+s25+$0x680 ss:$0x1], $0xffff  }
0x4f: {  	v20 =	vld.idx.msk [tilespmem:v1+s25+$0x700 ss:$0x1], $0xffff  }
0x50: {  	v21 =	vld.idx.msk [tilespmem:v1+s25+$0x780 ss:$0x1], $0xffff  }
0x51: {  	s26 =	smul.u32 $0xFFFFA000, s22;
	v22 =	vld.idx.msk [tilespmem:v1+s25+$0x580 ss:$0x1], $0xffff  }
0x52: {  	v23 =	vld.idx.msk [tilespmem:v1+s25+$0x200 ss:$0x1], $0xffff  }
0x53: {  	s0 =	sshra.s32 s26, $0x2;
	v24 =	vld.idx.msk [tilespmem:v1+s25+$0x280 ss:$0x1], $0xffff  }
0x54: {  	v0 =	vmov s0;
	v26 =	vld.idx.msk [tilespmem:v1+s25+$0x300 ss:$0x1], $0xffff  }
0x55: {  	v47 =	vld.idx.msk [tilespmem:v1+s25+$0x380 ss:$0x1], $0xffff  }
0x56: {  	v48 =	vld.idx.msk [tilespmem:v1+s25+$0x80 ss:$0x1], $0xffff  }
0x57: {  	v50 =	vld.idx.msk [tilespmem:v1+s25+$0x100 ss:$0x1], $0xffff  }
0x58: {  	v51 =	vld.idx.msk [tilespmem:v1+s25+$0x180 ss:$0x1], $0xffff  }
0x59: {  	v12 =	vld.idx.msk [tilespmem:v0+s2+$0xFFFFFF90 ss:$0x1], $0xffff  }
0x5a: {  	v52 =	vld.idx.msk [tilespmem:v1+s25+$0x0 ss:$0x1], $0xffff;
	v5 =	vadd.f32 v6, v5;
	v6 =	vadd.f32 v8, v7  }
0x5b: {  	v7 =	vld.idx.msk [tilespmem:v1+s20+$0x380 ss:$0x1], $0xffff;
	v2 =	vadd.f32 v3, v2  }
0x5c: {  	v3 =	vld.idx.msk [tilespmem:v1+s20+$0x80 ss:$0x1], $0xffff;
	v4 =	vadd.f32 v9, v4;
	v5 =	vadd.f32 v6, v5  }
0x5d: {  	s28 =	sadd.s32 $0x100, s2;
	v8 =	vld.idx.msk [tilespmem:v1+s20+$0x180 ss:$0x1], $0xffff;
	v18 =	vadd.f32 v19, v18;
	v46 =	vadd.f32 v21, v20  }
0x5e: {  	v25 =	vld.idx.msk [tilespmem:v0+s28+$0xFFFFFF90 ss:$0x1], $0xffff;
	v2 =	vadd.f32 v4, v2;
	v4 =	vadd.f32 v5, v12  }
0x5f: {  	v15 =	vadd.f32 v16, v15;
	v49 =	vadd.f32 v22, v17;
	v5 =	vld.idx.msk [tilespmem:v1+s20+$0x0 ss:$0x1], $0xffff  }
0x60: {  	v9 =	vld.idx.msk [tilespmem:v0+s2+$0xFFFFFF10 ss:$0x1], $0xffff;
	v18 =	vadd.f32 v46, v18;
	v2 =	vadd.f32 v4, v2  }
0x61: {  	v6 =	vld.idx.msk [tilespmem:v1+s20+$0x100 ss:$0x1], $0xffff;
	v7 =	vadd.f32 v7, v13;
	v4 =	vadd.f32 v11, v10  }
0x62: {  	v54 =	vld.idx.msk [tilespmem:v0+s28+$0xFFFFFF10 ss:$0x1], $0xffff;
	v15 =	vadd.f32 v49, v15;
	[tilespmem:v0+s21+$0x80 ss:$0x1] =	vst.idx.msk $0xffff, v2  }
0x63: {  	v53 =	vadd.f32 v18, v25;
	v2 =	vadd.f32 v7, v4;
	v4 =	vld.idx.msk [tilespmem:v1+s20+$0x410 ss:$0x1], $0xffff  }
0x64: {  	v3 =	vadd.f32 v3, v5;
	v5 =	vld.idx.msk [tilespmem:v1+s20+$0x490 ss:$0x1], $0xffff  }
0x65: {  	v15 =	vadd.f32 v53, v15;
	v7 =	vld.idx.msk [tilespmem:v1+s20+$0x610 ss:$0x1], $0xffff  }
0x66: {  	s26 =	sadd.s32 $0x100, s21;
	v6 =	vadd.f32 v8, v6;
	v8 =	vld.idx.msk [tilespmem:v1+s20+$0x710 ss:$0x1], $0xffff  }
0x67: {  	v23 =	vadd.f32 v24, v23;
	v20 =	vadd.f32 v47, v26;
	[tilespmem:v0+s26+$0x80 ss:$0x1] =	vst.idx.msk $0xffff, v15;
	v11 =	vld.idx.msk [tilespmem:v0+s2+$0xFFFFFFA0 ss:$0x1], $0xffff  }
0x68: {  	v17 =	vadd.f32 v51, v50;
	v57 =	vld.idx.msk [tilespmem:v1+s25+$0x410 ss:$0x1], $0xffff  }
0x69: {  	v58 =	vadd.f32 v48, v52;
	v20 =	vadd.f32 v20, v23;
	v59 =	vld.idx.msk [tilespmem:v1+s25+$0x490 ss:$0x1], $0xffff  }
0x6a: {  	v60 =	vld.idx.msk [tilespmem:v1+s25+$0x610 ss:$0x1], $0xffff  }
0x6b: {  	v17 =	vadd.f32 v17, v58;
	v18 =	vadd.f32 v20, v54;
	v61 =	vld.idx.msk [tilespmem:v1+s25+$0x690 ss:$0x1], $0xffff  }
0x6c: {  	v62 =	vld.idx.msk [tilespmem:v1+s25+$0x710 ss:$0x1], $0xffff  }
0x6d: {  	v17 =	vadd.f32 v18, v17;
	v63 =	vld.idx.msk [tilespmem:v1+s25+$0x790 ss:$0x1], $0xffff  }
0x6e: {  	v32 =	vld.idx.msk [tilespmem:v1+s25+$0x510 ss:$0x1], $0xffff  }
0x6f: {  	[tilespmem:v0+s26+$0x0 ss:$0x1] =	vst.idx.msk $0xffff, v17;
	v33 =	vld.idx.msk [tilespmem:v1+s25+$0x590 ss:$0x1], $0xffff  }
0x70: {  	v34 =	vld.idx.msk [tilespmem:v1+s25+$0x210 ss:$0x1], $0xffff  }
0x71: {  	v27 =	vld.idx.msk [tilespmem:v0+s28+$0xFFFFFFA0 ss:$0x1], $0xffff  }
0x72: {  	v28 =	vld.idx.msk [tilespmem:v1+s25+$0x290 ss:$0x1], $0xffff  }
0x73: {  	v35 =	vld.idx.msk [tilespmem:v1+s25+$0x310 ss:$0x1], $0xffff  }
0x74: {  	v36 =	vld.idx.msk [tilespmem:v1+s25+$0x390 ss:$0x1], $0xffff  }
0x75: {  	v37 =	vld.idx.msk [tilespmem:v1+s25+$0x10 ss:$0x1], $0xffff  }
0x76: {  	v38 =	vld.idx.msk [tilespmem:v1+s25+$0x90 ss:$0x1], $0xffff  }
0x77: {  	v39 =	vld.idx.msk [tilespmem:v1+s25+$0x110 ss:$0x1], $0xffff  }
0x78: {  	v40 =	vld.idx.msk [tilespmem:v1+s25+$0x190 ss:$0x1], $0xffff  }
0x79: {  	v41 =	vld.idx.msk [tilespmem:v0+s28+$0xFFFFFF20 ss:$0x1], $0xffff;
	v2 =	vadd.f32 v2, v9;
	v3 =	vadd.f32 v6, v3  }
0x7a: {  	v9 =	vld.idx.msk [tilespmem:v1+s20+$0x510 ss:$0x1], $0xffff  }
0x7b: {  	v6 =	vld.idx.msk [tilespmem:v1+s20+$0x690 ss:$0x1], $0xffff;
	v2 =	vadd.f32 v2, v3  }
0x7c: {  	v3 =	vld.idx.msk [tilespmem:v1+s20+$0x790 ss:$0x1], $0xffff  }
0x7d: {  	v19 =	vadd.f32 v61, v60;
	v18 =	vadd.f32 v63, v62;
	[tilespmem:v0+s21+$0x0 ss:$0x1] =	vst.idx.msk $0xffff, v2;
	v2 =	vld.idx.msk [tilespmem:v1+s20+$0x590 ss:$0x1], $0xffff  }
0x7e: {  	v21 =	vadd.f32 v59, v57;
	v17 =	vadd.f32 v33, v32;
	v10 =	vld.idx.msk [tilespmem:v1+s20+$0x210 ss:$0x1], $0xffff  }
0x7f: {  	v4 =	vadd.f32 v5, v4;
	v12 =	vld.idx.msk [tilespmem:v1+s20+$0x290 ss:$0x1], $0xffff;
	v18 =	vadd.f32 v18, v19  }
0x80: {  	v6 =	vadd.f32 v6, v7;
	v7 =	vld.idx.msk [tilespmem:v1+s20+$0x310 ss:$0x1], $0xffff;
	v17 =	vadd.f32 v17, v21  }
0x81: {  	v5 =	vld.idx.msk [tilespmem:v1+s20+$0x390 ss:$0x1], $0xffff;
	v3 =	vadd.f32 v3, v8;
	v18 =	vadd.f32 v18, v27  }
0x82: {  	v8 =	vld.idx.msk [tilespmem:v1+s20+$0x90 ss:$0x1], $0xffff;
	v2 =	vadd.f32 v2, v9  }
0x83: {  	v3 =	vadd.f32 v3, v6;
	v6 =	vld.idx.msk [tilespmem:v1+s20+$0x10 ss:$0x1], $0xffff;
	v17 =	vadd.f32 v18, v17  }
0x84: {  	v26 =	vadd.f32 v28, v34;
	v20 =	vadd.f32 v36, v35;
	v9 =	vld.idx.msk [tilespmem:v1+s20+$0x190 ss:$0x1], $0xffff  }
0x85: {  	v19 =	vadd.f32 v38, v37;
	v2 =	vadd.f32 v2, v4;
	v4 =	vld.idx.msk [tilespmem:v1+s20+$0x110 ss:$0x1], $0xffff;
	[tilespmem:v0+s26+$0x90 ss:$0x1] =	vst.idx.msk $0xffff, v17  }
0x86: {  	v20 =	vadd.f32 v20, v26;
	v21 =	vadd.f32 v40, v39;
	v44 =	vld.idx.msk [tilespmem:v1+s25+$0x420 ss:$0x1], $0xffff  }
0x87: {  	v45 =	vld.idx.msk [tilespmem:v1+s25+$0x4A0 ss:$0x1], $0xffff  }
0x88: {  	v20 =	vadd.f32 v20, v41;
	v19 =	vadd.f32 v21, v19;
	v46 =	vld.idx.msk [tilespmem:v1+s25+$0x620 ss:$0x1], $0xffff  }
0x89: {  	v47 =	vld.idx.msk [tilespmem:v1+s25+$0x6A0 ss:$0x1], $0xffff  }
0x8a: {  	v19 =	vadd.f32 v20, v19;
	v3 =	vadd.f32 v3, v11;
	v48 =	vld.idx.msk [tilespmem:v1+s25+$0x720 ss:$0x1], $0xffff  }
0x8b: {  	v49 =	vld.idx.msk [tilespmem:v1+s25+$0x7A0 ss:$0x1], $0xffff  }
0x8c: {  	[tilespmem:v0+s26+$0x10 ss:$0x1] =	vst.idx.msk $0xffff, v19;
	v50 =	vld.idx.msk [tilespmem:v1+s25+$0x520 ss:$0x1], $0xffff;
	v2 =	vadd.f32 v3, v2  }
0x8d: {  	v51 =	vld.idx.msk [tilespmem:v1+s25+$0x220 ss:$0x1], $0xffff  }
0x8e: {  	v3 =	vld.idx.msk [tilespmem:v0+s2+$0xFFFFFF20 ss:$0x1], $0xffff;
	[tilespmem:v0+s21+$0x90 ss:$0x1] =	vst.idx.msk $0xffff, v2  }
0x8f: {  	v5 =	vadd.f32 v5, v7;
	v2 =	vadd.f32 v12, v10;
	v7 =	vld.idx.msk [tilespmem:v1+s20+$0x420 ss:$0x1], $0xffff  }
0x90: {  	v6 =	vadd.f32 v8, v6;
	v8 =	vld.idx.msk [tilespmem:v1+s20+$0x4A0 ss:$0x1], $0xffff  }
0x91: {  	v4 =	vadd.f32 v9, v4;
	v9 =	vld.idx.msk [tilespmem:v1+s20+$0x6A0 ss:$0x1], $0xffff;
	v2 =	vadd.f32 v5, v2  }
0x92: {  	v5 =	vld.idx.msk [tilespmem:v1+s20+$0x620 ss:$0x1], $0xffff  }
0x93: {  	v2 =	vadd.f32 v2, v3;
	v3 =	vadd.f32 v4, v6;
	v4 =	vld.idx.msk [tilespmem:v1+s20+$0x720 ss:$0x1], $0xffff  }
0x94: {  	v6 =	vld.idx.msk [tilespmem:v1+s20+$0x7A0 ss:$0x1], $0xffff  }
0x95: {  	v10 =	vld.idx.msk [tilespmem:v1+s20+$0x5A0 ss:$0x1], $0xffff;
	v2 =	vadd.f32 v2, v3  }
0x96: {  	v3 =	vld.idx.msk [tilespmem:v1+s20+$0x520 ss:$0x1], $0xffff  }
0x97: {  	[tilespmem:v0+s21+$0x10 ss:$0x1] =	vst.idx.msk $0xffff, v2;
	v2 =	vld.idx.msk [tilespmem:v0+s2+$0xFFFFFFB0 ss:$0x1], $0xffff  }
0x98: {  	v11 =	vld.idx.msk [tilespmem:v1+s20+$0x220 ss:$0x1], $0xffff  }
0x99: {  	v5 =	vadd.f32 v9, v5;
	v12 =	vld.idx.msk [tilespmem:v1+s20+$0x2A0 ss:$0x1], $0xffff;
	v4 =	vadd.f32 v6, v4  }
0x9a: {  	v7 =	vadd.f32 v8, v7;
	v6 =	vld.idx.msk [tilespmem:v1+s20+$0x320 ss:$0x1], $0xffff  }
0x9b: {  	v8 =	vld.idx.msk [tilespmem:v1+s20+$0x3A0 ss:$0x1], $0xffff;
	v3 =	vadd.f32 v10, v3;
	v4 =	vadd.f32 v4, v5  }
0x9c: {  	v9 =	vld.idx.msk [tilespmem:v1+s20+$0xA0 ss:$0x1], $0xffff  }
0x9d: {  	v5 =	vld.idx.msk [tilespmem:v1+s20+$0x20 ss:$0x1], $0xffff;
	v3 =	vadd.f32 v3, v7;
	v2 =	vadd.f32 v4, v2  }
0x9e: {  	v4 =	vld.idx.msk [tilespmem:v1+s20+$0x120 ss:$0x1], $0xffff  }
0x9f: {  	v7 =	vld.idx.msk [tilespmem:v1+s20+$0x1A0 ss:$0x1], $0xffff;
	v2 =	vadd.f32 v2, v3  }
0xa0: {  	v19 =	vld.idx.msk [tilespmem:v1+s25+$0x2A0 ss:$0x1], $0xffff  }
0xa1: {  	v3 =	vld.idx.msk [tilespmem:v0+s2+$0xFFFFFF30 ss:$0x1], $0xffff;
	[tilespmem:v0+s21+$0xA0 ss:$0x1] =	vst.idx.msk $0xffff, v2  }
0xa2: {  	v6 =	vadd.f32 v8, v6;
	v2 =	vadd.f32 v12, v11;
	v8 =	vld.idx.msk [tilespmem:v1+s20+$0x430 ss:$0x1], $0xffff  }
0xa3: {  	v5 =	vadd.f32 v9, v5;
	v9 =	vld.idx.msk [tilespmem:v1+s20+$0x4B0 ss:$0x1], $0xffff  }
0xa4: {  	v4 =	vadd.f32 v7, v4;
	v7 =	vld.idx.msk [tilespmem:v1+s20+$0x6B0 ss:$0x1], $0xffff;
	v2 =	vadd.f32 v6, v2  }
0xa5: {  	v6 =	vld.idx.msk [tilespmem:v1+s20+$0x630 ss:$0x1], $0xffff  }
0xa6: {  	v4 =	vadd.f32 v4, v5;
	v5 =	vld.idx.msk [tilespmem:v1+s20+$0x7B0 ss:$0x1], $0xffff;
	v2 =	vadd.f32 v2, v3  }
0xa7: {  	v3 =	vld.idx.msk [tilespmem:v1+s20+$0x730 ss:$0x1], $0xffff  }
0xa8: {  	v10 =	vld.idx.msk [tilespmem:v1+s20+$0x530 ss:$0x1], $0xffff;
	v2 =	vadd.f32 v2, v4  }
0xa9: {  	v4 =	vld.idx.msk [tilespmem:v1+s20+$0x5B0 ss:$0x1], $0xffff  }
0xaa: {  	[tilespmem:v0+s21+$0x20 ss:$0x1] =	vst.idx.msk $0xffff, v2;
	v2 =	vld.idx.msk [tilespmem:v0+s2+$0xFFFFFFC0 ss:$0x1], $0xffff  }
0xab: {  	v11 =	vld.idx.msk [tilespmem:v1+s20+$0x230 ss:$0x1], $0xffff  }
0xac: {  	v6 =	vadd.f32 v7, v6;
	v12 =	vld.idx.msk [tilespmem:v1+s20+$0x2B0 ss:$0x1], $0xffff;
	v3 =	vadd.f32 v5, v3  }
0xad: {  	v7 =	vadd.f32 v9, v8;
	v5 =	vld.idx.msk [tilespmem:v1+s20+$0x330 ss:$0x1], $0xffff  }
0xae: {  	v8 =	vld.idx.msk [tilespmem:v1+s20+$0x3B0 ss:$0x1], $0xffff;
	v4 =	vadd.f32 v4, v10;
	v3 =	vadd.f32 v3, v6  }
0xaf: {  	v9 =	vld.idx.msk [tilespmem:v1+s20+$0xB0 ss:$0x1], $0xffff  }
0xb0: {  	v6 =	vld.idx.msk [tilespmem:v1+s20+$0x30 ss:$0x1], $0xffff;
	v4 =	vadd.f32 v4, v7;
	v2 =	vadd.f32 v3, v2  }
0xb1: {  	v3 =	vld.idx.msk [tilespmem:v1+s20+$0x130 ss:$0x1], $0xffff  }
0xb2: {  	v7 =	vld.idx.msk [tilespmem:v1+s20+$0x1B0 ss:$0x1], $0xffff;
	v2 =	vadd.f32 v2, v4  }
0xb3: {  	v53 =	vld.idx.msk [tilespmem:v1+s25+$0x320 ss:$0x1], $0xffff  }
0xb4: {  	v4 =	vld.idx.msk [tilespmem:v0+s2+$0xFFFFFF40 ss:$0x1], $0xffff;
	[tilespmem:v0+s21+$0xB0 ss:$0x1] =	vst.idx.msk $0xffff, v2  }
0xb5: {  	v5 =	vadd.f32 v8, v5;
	v2 =	vadd.f32 v12, v11;
	v8 =	vld.idx.msk [tilespmem:v1+s20+$0x440 ss:$0x1], $0xffff  }
0xb6: {  	v6 =	vadd.f32 v9, v6;
	v9 =	vld.idx.msk [tilespmem:v1+s20+$0x4C0 ss:$0x1], $0xffff  }
0xb7: {  	v3 =	vadd.f32 v7, v3;
	v7 =	vld.idx.msk [tilespmem:v1+s20+$0x6C0 ss:$0x1], $0xffff;
	v2 =	vadd.f32 v5, v2  }
0xb8: {  	v5 =	vld.idx.msk [tilespmem:v1+s20+$0x640 ss:$0x1], $0xffff  }
0xb9: {  	v3 =	vadd.f32 v3, v6;
	v6 =	vld.idx.msk [tilespmem:v1+s20+$0x7C0 ss:$0x1], $0xffff;
	v2 =	vadd.f32 v2, v4  }
0xba: {  	v4 =	vld.idx.msk [tilespmem:v1+s20+$0x740 ss:$0x1], $0xffff  }
0xbb: {  	v10 =	vld.idx.msk [tilespmem:v1+s20+$0x540 ss:$0x1], $0xffff;
	v2 =	vadd.f32 v2, v3  }
0xbc: {  	v3 =	vld.idx.msk [tilespmem:v1+s20+$0x5C0 ss:$0x1], $0xffff  }
0xbd: {  	[tilespmem:v0+s21+$0x30 ss:$0x1] =	vst.idx.msk $0xffff, v2;
	v2 =	vld.idx.msk [tilespmem:v0+s2+$0xFFFFFFD0 ss:$0x1], $0xffff  }
0xbe: {  	v11 =	vld.idx.msk [tilespmem:v1+s20+$0x240 ss:$0x1], $0xffff  }
0xbf: {  	v5 =	vadd.f32 v7, v5;
	v12 =	vld.idx.msk [tilespmem:v1+s20+$0x2C0 ss:$0x1], $0xffff;
	v4 =	vadd.f32 v6, v4  }
0xc0: {  	v7 =	vadd.f32 v9, v8;
	v6 =	vld.idx.msk [tilespmem:v1+s20+$0x340 ss:$0x1], $0xffff  }
0xc1: {  	v8 =	vld.idx.msk [tilespmem:v1+s20+$0x3C0 ss:$0x1], $0xffff;
	v3 =	vadd.f32 v3, v10;
	v4 =	vadd.f32 v4, v5  }
0xc2: {  	v9 =	vld.idx.msk [tilespmem:v1+s20+$0xC0 ss:$0x1], $0xffff  }
0xc3: {  	v5 =	vld.idx.msk [tilespmem:v1+s20+$0x40 ss:$0x1], $0xffff;
	v3 =	vadd.f32 v3, v7;
	v2 =	vadd.f32 v4, v2  }
0xc4: {  	v4 =	vld.idx.msk [tilespmem:v1+s20+$0x140 ss:$0x1], $0xffff  }
0xc5: {  	v7 =	vld.idx.msk [tilespmem:v1+s20+$0x1C0 ss:$0x1], $0xffff;
	v2 =	vadd.f32 v2, v3  }
0xc6: {  	v54 =	vld.idx.msk [tilespmem:v1+s25+$0x3A0 ss:$0x1], $0xffff  }
0xc7: {  	v3 =	vld.idx.msk [tilespmem:v0+s2+$0xFFFFFF50 ss:$0x1], $0xffff;
	[tilespmem:v0+s21+$0xC0 ss:$0x1] =	vst.idx.msk $0xffff, v2  }
0xc8: {  	v6 =	vadd.f32 v8, v6;
	v2 =	vadd.f32 v12, v11;
	v8 =	vld.idx.msk [tilespmem:v1+s20+$0x450 ss:$0x1], $0xffff  }
0xc9: {  	v5 =	vadd.f32 v9, v5;
	v9 =	vld.idx.msk [tilespmem:v1+s20+$0x4D0 ss:$0x1], $0xffff  }
0xca: {  	v4 =	vadd.f32 v7, v4;
	v7 =	vld.idx.msk [tilespmem:v1+s20+$0x6D0 ss:$0x1], $0xffff;
	v2 =	vadd.f32 v6, v2  }
0xcb: {  	v6 =	vld.idx.msk [tilespmem:v1+s20+$0x650 ss:$0x1], $0xffff  }
0xcc: {  	v4 =	vadd.f32 v4, v5;
	v5 =	vld.idx.msk [tilespmem:v1+s20+$0x7D0 ss:$0x1], $0xffff;
	v2 =	vadd.f32 v2, v3  }
0xcd: {  	v3 =	vld.idx.msk [tilespmem:v1+s20+$0x750 ss:$0x1], $0xffff  }
0xce: {  	v10 =	vld.idx.msk [tilespmem:v1+s20+$0x550 ss:$0x1], $0xffff;
	v2 =	vadd.f32 v2, v4  }
0xcf: {  	v4 =	vld.idx.msk [tilespmem:v1+s20+$0x5D0 ss:$0x1], $0xffff  }
0xd0: {  	[tilespmem:v0+s21+$0x40 ss:$0x1] =	vst.idx.msk $0xffff, v2;
	v2 =	vld.idx.msk [tilespmem:v0+s2+$0xFFFFFFE0 ss:$0x1], $0xffff  }
0xd1: {  	v11 =	vld.idx.msk [tilespmem:v1+s20+$0x250 ss:$0x1], $0xffff  }
0xd2: {  	v6 =	vadd.f32 v7, v6;
	v12 =	vld.idx.msk [tilespmem:v1+s20+$0x2D0 ss:$0x1], $0xffff;
	v3 =	vadd.f32 v5, v3  }
0xd3: {  	v7 =	vadd.f32 v9, v8;
	v5 =	vld.idx.msk [tilespmem:v1+s20+$0x350 ss:$0x1], $0xffff  }
0xd4: {  	v8 =	vld.idx.msk [tilespmem:v1+s20+$0x3D0 ss:$0x1], $0xffff;
	v4 =	vadd.f32 v4, v10;
	v3 =	vadd.f32 v3, v6  }
0xd5: {  	v9 =	vld.idx.msk [tilespmem:v1+s20+$0xD0 ss:$0x1], $0xffff  }
0xd6: {  	v6 =	vld.idx.msk [tilespmem:v1+s20+$0x50 ss:$0x1], $0xffff;
	v4 =	vadd.f32 v4, v7;
	v2 =	vadd.f32 v3, v2  }
0xd7: {  	v3 =	vld.idx.msk [tilespmem:v1+s20+$0x150 ss:$0x1], $0xffff  }
0xd8: {  	v7 =	vld.idx.msk [tilespmem:v1+s20+$0x1D0 ss:$0x1], $0xffff;
	v2 =	vadd.f32 v2, v4  }
0xd9: {  	v57 =	vld.idx.msk [tilespmem:v1+s25+$0x1A0 ss:$0x1], $0xffff  }
0xda: {  	v4 =	vld.idx.msk [tilespmem:v0+s2+$0xFFFFFF60 ss:$0x1], $0xffff;
	[tilespmem:v0+s21+$0xD0 ss:$0x1] =	vst.idx.msk $0xffff, v2  }
0xdb: {  	v5 =	vadd.f32 v8, v5;
	v2 =	vadd.f32 v12, v11;
	v8 =	vld.idx.msk [tilespmem:v1+s20+$0x460 ss:$0x1], $0xffff  }
0xdc: {  	v6 =	vadd.f32 v9, v6;
	v9 =	vld.idx.msk [tilespmem:v1+s20+$0x4E0 ss:$0x1], $0xffff  }
0xdd: {  	v3 =	vadd.f32 v7, v3;
	v7 =	vld.idx.msk [tilespmem:v1+s20+$0x6E0 ss:$0x1], $0xffff;
	v2 =	vadd.f32 v5, v2  }
0xde: {  	v10 =	vld.idx.msk [tilespmem:v1+s20+$0x560 ss:$0x1], $0xffff  }
0xdf: {  	v5 =	vld.idx.msk [tilespmem:v1+s20+$0x660 ss:$0x1], $0xffff;
	v3 =	vadd.f32 v3, v6;
	v2 =	vadd.f32 v2, v4  }
0xe0: {  	v6 =	vld.idx.msk [tilespmem:v1+s20+$0x7E0 ss:$0x1], $0xffff  }
0xe1: {  	v4 =	vld.idx.msk [tilespmem:v1+s20+$0x760 ss:$0x1], $0xffff;
	v2 =	vadd.f32 v2, v3  }
0xe2: {  	v3 =	vld.idx.msk [tilespmem:v1+s20+$0x5E0 ss:$0x1], $0xffff  }
0xe3: {  	[tilespmem:v0+s21+$0x50 ss:$0x1] =	vst.idx.msk $0xffff, v2;
	v2 =	vld.idx.msk [tilespmem:v0+s2+$0xFFFFFFF0 ss:$0x1], $0xffff  }
0xe4: {  	v11 =	vld.idx.msk [tilespmem:v1+s20+$0x260 ss:$0x1], $0xffff  }
0xe5: {  	v12 =	vld.idx.msk [tilespmem:v1+s20+$0x2E0 ss:$0x1], $0xffff  }
0xe6: {  	v13 =	vld.idx.msk [tilespmem:v1+s20+$0x360 ss:$0x1], $0xffff  }
0xe7: {  	v5 =	vadd.f32 v7, v5;
	v4 =	vadd.f32 v6, v4;
	v14 =	vld.idx.msk [tilespmem:v1+s20+$0x3E0 ss:$0x1], $0xffff  }
0xe8: {  	v6 =	vadd.f32 v9, v8;
	v55 =	vld.idx.msk [tilespmem:v1+s20+$0x60 ss:$0x1], $0xffff  }
0xe9: {  	v56 =	vld.idx.msk [tilespmem:v1+s20+$0xE0 ss:$0x1], $0xffff;
	v3 =	vadd.f32 v3, v10;
	v4 =	vadd.f32 v4, v5  }
0xea: {  	v15 =	vld.idx.msk [tilespmem:v1+s20+$0x160 ss:$0x1], $0xffff  }
0xeb: {  	v42 =	vld.idx.msk [tilespmem:v1+s20+$0x1E0 ss:$0x1], $0xffff;
	v3 =	vadd.f32 v3, v6;
	v2 =	vadd.f32 v4, v2  }
0xec: {  	v43 =	vld.idx.msk [tilespmem:v0+s2+$0xFFFFFF70 ss:$0x1], $0xffff;
	v11 =	vadd.f32 v12, v11  }
0xed: {  	v12 =	vadd.f32 v14, v13;
	v13 =	vld.idx.msk [tilespmem:v1+s25+$0x5A0 ss:$0x1], $0xffff;
	v2 =	vadd.f32 v2, v3  }
0xee: {  	v14 =	vld.idx.msk [tilespmem:v0+s28+$0xFFFFFFB0 ss:$0x1], $0xffff  }
0xef: {  	v11 =	vadd.f32 v12, v11;
	v12 =	vadd.f32 v56, v55;
	v56 =	vld.idx.msk [tilespmem:v1+s25+$0xA0 ss:$0x1], $0xffff;
	[tilespmem:v0+s21+$0xE0 ss:$0x1] =	vst.idx.msk $0xffff, v2  }
0xf0: {  	v3 =	vld.idx.msk [tilespmem:v1+s20+$0x470 ss:$0x1], $0xffff  }
0xf1: {  	v5 =	vld.idx.msk [tilespmem:v1+s20+$0x4F0 ss:$0x1], $0xffff  }
0xf2: {  	v7 =	vld.idx.msk [tilespmem:v1+s20+$0x670 ss:$0x1], $0xffff  }
0xf3: {  	v8 =	vld.idx.msk [tilespmem:v1+s20+$0x6F0 ss:$0x1], $0xffff  }
0xf4: {  	v52 =	vadd.f32 v47, v46;
	v21 =	vadd.f32 v49, v48;
	v9 =	vld.idx.msk [tilespmem:v1+s20+$0x770 ss:$0x1], $0xffff  }
0xf5: {  	v22 =	vadd.f32 v45, v44;
	v15 =	vadd.f32 v42, v15;
	v10 =	vld.idx.msk [tilespmem:v1+s20+$0x7F0 ss:$0x1], $0xffff  }
0xf6: {  	v55 =	vadd.f32 v21, v52;
	v4 =	vld.idx.msk [tilespmem:v1+s20+$0x570 ss:$0x1], $0xffff;
	v11 =	vadd.f32 v11, v43  }
0xf7: {  	v6 =	vld.idx.msk [tilespmem:v1+s20+$0x5F0 ss:$0x1], $0xffff;
	v12 =	vadd.f32 v15, v12;
	v13 =	vadd.f32 v13, v50  }
0xf8: {  	v2 =	vld.idx.msk [tilespmem:v0+s2+$0x0 ss:$0x1], $0xffff;
	v14 =	vadd.f32 v55, v14  }
0xf9: {  	v15 =	vld.idx.msk [tilespmem:v1+s25+$0x20 ss:$0x1], $0xffff;
	v11 =	vadd.f32 v11, v12;
	v13 =	vadd.f32 v13, v22  }
0xfa: {  	v12 =	vld.idx.msk [tilespmem:v1+s25+$0x120 ss:$0x1], $0xffff  }
0xfb: {  	[tilespmem:v0+s21+$0x60 ss:$0x1] =	vst.idx.msk $0xffff, v11;
	v13 =	vadd.f32 v14, v13;
	v14 =	vld.idx.msk [tilespmem:v0+s28+$0xFFFFFF30 ss:$0x1], $0xffff  }
0xfc: {  	v11 =	vld.idx.msk [tilespmem:v1+s20+$0x270 ss:$0x1], $0xffff  }
0xfd: {  	v63 =	vld.idx.msk [tilespmem:v1+s20+$0x2F0 ss:$0x1], $0xffff  }
0xfe: {  	v33 =	vld.idx.msk [tilespmem:v1+s20+$0x370 ss:$0x1], $0xffff  }
0xff: {  	v39 =	vld.idx.msk [tilespmem:v1+s20+$0x3F0 ss:$0x1], $0xffff  }
0x100: {  	v16 =	vadd.f32 v19, v51;
	v18 =	vadd.f32 v54, v53;
	v46 =	vld.idx.msk [tilespmem:v1+s20+$0x70 ss:$0x1], $0xffff;
	[tilespmem:v0+s26+$0xA0 ss:$0x1] =	vst.idx.msk $0xffff, v13  }
0x101: {  	v13 =	vld.idx.msk [tilespmem:v1+s25+$0x430 ss:$0x1], $0xffff  }
0x102: {  	v16 =	vadd.f32 v18, v16;
	v58 =	vld.idx.msk [tilespmem:v1+s25+$0x4B0 ss:$0x1], $0xffff  }
0x103: {  	v15 =	vadd.f32 v56, v15;
	v12 =	vadd.f32 v57, v12;
	v59 =	vld.idx.msk [tilespmem:v1+s25+$0x630 ss:$0x1], $0xffff  }
0x104: {  	v60 =	vld.idx.msk [tilespmem:v1+s25+$0x6B0 ss:$0x1], $0xffff  }
0x105: {  	v61 =	vld.idx.msk [tilespmem:v1+s25+$0x730 ss:$0x1], $0xffff;
	v12 =	vadd.f32 v12, v15;
	v14 =	vadd.f32 v16, v14  }
0x106: {  	v15 =	vld.idx.msk [tilespmem:v1+s25+$0x7B0 ss:$0x1], $0xffff  }
0x107: {  	v62 =	vld.idx.msk [tilespmem:v1+s25+$0x530 ss:$0x1], $0xffff;
	v12 =	vadd.f32 v14, v12  }
0x108: {  	v14 =	vld.idx.msk [tilespmem:v1+s25+$0x5B0 ss:$0x1], $0xffff  }
0x109: {  	[tilespmem:v0+s26+$0x20 ss:$0x1] =	vst.idx.msk $0xffff, v12;
	v12 =	vld.idx.msk [tilespmem:v0+s28+$0xFFFFFFC0 ss:$0x1], $0xffff  }
0x10a: {  	v27 =	vld.idx.msk [tilespmem:v1+s25+$0x230 ss:$0x1], $0xffff  }
0x10b: {  	v17 =	vadd.f32 v60, v59;
	v15 =	vadd.f32 v15, v61;
	v28 =	vld.idx.msk [tilespmem:v1+s25+$0x2B0 ss:$0x1], $0xffff  }
0x10c: {  	v13 =	vadd.f32 v58, v13;
	v29 =	vld.idx.msk [tilespmem:v1+s25+$0x330 ss:$0x1], $0xffff  }
0x10d: {  	v30 =	vld.idx.msk [tilespmem:v1+s25+$0x3B0 ss:$0x1], $0xffff;
	v15 =	vadd.f32 v15, v17;
	v14 =	vadd.f32 v14, v62  }
0x10e: {  	v31 =	vld.idx.msk [tilespmem:v1+s25+$0x30 ss:$0x1], $0xffff  }
0x10f: {  	v32 =	vld.idx.msk [tilespmem:v1+s25+$0xB0 ss:$0x1], $0xffff;
	v13 =	vadd.f32 v14, v13;
	v12 =	vadd.f32 v15, v12  }
0x110: {  	v14 =	vld.idx.msk [tilespmem:v1+s25+$0x130 ss:$0x1], $0xffff  }
0x111: {  	v15 =	vld.idx.msk [tilespmem:v1+s25+$0x1B0 ss:$0x1], $0xffff;
	v12 =	vadd.f32 v12, v13  }
0x112: {  	v52 =	vld.idx.msk [tilespmem:v1+s20+$0xF0 ss:$0x1], $0xffff  }
0x113: {  	v13 =	vld.idx.msk [tilespmem:v0+s28+$0xFFFFFF40 ss:$0x1], $0xffff;
	[tilespmem:v0+s26+$0xB0 ss:$0x1] =	vst.idx.msk $0xffff, v12  }
0x114: {  	v22 =	vadd.f32 v28, v27;
	v18 =	vadd.f32 v30, v29;
	v12 =	vld.idx.msk [tilespmem:v1+s25+$0x440 ss:$0x1], $0xffff  }
0x115: {  	v16 =	vadd.f32 v32, v31;
	v34 =	vld.idx.msk [tilespmem:v1+s25+$0x4C0 ss:$0x1], $0xffff  }
0x116: {  	v18 =	vadd.f32 v18, v22;
	v35 =	vld.idx.msk [tilespmem:v1+s25+$0x640 ss:$0x1], $0xffff;
	v14 =	vadd.f32 v15, v14  }
0x117: {  	v15 =	vld.idx.msk [tilespmem:v1+s25+$0x6C0 ss:$0x1], $0xffff  }
0x118: {  	v36 =	vld.idx.msk [tilespmem:v1+s25+$0x740 ss:$0x1], $0xffff;
	v13 =	vadd.f32 v18, v13;
	v14 =	vadd.f32 v14, v16  }
0x119: {  	v37 =	vld.idx.msk [tilespmem:v1+s25+$0x7C0 ss:$0x1], $0xffff  }
0x11a: {  	v38 =	vld.idx.msk [tilespmem:v1+s25+$0x540 ss:$0x1], $0xffff;
	v13 =	vadd.f32 v13, v14  }
0x11b: {  	v14 =	vld.idx.msk [tilespmem:v1+s25+$0x5C0 ss:$0x1], $0xffff  }
0x11c: {  	[tilespmem:v0+s26+$0x30 ss:$0x1] =	vst.idx.msk $0xffff, v13;
	v13 =	vld.idx.msk [tilespmem:v0+s28+$0xFFFFFFD0 ss:$0x1], $0xffff  }
0x11d: {  	v40 =	vld.idx.msk [tilespmem:v1+s25+$0x240 ss:$0x1], $0xffff  }
0x11e: {  	v15 =	vadd.f32 v15, v35;
	v16 =	vadd.f32 v37, v36;
	v41 =	vld.idx.msk [tilespmem:v1+s25+$0x2C0 ss:$0x1], $0xffff  }
0x11f: {  	v12 =	vadd.f32 v34, v12;
	v42 =	vld.idx.msk [tilespmem:v1+s25+$0x340 ss:$0x1], $0xffff  }
0x120: {  	v43 =	vld.idx.msk [tilespmem:v1+s25+$0x3C0 ss:$0x1], $0xffff;
	v15 =	vadd.f32 v16, v15;
	v14 =	vadd.f32 v14, v38  }
0x121: {  	v44 =	vld.idx.msk [tilespmem:v1+s25+$0x40 ss:$0x1], $0xffff  }
0x122: {  	v45 =	vld.idx.msk [tilespmem:v1+s25+$0xC0 ss:$0x1], $0xffff;
	v12 =	vadd.f32 v14, v12;
	v13 =	vadd.f32 v15, v13  }
0x123: {  	v3 =	vadd.f32 v5, v3;
	v4 =	vadd.f32 v6, v4;
	v14 =	vld.idx.msk [tilespmem:v1+s25+$0x140 ss:$0x1], $0xffff  }
0x124: {  	v15 =	vld.idx.msk [tilespmem:v1+s25+$0x1C0 ss:$0x1], $0xffff;
	v12 =	vadd.f32 v13, v12  }
0x125: {  	v3 =	vadd.f32 v4, v3;
	v4 =	vld.idx.msk [tilespmem:v1+s20+$0x1F0 ss:$0x1], $0xffff  }
0x126: {  	v13 =	vld.idx.msk [tilespmem:v0+s28+$0xFFFFFF50 ss:$0x1], $0xffff;
	[tilespmem:v0+s26+$0xC0 ss:$0x1] =	vst.idx.msk $0xffff, v12  }
0x127: {  	v24 =	vadd.f32 v41, v40;
	v17 =	vadd.f32 v43, v42;
	v12 =	vld.idx.msk [tilespmem:v1+s25+$0x450 ss:$0x1], $0xffff  }
0x128: {  	v16 =	vadd.f32 v45, v44;
	v47 =	vld.idx.msk [tilespmem:v1+s25+$0x4D0 ss:$0x1], $0xffff  }
0x129: {  	v17 =	vadd.f32 v17, v24;
	v48 =	vld.idx.msk [tilespmem:v1+s25+$0x650 ss:$0x1], $0xffff;
	v14 =	vadd.f32 v15, v14  }
0x12a: {  	v15 =	vld.idx.msk [tilespmem:v1+s25+$0x6D0 ss:$0x1], $0xffff  }
0x12b: {  	v49 =	vld.idx.msk [tilespmem:v1+s25+$0x750 ss:$0x1], $0xffff;
	v13 =	vadd.f32 v17, v13;
	v14 =	vadd.f32 v14, v16  }
0x12c: {  	v50 =	vld.idx.msk [tilespmem:v1+s25+$0x7D0 ss:$0x1], $0xffff  }
0x12d: {  	v51 =	vld.idx.msk [tilespmem:v1+s25+$0x550 ss:$0x1], $0xffff;
	v13 =	vadd.f32 v13, v14  }
0x12e: {  	v14 =	vld.idx.msk [tilespmem:v1+s25+$0x5D0 ss:$0x1], $0xffff  }
0x12f: {  	[tilespmem:v0+s26+$0x40 ss:$0x1] =	vst.idx.msk $0xffff, v13;
	v13 =	vld.idx.msk [tilespmem:v0+s28+$0xFFFFFFE0 ss:$0x1], $0xffff  }
0x130: {  	v53 =	vld.idx.msk [tilespmem:v1+s25+$0x250 ss:$0x1], $0xffff  }
0x131: {  	v15 =	vadd.f32 v15, v48;
	v16 =	vadd.f32 v50, v49;
	v54 =	vld.idx.msk [tilespmem:v1+s25+$0x2D0 ss:$0x1], $0xffff  }
0x132: {  	v12 =	vadd.f32 v47, v12;
	v55 =	vld.idx.msk [tilespmem:v1+s25+$0x350 ss:$0x1], $0xffff  }
0x133: {  	v56 =	vld.idx.msk [tilespmem:v1+s25+$0x3D0 ss:$0x1], $0xffff;
	v15 =	vadd.f32 v16, v15;
	v14 =	vadd.f32 v14, v51  }
0x134: {  	v57 =	vld.idx.msk [tilespmem:v1+s25+$0x50 ss:$0x1], $0xffff  }
0x135: {  	v58 =	vld.idx.msk [tilespmem:v1+s25+$0xD0 ss:$0x1], $0xffff;
	v12 =	vadd.f32 v14, v12;
	v13 =	vadd.f32 v15, v13  }
0x136: {  	v14 =	vld.idx.msk [tilespmem:v1+s25+$0x150 ss:$0x1], $0xffff  }
0x137: {  	v15 =	vld.idx.msk [tilespmem:v1+s25+$0x1D0 ss:$0x1], $0xffff;
	v12 =	vadd.f32 v13, v12  }
0x138: {  	v13 =	vld.idx.msk [tilespmem:v0+s28+$0xFFFFFF60 ss:$0x1], $0xffff  }
0x139: {  	v7 =	vadd.f32 v8, v7;
	v8 =	vadd.f32 v10, v9;
	[tilespmem:v0+s26+$0xD0 ss:$0x1] =	vst.idx.msk $0xffff, v12;
	v12 =	vld.idx.msk [tilespmem:v1+s20+$0x170 ss:$0x1], $0xffff  }
0x13a: {  	v10 =	vadd.f32 v54, v53;
	v59 =	vadd.f32 v56, v55;
	v9 =	vld.idx.msk [tilespmem:v1+s25+$0x460 ss:$0x1], $0xffff  }
0x13b: {  	v5 =	vadd.f32 v58, v57;
	v60 =	vld.idx.msk [tilespmem:v1+s25+$0x4E0 ss:$0x1], $0xffff  }
0x13c: {  	v10 =	vadd.f32 v59, v10;
	v61 =	vld.idx.msk [tilespmem:v1+s25+$0x660 ss:$0x1], $0xffff;
	v14 =	vadd.f32 v15, v14  }
0x13d: {  	v6 =	vadd.f32 v8, v7;
	v15 =	vld.idx.msk [tilespmem:v1+s25+$0x6E0 ss:$0x1], $0xffff  }
0x13e: {  	v7 =	vld.idx.msk [tilespmem:v1+s25+$0x760 ss:$0x1], $0xffff;
	v8 =	vadd.f32 v10, v13;
	v5 =	vadd.f32 v14, v5  }
0x13f: {  	v10 =	vld.idx.msk [tilespmem:v1+s25+$0x7E0 ss:$0x1], $0xffff  }
0x140: {  	v2 =	vadd.f32 v6, v2;
	v13 =	vld.idx.msk [tilespmem:v1+s25+$0x560 ss:$0x1], $0xffff;
	v5 =	vadd.f32 v8, v5  }
0x141: {  	v6 =	vadd.f32 v63, v11;
	v11 =	vadd.f32 v39, v33;
	v14 =	vld.idx.msk [tilespmem:v1+s25+$0x5E0 ss:$0x1], $0xffff  }
0x142: {  	v8 =	vld.idx.msk [tilespmem:v0+s28+$0xFFFFFFF0 ss:$0x1], $0xffff;
	[tilespmem:v0+s26+$0x50 ss:$0x1] =	vst.idx.msk $0xffff, v5  }
0x143: {  	v62 =	vadd.f32 v2, v3;
	v2 =	vadd.f32 v11, v6;
	v5 =	vld.idx.msk [tilespmem:v1+s25+$0x260 ss:$0x1], $0xffff  }
0x144: {  	v15 =	vadd.f32 v15, v61;
	v6 =	vld.idx.msk [tilespmem:v1+s25+$0x2E0 ss:$0x1], $0xffff;
	v63 =	vadd.f32 v10, v7  }
0x145: {  	s30 =	smov.u32 s21;
	s31 =	smov.u32 s28;
	s22 =	smov.u32 s2;
	v3 =	vadd.f32 v52, v46;
	v7 =	vld.idx.msk [tilespmem:v1+s25+$0x360 ss:$0x1], $0xffff;
	v10 =	vadd.f32 v60, v9  }
0x146: {  	s14 =	sadd.s32 $0x800, s25;
	s0 =	simm.s32 $0x2;
	s29 =	smov.u32 s26;
	[tilespmem:v0+s21+$0xF0 ss:$0x1] =	vst.idx.msk $0xffff, v62;
	v9 =	vld.idx.msk [tilespmem:v1+s25+$0x3E0 ss:$0x1], $0xffff;
	v11 =	vadd.f32 v14, v13;
	v13 =	vadd.f32 v63, v15  }
.LBB2_3:
0x147: {  	v14 =	vld.idx.msk [tilespmem:v1+s14+$0x400 ss:$0x1], $0xffff;
	v4 =	vadd.f32 v4, v12  }
0x148: {  	v12 =	vld.idx.msk [tilespmem:v1+s14+$0x480 ss:$0x1], $0xffff;
	v10 =	vadd.f32 v11, v10;
	v8 =	vadd.f32 v13, v8  }
0x149: {  	v11 =	vld.idx.msk [tilespmem:v1+s14+$0x500 ss:$0x1], $0xffff;
	v3 =	vadd.f32 v4, v3  }
0x14a: {  	v4 =	vadd.f32 v6, v5;
	v13 =	vld.idx.msk [tilespmem:v1+s14+$0x600 ss:$0x1], $0xffff;
	v5 =	vadd.f32 v8, v10  }
0x14b: {  	v6 =	vld.idx.msk [tilespmem:v1+s14+$0x680 ss:$0x1], $0xffff  }
0x14c: {  	v7 =	vadd.f32 v9, v7;
	v8 =	vld.idx.msk [tilespmem:v1+s14+$0x700 ss:$0x1], $0xffff;
	[tilespmem:v0+s26+$0xE0 ss:$0x1] =	vst.idx.msk $0xffff, v5  }
0x14d: {  	v5 =	vld.idx.msk [tilespmem:v1+s25+$0x470 ss:$0x1], $0xffff  }
0x14e: {  	v4 =	vadd.f32 v7, v4;
	v7 =	vld.idx.msk [tilespmem:v1+s25+$0x4F0 ss:$0x1], $0xffff  }
0x14f: {  	v9 =	vld.idx.msk [tilespmem:v1+s25+$0x670 ss:$0x1], $0xffff  }
0x150: {  	v10 =	vld.idx.msk [tilespmem:v1+s25+$0x6F0 ss:$0x1], $0xffff  }
0x151: {  	v15 =	vld.idx.msk [tilespmem:v1+s25+$0x770 ss:$0x1], $0xffff  }
0x152: {  	v16 =	vld.idx.msk [tilespmem:v1+s25+$0x7F0 ss:$0x1], $0xffff  }
0x153: {  	v17 =	vld.idx.msk [tilespmem:v1+s25+$0x570 ss:$0x1], $0xffff  }
0x154: {  	v18 =	vld.idx.msk [tilespmem:v1+s25+$0x5F0 ss:$0x1], $0xffff  }
0x155: {  	v19 =	vld.idx.msk [tilespmem:v1+s14+$0x780 ss:$0x1], $0xffff  }
0x156: {  	v20 =	vld.idx.msk [tilespmem:v0+s28+$0x0 ss:$0x1], $0xffff  }
0x157: {  	v21 =	vld.idx.msk [tilespmem:v1+s14+$0x580 ss:$0x1], $0xffff  }
0x158: {  	v9 =	vadd.f32 v10, v9;
	v10 =	vadd.f32 v16, v15;
	v22 =	vld.idx.msk [tilespmem:v1+s14+$0x200 ss:$0x1], $0xffff  }
0x159: {  	v5 =	vadd.f32 v7, v5;
	s28 =	sadd.s32 $0x100, s28;
	v15 =	vld.idx.msk [tilespmem:v1+s14+$0x280 ss:$0x1], $0xffff  }
0x15a: {  	v16 =	vadd.f32 v18, v17;
	v9 =	vadd.f32 v10, v9;
	v7 =	vld.idx.msk [tilespmem:v0+s28+$0xFFFFFF90 ss:$0x1], $0xffff  }
0x15b: {  	v6 =	vadd.f32 v6, v13;
	v8 =	vadd.f32 v19, v8;
	v10 =	vld.idx.msk [tilespmem:v1+s14+$0x300 ss:$0x1], $0xffff  }
0x15c: {  	v5 =	vadd.f32 v16, v5;
	v9 =	vadd.f32 v9, v20;
	v13 =	vld.idx.msk [tilespmem:v1+s14+$0x380 ss:$0x1], $0xffff  }
0x15d: {  	v12 =	vadd.f32 v12, v14;
	v11 =	vadd.f32 v21, v11;
	v16 =	vld.idx.msk [tilespmem:v1+s14+$0x80 ss:$0x1], $0xffff  }
0x15e: {  	v6 =	vadd.f32 v8, v6;
	v5 =	vadd.f32 v9, v5;
	v14 =	vld.idx.msk [tilespmem:v1+s14+$0x100 ss:$0x1], $0xffff  }
0x15f: {  	v9 =	vadd.f32 v15, v22;
	v8 =	vld.idx.msk [tilespmem:v1+s14+$0x180 ss:$0x1], $0xffff  }
0x160: {  	v11 =	vadd.f32 v11, v12;
	v6 =	vadd.f32 v6, v7;
	v15 =	vld.idx.msk [tilespmem:v1+s14+$0x0 ss:$0x1], $0xffff;
	[tilespmem:v0+s26+$0xF0 ss:$0x1] =	vst.idx.msk $0xffff, v5  }
0x161: {  	v5 =	vld.idx.msk [tilespmem:v0+s28+$0xFFFFFF10 ss:$0x1], $0xffff  }
0x162: {  	v7 =	vadd.f32 v13, v10;
	v6 =	vadd.f32 v6, v11;
	v10 =	vld.idx.msk [tilespmem:v1+s25+$0x60 ss:$0x1], $0xffff  }
0x163: {  	s26 =	sadd.s32 $0x100, s26;
	v11 =	vld.idx.msk [tilespmem:v1+s25+$0xE0 ss:$0x1], $0xffff  }
0x164: {  	v7 =	vadd.f32 v7, v9;
	[tilespmem:v0+s26+$0x80 ss:$0x1] =	vst.idx.msk $0xffff, v6;
	v6 =	vld.idx.msk [tilespmem:v1+s25+$0x160 ss:$0x1], $0xffff  }
0x165: {  	v8 =	vadd.f32 v8, v14;
	v9 =	vld.idx.msk [tilespmem:v1+s14+$0x410 ss:$0x1], $0xffff  }
0x166: {  	v12 =	vadd.f32 v16, v15;
	v13 =	vld.idx.msk [tilespmem:v1+s14+$0x490 ss:$0x1], $0xffff  }
0x167: {  	v5 =	vadd.f32 v7, v5;
	v7 =	vld.idx.msk [tilespmem:v1+s14+$0x610 ss:$0x1], $0xffff  }
0x168: {  	v8 =	vadd.f32 v8, v12;
	v12 =	vld.idx.msk [tilespmem:v1+s14+$0x690 ss:$0x1], $0xffff  }
0x169: {  	v10 =	vadd.f32 v11, v10;
	v14 =	vld.idx.msk [tilespmem:v1+s14+$0x710 ss:$0x1], $0xffff  }
0x16a: {  	v5 =	vadd.f32 v5, v8;
	v8 =	vld.idx.msk [tilespmem:v1+s14+$0x790 ss:$0x1], $0xffff  }
0x16b: {  	v11 =	vld.idx.msk [tilespmem:v1+s14+$0x510 ss:$0x1], $0xffff  }
0x16c: {  	[tilespmem:v0+s26+$0x0 ss:$0x1] =	vst.idx.msk $0xffff, v5;
	v5 =	vld.idx.msk [tilespmem:v1+s14+$0x590 ss:$0x1], $0xffff  }
0x16d: {  	v15 =	vld.idx.msk [tilespmem:v1+s14+$0x210 ss:$0x1], $0xffff  }
0x16e: {  	v16 =	vld.idx.msk [tilespmem:v0+s28+$0xFFFFFFA0 ss:$0x1], $0xffff  }
0x16f: {  	v17 =	vld.idx.msk [tilespmem:v1+s14+$0x290 ss:$0x1], $0xffff  }
0x170: {  	v7 =	vadd.f32 v12, v7;
	v8 =	vadd.f32 v8, v14;
	v18 =	vld.idx.msk [tilespmem:v1+s14+$0x310 ss:$0x1], $0xffff  }
0x171: {  	v9 =	vadd.f32 v13, v9;
	v12 =	vld.idx.msk [tilespmem:v1+s14+$0x390 ss:$0x1], $0xffff  }
0x172: {  	v5 =	vadd.f32 v5, v11;
	v7 =	vadd.f32 v8, v7;
	v13 =	vld.idx.msk [tilespmem:v1+s14+$0x10 ss:$0x1], $0xffff  }
0x173: {  	v8 =	vld.idx.msk [tilespmem:v1+s14+$0x90 ss:$0x1], $0xffff  }
0x174: {  	v5 =	vadd.f32 v5, v9;
	v7 =	vadd.f32 v7, v16;
	v11 =	vld.idx.msk [tilespmem:v1+s14+$0x110 ss:$0x1], $0xffff  }
0x175: {  	v14 =	vadd.f32 v17, v15;
	v9 =	vld.idx.msk [tilespmem:v1+s14+$0x190 ss:$0x1], $0xffff  }
0x176: {  	v5 =	vadd.f32 v7, v5;
	v15 =	vld.idx.msk [tilespmem:v0+s28+$0xFFFFFF20 ss:$0x1], $0xffff  }
0x177: {  	v7 =	vadd.f32 v12, v18;
	v12 =	vld.idx.msk [tilespmem:v1+s25+$0x1E0 ss:$0x1], $0xffff  }
0x178: {  	[tilespmem:v0+s26+$0x90 ss:$0x1] =	vst.idx.msk $0xffff, v5;
	v5 =	vld.idx.msk [tilespmem:v0+s31+$0xFFFFFF70 ss:$0x1], $0xffff  }
0x179: {  	s0 =	sadd.s32 $0x2, s0;
	v8 =	vadd.f32 v8, v13;
	v7 =	vadd.f32 v7, v14;
	v13 =	vld.idx.msk [tilespmem:v1+s14+$0x420 ss:$0x1], $0xffff  }
0x17a: {  	p1 =	slt.u32 s0, $0xE;
	v14 =	vld.idx.msk [tilespmem:v1+s14+$0x4A0 ss:$0x1], $0xffff  }
0x17b: {  	v9 =	vadd.f32 v9, v11;
	v11 =	vld.idx.msk [tilespmem:v1+s14+$0x620 ss:$0x1], $0xffff  }
0x17c: {  	v7 =	vadd.f32 v7, v15;
	v15 =	vld.idx.msk [tilespmem:v1+s14+$0x6A0 ss:$0x1], $0xffff  }
0x17d: {  	v8 =	vadd.f32 v9, v8;
	v6 =	vadd.f32 v12, v6;
	v9 =	vld.idx.msk [tilespmem:v1+s14+$0x720 ss:$0x1], $0xffff  }
0x17e: {  	v4 =	vadd.f32 v4, v5;
	v12 =	vld.idx.msk [tilespmem:v1+s14+$0x7A0 ss:$0x1], $0xffff  }
0x17f: {  	v5 =	vadd.f32 v7, v8;
	v6 =	vadd.f32 v6, v10;
	v7 =	vld.idx.msk [tilespmem:v1+s14+$0x520 ss:$0x1], $0xffff  }
0x180: {  	v8 =	vld.idx.msk [tilespmem:v1+s14+$0x5A0 ss:$0x1], $0xffff  }
0x181: {  	v4 =	vadd.f32 v4, v6;
	[tilespmem:v0+s26+$0x10 ss:$0x1] =	vst.idx.msk $0xffff, v5;
	v5 =	vld.idx.msk [tilespmem:v0+s22+$0xFFFFFF80 ss:$0x1], $0xffff;
	s22 =	smov.u32 s31;
	s31 =	smov.u32 s28  }
0x182: {  	v6 =	vld.idx.msk [tilespmem:v0+s28+$0xFFFFFFB0 ss:$0x1], $0xffff  }
0x183: {  	v10 =	vld.idx.msk [tilespmem:v1+s14+$0x220 ss:$0x1], $0xffff;
	[tilespmem:v0+s29+$0x60 ss:$0x1] =	vst.idx.msk $0xffff, v4  }
0x184: {  	v11 =	vadd.f32 v15, v11;
	v9 =	vadd.f32 v12, v9;
	v4 =	vld.idx.msk [tilespmem:v1+s14+$0x2A0 ss:$0x1], $0xffff  }
0x185: {  	v13 =	vadd.f32 v14, v13;
	v12 =	vld.idx.msk [tilespmem:v1+s14+$0x320 ss:$0x1], $0xffff  }
0x186: {  	v7 =	vadd.f32 v8, v7;
	v8 =	vadd.f32 v9, v11;
	v14 =	vld.idx.msk [tilespmem:v1+s14+$0x3A0 ss:$0x1], $0xffff  }
0x187: {  	v2 =	vadd.f32 v2, v5;
	v9 =	vld.idx.msk [tilespmem:v1+s14+$0x20 ss:$0x1], $0xffff  }
0x188: {  	v7 =	vadd.f32 v7, v13;
	v6 =	vadd.f32 v8, v6;
	v5 =	vld.idx.msk [tilespmem:v1+s14+$0xA0 ss:$0x1], $0xffff  }
0x189: {  	v2 =	vadd.f32 v2, v3;
	v8 =	vld.idx.msk [tilespmem:v1+s14+$0x120 ss:$0x1], $0xffff  }
0x18a: {  	v4 =	vadd.f32 v4, v10;
	v6 =	vadd.f32 v6, v7;
	v3 =	vld.idx.msk [tilespmem:v1+s14+$0x1A0 ss:$0x1], $0xffff  }
0x18b: {  	v7 =	vld.idx.msk [tilespmem:v0+s28+$0xFFFFFF30 ss:$0x1], $0xffff;
	[tilespmem:v0+s30+$0x70 ss:$0x1] =	vst.idx.msk $0xffff, v2;
	s30 =	smov.u32 s29;
	s29 =	smov.u32 s26  }
0x18c: {  	v2 =	vadd.f32 v14, v12;
	[tilespmem:v0+s26+$0xA0 ss:$0x1] =	vst.idx.msk $0xffff, v6;
	v6 =	vld.idx.msk [tilespmem:v1+s25+$0x270 ss:$0x1], $0xffff  }
0x18d: {  	v10 =	vld.idx.msk [tilespmem:v1+s14+$0x430 ss:$0x1], $0xffff  }
0x18e: {  	v5 =	vadd.f32 v5, v9;
	v2 =	vadd.f32 v2, v4;
	v4 =	vld.idx.msk [tilespmem:v1+s14+$0x4B0 ss:$0x1], $0xffff  }
0x18f: {  	v9 =	vld.idx.msk [tilespmem:v1+s14+$0x630 ss:$0x1], $0xffff  }
0x190: {  	v3 =	vadd.f32 v3, v8;
	v8 =	vld.idx.msk [tilespmem:v1+s14+$0x6B0 ss:$0x1], $0xffff  }
0x191: {  	v2 =	vadd.f32 v2, v7;
	v7 =	vld.idx.msk [tilespmem:v1+s14+$0x730 ss:$0x1], $0xffff  }
0x192: {  	v3 =	vadd.f32 v3, v5;
	v5 =	vld.idx.msk [tilespmem:v1+s14+$0x7B0 ss:$0x1], $0xffff  }
0x193: {  	v11 =	vld.idx.msk [tilespmem:v1+s14+$0x530 ss:$0x1], $0xffff  }
0x194: {  	v2 =	vadd.f32 v2, v3;
	v3 =	vld.idx.msk [tilespmem:v1+s14+$0x5B0 ss:$0x1], $0xffff  }
0x195: {  	v12 =	vld.idx.msk [tilespmem:v1+s25+$0x2F0 ss:$0x1], $0xffff  }
0x196: {  	[tilespmem:v0+s26+$0x20 ss:$0x1] =	vst.idx.msk $0xffff, v2;
	v2 =	vld.idx.msk [tilespmem:v0+s28+$0xFFFFFFC0 ss:$0x1], $0xffff  }
0x197: {  	v13 =	vld.idx.msk [tilespmem:v1+s14+$0x230 ss:$0x1], $0xffff  }
0x198: {  	v8 =	vadd.f32 v8, v9;
	v5 =	vadd.f32 v5, v7;
	v14 =	vld.idx.msk [tilespmem:v1+s14+$0x2B0 ss:$0x1], $0xffff  }
0x199: {  	v4 =	vadd.f32 v4, v10;
	v7 =	vld.idx.msk [tilespmem:v1+s14+$0x330 ss:$0x1], $0xffff  }
0x19a: {  	v3 =	vadd.f32 v3, v11;
	v5 =	vadd.f32 v5, v8;
	v9 =	vld.idx.msk [tilespmem:v1+s14+$0x3B0 ss:$0x1], $0xffff  }
0x19b: {  	v6 =	vadd.f32 v12, v6;
	v8 =	vld.idx.msk [tilespmem:v1+s14+$0x30 ss:$0x1], $0xffff  }
0x19c: {  	v3 =	vadd.f32 v3, v4;
	v2 =	vadd.f32 v5, v2;
	v10 =	vld.idx.msk [tilespmem:v1+s14+$0xB0 ss:$0x1], $0xffff  }
0x19d: {  	v4 =	vld.idx.msk [tilespmem:v1+s14+$0x130 ss:$0x1], $0xffff  }
0x19e: {  	v11 =	vadd.f32 v14, v13;
	v2 =	vadd.f32 v2, v3;
	v5 =	vld.idx.msk [tilespmem:v1+s14+$0x1B0 ss:$0x1], $0xffff  }
0x19f: {  	v3 =	vld.idx.msk [tilespmem:v0+s28+$0xFFFFFF40 ss:$0x1], $0xffff  }
0x1a0: {  	v7 =	vadd.f32 v9, v7;
	[tilespmem:v0+s26+$0xB0 ss:$0x1] =	vst.idx.msk $0xffff, v2;
	v2 =	vld.idx.msk [tilespmem:v1+s25+$0x370 ss:$0x1], $0xffff  }
0x1a1: {  	v9 =	vld.idx.msk [tilespmem:v1+s14+$0x440 ss:$0x1], $0xffff  }
0x1a2: {  	v8 =	vadd.f32 v10, v8;
	v7 =	vadd.f32 v7, v11;
	v10 =	vld.idx.msk [tilespmem:v1+s14+$0x4C0 ss:$0x1], $0xffff  }
0x1a3: {  	v11 =	vld.idx.msk [tilespmem:v1+s14+$0x640 ss:$0x1], $0xffff  }
0x1a4: {  	v4 =	vadd.f32 v5, v4;
	v5 =	vld.idx.msk [tilespmem:v1+s14+$0x6C0 ss:$0x1], $0xffff  }
0x1a5: {  	v3 =	vadd.f32 v7, v3;
	v7 =	vld.idx.msk [tilespmem:v1+s14+$0x740 ss:$0x1], $0xffff  }
0x1a6: {  	v4 =	vadd.f32 v4, v8;
	v8 =	vld.idx.msk [tilespmem:v1+s14+$0x7C0 ss:$0x1], $0xffff  }
0x1a7: {  	v12 =	vld.idx.msk [tilespmem:v1+s14+$0x540 ss:$0x1], $0xffff  }
0x1a8: {  	v3 =	vadd.f32 v3, v4;
	v4 =	vld.idx.msk [tilespmem:v1+s14+$0x5C0 ss:$0x1], $0xffff  }
0x1a9: {  	v13 =	vld.idx.msk [tilespmem:v1+s25+$0x3F0 ss:$0x1], $0xffff  }
0x1aa: {  	[tilespmem:v0+s26+$0x30 ss:$0x1] =	vst.idx.msk $0xffff, v3;
	v3 =	vld.idx.msk [tilespmem:v0+s28+$0xFFFFFFD0 ss:$0x1], $0xffff  }
0x1ab: {  	v14 =	vld.idx.msk [tilespmem:v1+s14+$0x240 ss:$0x1], $0xffff  }
0x1ac: {  	v5 =	vadd.f32 v5, v11;
	v7 =	vadd.f32 v8, v7;
	v15 =	vld.idx.msk [tilespmem:v1+s14+$0x2C0 ss:$0x1], $0xffff  }
0x1ad: {  	v9 =	vadd.f32 v10, v9;
	v8 =	vld.idx.msk [tilespmem:v1+s14+$0x340 ss:$0x1], $0xffff  }
0x1ae: {  	v4 =	vadd.f32 v4, v12;
	v5 =	vadd.f32 v7, v5;
	v10 =	vld.idx.msk [tilespmem:v1+s14+$0x3C0 ss:$0x1], $0xffff  }
0x1af: {  	v2 =	vadd.f32 v13, v2;
	v7 =	vld.idx.msk [tilespmem:v1+s14+$0x40 ss:$0x1], $0xffff  }
0x1b0: {  	v4 =	vadd.f32 v4, v9;
	v3 =	vadd.f32 v5, v3;
	v11 =	vld.idx.msk [tilespmem:v1+s14+$0xC0 ss:$0x1], $0xffff  }
0x1b1: {  	v2 =	vadd.f32 v2, v6;
	v5 =	vld.idx.msk [tilespmem:v1+s14+$0x140 ss:$0x1], $0xffff  }
0x1b2: {  	v9 =	vadd.f32 v15, v14;
	v3 =	vadd.f32 v3, v4;
	v6 =	vld.idx.msk [tilespmem:v1+s14+$0x1C0 ss:$0x1], $0xffff  }
0x1b3: {  	v4 =	vld.idx.msk [tilespmem:v0+s28+$0xFFFFFF50 ss:$0x1], $0xffff  }
0x1b4: {  	v8 =	vadd.f32 v10, v8;
	[tilespmem:v0+s26+$0xC0 ss:$0x1] =	vst.idx.msk $0xffff, v3;
	v3 =	vld.idx.msk [tilespmem:v1+s25+$0x70 ss:$0x1], $0xffff  }
0x1b5: {  	v10 =	vld.idx.msk [tilespmem:v1+s14+$0x450 ss:$0x1], $0xffff  }
0x1b6: {  	v7 =	vadd.f32 v11, v7;
	v8 =	vadd.f32 v8, v9;
	v9 =	vld.idx.msk [tilespmem:v1+s14+$0x4D0 ss:$0x1], $0xffff  }
0x1b7: {  	v11 =	vld.idx.msk [tilespmem:v1+s14+$0x650 ss:$0x1], $0xffff  }
0x1b8: {  	v5 =	vadd.f32 v6, v5;
	v6 =	vld.idx.msk [tilespmem:v1+s14+$0x6D0 ss:$0x1], $0xffff  }
0x1b9: {  	v4 =	vadd.f32 v8, v4;
	v8 =	vld.idx.msk [tilespmem:v1+s14+$0x750 ss:$0x1], $0xffff  }
0x1ba: {  	v5 =	vadd.f32 v5, v7;
	v7 =	vld.idx.msk [tilespmem:v1+s14+$0x7D0 ss:$0x1], $0xffff  }
0x1bb: {  	v12 =	vld.idx.msk [tilespmem:v1+s14+$0x550 ss:$0x1], $0xffff  }
0x1bc: {  	v4 =	vadd.f32 v4, v5;
	v5 =	vld.idx.msk [tilespmem:v1+s14+$0x5D0 ss:$0x1], $0xffff  }
0x1bd: {  	v13 =	vld.idx.msk [tilespmem:v1+s25+$0xF0 ss:$0x1], $0xffff  }
0x1be: {  	[tilespmem:v0+s26+$0x40 ss:$0x1] =	vst.idx.msk $0xffff, v4;
	v4 =	vld.idx.msk [tilespmem:v0+s28+$0xFFFFFFE0 ss:$0x1], $0xffff  }
0x1bf: {  	v14 =	vld.idx.msk [tilespmem:v1+s14+$0x250 ss:$0x1], $0xffff  }
0x1c0: {  	v6 =	vadd.f32 v6, v11;
	v7 =	vadd.f32 v7, v8;
	v15 =	vld.idx.msk [tilespmem:v1+s14+$0x2D0 ss:$0x1], $0xffff  }
0x1c1: {  	v9 =	vadd.f32 v9, v10;
	v8 =	vld.idx.msk [tilespmem:v1+s14+$0x350 ss:$0x1], $0xffff  }
0x1c2: {  	v5 =	vadd.f32 v5, v12;
	v6 =	vadd.f32 v7, v6;
	v10 =	vld.idx.msk [tilespmem:v1+s14+$0x3D0 ss:$0x1], $0xffff  }
0x1c3: {  	v3 =	vadd.f32 v13, v3;
	v7 =	vld.idx.msk [tilespmem:v1+s14+$0x50 ss:$0x1], $0xffff  }
0x1c4: {  	v5 =	vadd.f32 v5, v9;
	v4 =	vadd.f32 v6, v4;
	v11 =	vld.idx.msk [tilespmem:v1+s14+$0xD0 ss:$0x1], $0xffff  }
0x1c5: {  	v6 =	vld.idx.msk [tilespmem:v1+s14+$0x150 ss:$0x1], $0xffff  }
0x1c6: {  	v13 =	vadd.f32 v15, v14;
	v4 =	vadd.f32 v4, v5;
	v9 =	vld.idx.msk [tilespmem:v1+s14+$0x1D0 ss:$0x1], $0xffff  }
0x1c7: {  	v5 =	vld.idx.msk [tilespmem:v0+s28+$0xFFFFFF60 ss:$0x1], $0xffff  }
0x1c8: {  	v8 =	vadd.f32 v10, v8;
	[tilespmem:v0+s26+$0xD0 ss:$0x1] =	vst.idx.msk $0xffff, v4;
	v12 =	vld.idx.msk [tilespmem:v1+s25+$0x170 ss:$0x1], $0xffff  }
0x1c9: {  	v10 =	vld.idx.msk [tilespmem:v1+s14+$0x460 ss:$0x1], $0xffff  }
0x1ca: {  	v4 =	vadd.f32 v11, v7;
	v7 =	vadd.f32 v8, v13;
	v11 =	vld.idx.msk [tilespmem:v1+s14+$0x4E0 ss:$0x1], $0xffff  }
0x1cb: {  	v13 =	vld.idx.msk [tilespmem:v1+s14+$0x660 ss:$0x1], $0xffff  }
0x1cc: {  	v6 =	vadd.f32 v9, v6;
	v9 =	vld.idx.msk [tilespmem:v1+s14+$0x6E0 ss:$0x1], $0xffff  }
0x1cd: {  	v5 =	vadd.f32 v7, v5;
	v7 =	vld.idx.msk [tilespmem:v1+s14+$0x760 ss:$0x1], $0xffff  }
0x1ce: {  	v4 =	vadd.f32 v6, v4;
	v14 =	vld.idx.msk [tilespmem:v1+s14+$0x7E0 ss:$0x1], $0xffff  }
0x1cf: {  	v15 =	vld.idx.msk [tilespmem:v1+s14+$0x560 ss:$0x1], $0xffff  }
0x1d0: {  	v5 =	vadd.f32 v5, v4;
	v16 =	vld.idx.msk [tilespmem:v1+s14+$0x5E0 ss:$0x1], $0xffff  }
0x1d1: {  	v4 =	vld.idx.msk [tilespmem:v1+s25+$0x1F0 ss:$0x1], $0xffff;
	s25 =	smov.u32 s14  }
.Ltmp0:
0x1d2: {  	[tilespmem:v0+s26+$0x50 ss:$0x1] =	vst.idx.msk $0xffff, v5;
	v8 =	vld.idx.msk [tilespmem:v0+s28+$0xFFFFFFF0 ss:$0x1], $0xffff;
	(pc) =	sbr.rel @p1 .LBB2_3-.Ltmp0, $4  }
0x1d3: {  	v5 =	vld.idx.msk [tilespmem:v1+s14+$0x260 ss:$0x1], $0xffff  }
0x1d4: {  	v13 =	vadd.f32 v9, v13;
	v14 =	vadd.f32 v14, v7;
	v6 =	vld.idx.msk [tilespmem:v1+s14+$0x2E0 ss:$0x1], $0xffff  }
0x1d5: {  	v10 =	vadd.f32 v11, v10;
	v7 =	vld.idx.msk [tilespmem:v1+s14+$0x360 ss:$0x1], $0xffff  }
0x1d6: {  	v11 =	vadd.f32 v16, v15;
	v13 =	vadd.f32 v14, v13;
	s14 =	sadd.s32 $0x800, s14;
	v9 =	vld.idx.msk [tilespmem:v1+s25+$0x3E0 ss:$0x1], $0xffff  }
0x1d7: {  	_ =	sdelay $0x3  }
0x1d8: {  	v14 =	vld.idx.msk [tilespmem:v1+s25+$0x60 ss:$0x1], $0xffff  }
0x1d9: {  	v42 =	vld.idx.msk [tilespmem:v1+s25+$0xE0 ss:$0x1], $0xffff  }
0x1da: {  	v43 =	vld.idx.msk [tilespmem:v1+s25+$0x160 ss:$0x1], $0xffff;
	v10 =	vadd.f32 v11, v10;
	v8 =	vadd.f32 v13, v8  }
0x1db: {  	v44 =	vld.idx.msk [tilespmem:v1+s25+$0x1E0 ss:$0x1], $0xffff  }
0x1dc: {  	v8 =	vadd.f32 v8, v10  }
0x1dd: {  	v46 =	vld.idx.msk [tilespmem:v0+s31+$0xFFFFFF70 ss:$0x1], $0xffff  }
0x1de: {  	v58 =	vld.idx.msk [tilespmem:v0+s22+$0xFFFFFF80 ss:$0x1], $0xffff;
	v5 =	vadd.f32 v6, v5;
	v45 =	vadd.f32 v9, v7;
	[tilespmem:v0+s26+$0xE0 ss:$0x1] =	vst.idx.msk $0xffff, v8  }
0x1df: {  	v11 =	vadd.f32 v42, v14;
	v8 =	vld.idx.msk [tilespmem:v1+s25+$0x470 ss:$0x1], $0xffff  }
0x1e0: {  	v10 =	vadd.f32 v44, v43;
	v5 =	vadd.f32 v45, v5;
	v47 =	vld.idx.msk [tilespmem:v1+s25+$0x4F0 ss:$0x1], $0xffff  }
0x1e1: {  	v48 =	vld.idx.msk [tilespmem:v1+s25+$0x670 ss:$0x1], $0xffff  }
0x1e2: {  	v49 =	vld.idx.msk [tilespmem:v1+s25+$0x6F0 ss:$0x1], $0xffff;
	v51 =	vadd.f32 v10, v11;
	v5 =	vadd.f32 v5, v46  }
0x1e3: {  	v50 =	vld.idx.msk [tilespmem:v1+s25+$0x770 ss:$0x1], $0xffff  }
0x1e4: {  	v52 =	vld.idx.msk [tilespmem:v1+s25+$0x7F0 ss:$0x1], $0xffff;
	v5 =	vadd.f32 v5, v51  }
0x1e5: {  	v53 =	vld.idx.msk [tilespmem:v1+s25+$0x570 ss:$0x1], $0xffff  }
0x1e6: {  	v54 =	vld.idx.msk [tilespmem:v1+s25+$0x5F0 ss:$0x1], $0xffff;
	[tilespmem:v0+s29+$0x60 ss:$0x1] =	vst.idx.msk $0xffff, v5  }
0x1e7: {  	v5 =	vld.idx.msk [tilespmem:v1+s25+$0x270 ss:$0x1], $0xffff  }
0x1e8: {  	v16 =	vld.idx.msk [tilespmem:v1+s25+$0x2F0 ss:$0x1], $0xffff  }
0x1e9: {  	v17 =	vld.idx.msk [tilespmem:v1+s25+$0x370 ss:$0x1], $0xffff  }
0x1ea: {  	v4 =	vadd.f32 v4, v12;
	v18 =	vld.idx.msk [tilespmem:v1+s25+$0x3F0 ss:$0x1], $0xffff  }
0x1eb: {  	v19 =	vld.idx.msk [tilespmem:v1+s25+$0x70 ss:$0x1], $0xffff  }
0x1ec: {  	v3 =	vadd.f32 v4, v3;
	v2 =	vadd.f32 v2, v58;
	v20 =	vld.idx.msk [tilespmem:v1+s25+$0xF0 ss:$0x1], $0xffff  }
0x1ed: {  	v55 =	vld.idx.msk [tilespmem:v1+s25+$0x170 ss:$0x1], $0xffff  }
0x1ee: {  	v2 =	vadd.f32 v2, v3;
	v56 =	vld.idx.msk [tilespmem:v1+s25+$0x1F0 ss:$0x1], $0xffff  }
0x1ef: {  	v15 =	vld.idx.msk [tilespmem:v0+s28+$0x0 ss:$0x1], $0xffff;
	v9 =	vadd.f32 v49, v48;
	v10 =	vadd.f32 v52, v50  }
0x1f0: {  	v6 =	vadd.f32 v47, v8;
	v7 =	vadd.f32 v54, v53;
	v60 =	vld.idx.msk [tilespmem:v0+s31+$0xFFFFFF80 ss:$0x1], $0xffff  }
0x1f1: {  	v5 =	vadd.f32 v16, v5;
	v59 =	vadd.f32 v18, v17  }
0x1f2: {  	v57 =	vadd.f32 v10, v9;
	v63 =	vadd.f32 v20, v19  }
0x1f3: {  	v1 =	vadd.f32 v56, v55;
	v5 =	vadd.f32 v59, v5  }
0x1f4: {  	s0 =	sadd.s32 s7, s23;
	s23 =	sadd.s32 $0x1, s23;
	v61 =	vadd.f32 v7, v6;
	v62 =	vadd.f32 v57, v15  }
0x1f5: {  	p1 =	sne.s32 s23, s6;
	v1 =	vadd.f32 v1, v63;
	v5 =	vadd.f32 v5, v60  }
.Ltmp1:
0x1f6: {  	s14 =	sshll.u32 s24, $0xB;
	s21 =	sadd.s32 $0x800, s21;
	v4 =	vadd.f32 v62, v61;
	(pc) =	sbr.rel @p1 .LBB2_2-.Ltmp1, $4  }
0x1f7: {  	s2 =	sadd.s32 $0x800, s2;
	s0 =	sshll.u32 s0, $0x8;
	s14 =	sand.u32 $0x3FFFF800, s14;
	[tilespmem:v0+s30+$0x70 ss:$0x1] =	vst.idx.msk $0xffff, v2;
	v1 =	vadd.f32 v5, v1  }
0x1f8: {  	s20 =	sadd.s32 $0x4000, s20;
	s0 =	sand.u32 $0x1FFFFF00, s0;
	s14 =	sadd.s32 $0x14640, s14;
	[tilespmem:v0+s26+$0xF0 ss:$0x1] =	vst.idx.msk $0xffff, v4  }
0x1f9: {  	s30 =	sadd.s32 $0x7, s24;
	s31 =	sadd.s32 s4, s0;
	s0 =	simm.s32 $0x0;
	[tilespmem:v0+s29+$0x70 ss:$0x1] =	vst.idx.msk $0xffff, v1  }
0x1fa: {  	[hbm4b:s31+s0] =	stream.linear.scatter [tilespmem:s14], [sflag:s30], $0x800, $0x38;
	[tilespmem:$0x15E40] =	vst v63  }
0x1fb: {  	s2 =	sadd.s32 s0, s9  }
0x1fc: {  	s0 =	sadd.s32 $0x1, s0;
	s14 =	smul.u32 $0xAB, s2  }
.LBB2_6:
0x1fd: {  	p1 =	sne.s32 s0, $0x2  }
0x1fe: {  	s14 =	sshrl.u32 s14, $0x9  }
0x1ff: {  	s14 =	sand.u32 $0x7F, s14  }
0x200: {  	s14 =	smul.u32 $0x3, s14;
	_ =	sdelay $0x1  }
0x201: {  	s2 =	ssub.s32 s2, s14  }
.Ltmp2:
0x202: {  	s2 =	sand.u32 $0xFF, s2;
	(pc) =	sbr.rel @p1 .LBB2_6-.Ltmp2, $4  }
0x203: {  	s20 =	sadd.s32 $0x7, s2  }
0x204: {  	_ =	swait.ge [sflag:s20], $0x800  }
0x205: {  	s2 =	sadd.s32 s0, s9;
	[sflag:s20] =	ssyncset.done $0x0  }
0x206: {  	s0 =	sadd.s32 $0x1, s0;
	s14 =	smul.u32 $0xAB, s2;
	[sflag:s20] =	ssyncadd.s32 $0xFFFFF800  }
0x207: {  	_ = 	snop  }
0x208: {  	s0 =	sshrl.u32 s14, $0x9  }
0x209: {  	s0 =	sand.u32 $0x7F, s0  }
0x20a: {  	s0 =	smul.u32 $0x3, s0  }
0x20b: {  	s19 =	sadd.s32 $0x1, s19  }
0x20c: {  	p1 =	sne.s32 s19, s11;
	s0 =	ssub.s32 s2, s0  }
.Ltmp3:
0x20d: {  	s0 =	sand.u32 $0xFF, s0;
	(pc) =	sbr.rel @p1 .LBB2_1-.Ltmp3, $4  }
0x20e: {  	s0 =	sadd.s32 $0x7, s0  }
0x20f: {  	_ =	swait.ge [sflag:s0], $0x800  }
0x210: {  	[sflag:s0] =	ssyncset.done $0x0  }
0x211: {  	[sflag:s0] =	ssyncadd.s32 $0xFFFFF800  }
0x212: {  	_ =	sfence.sel $0x180000  }
0x213: {  	[bflag:$0x0] =	sbarrier.arrive $0xFFFF  }
0x214: {  	_ =	strace $0x90000047  }
0x215: {  	s0 =	stileid.u32;
	[bflag:$0x2] =	sbarrier.arrive $0xFFFF  }
0x216: {  	p0 =	sne.s32 s0, $0x0;
	s0 =	rddreg [dreg:$0x5]  }
0x217: {  	s0 =	sadd.s32 @!p0 $0x100000, s0  }
0x218: {  	[sflag:s0] =	ssyncadd.tile.s32 @!p0 $0x1;
	_ =	shalt  }
.Lfunc_end2:
_tile_overlayer_lowered:
.L_overlay_start_2:
0x219: {  	(tag) =	ssettag $0x2  }
0x21a: {  	s0 =	rddreg [dreg:$0x0];
	s2 =	stileid.u32  }
0x21b: {  	s1 =	rddreg [dreg:$0x1];
	p0 =	sne.s32 s2, $0x0  }
0x21c: {  	s3 =	rddreg [dreg:$0x2];
	[bflag:$0x3] =	sbarrier.arrive $0xFFFF;
	s2 =	simm.s32 @!p0 $0x1C0A  }
0x21d: {  	[timem:s3], [sflag:s2] =	dma.local @!p0 [hbm:s0], s1  }
0x21e: {  	s0 =	simm.s32 @!p0 $0xA  }
0x21f: {  	_ =	swait.ge @!p0 [sflag:s0], s1  }
0x220: {  	s1 =	ssub.s32 @!p0 $0x0, s1;
	[sflag:s0] =	ssyncset.done @!p0 $0x0  }
0x221: {  	[sflag:s0] =	ssyncadd.s32 @!p0 s1  }
0x222: {  	[bflag:$0x3] =	sbarrier.arrive $0xFFFF  }
0x223: {  	_ =	shalt  }

</sc_bundles>
